<compile_context>
chip_gen: v7x
topology: tpu7x:2x2x1
jax: 0.10.2.dev20260603
libtpu: 0.0.44.dev20260713+nightly
codegen_flags: <defaults>
</compile_context>

<pallas_src>
import functools

import jax
import jax.numpy as jnp
from jax import lax
from jax.experimental import pallas as pl
from jax.experimental.pallas import tpu as pltpu
from jax.experimental.pallas import tpu_sc as plsc

_N_POINTS = 1000000
_N_DIM = 16
_NC = 2
_NS = 16
_NW = _NC * _NS
_LANE = 128
_NT_FULL = _N_POINTS // _LANE
_TAIL = _N_POINTS - _NT_FULL * _LANE
_TC_BT = 84
_TC_BW = _TC_BT * _LANE
_TC_NB = 40
_SC_OFF = _TC_NB * _TC_BW
_SC_T = _NT_FULL - _TC_NB * _TC_BT
_CHT = 28
_CHW = _CHT * _LANE
_NCH = _SC_T // _CHT
_CPW = -(-_NCH // _NW)
_FULL_W = _NCH - _NW * (_CPW - 1)


def _sc_body(tt_hbm, ij_hbm, partials_hbm, rows_hbm,
             idx_v, tile_i, tile_j, rows_v, buf0, buf1, acc_v,
             sem0, sem1, gsem):
  cid = lax.axis_index("c")
  sid = lax.axis_index("s")
  wid = sid * _NC + cid

  pltpu.sync_copy(ij_hbm, idx_v)
  idx = idx_v[...]
  ii = idx[0]
  jj = idx[1]
  max_base = _N_POINTS - _LANE
  base_i = pl.multiple_of(
      jnp.minimum((ii // _LANE) * _LANE, max_base), _LANE)
  base_j = pl.multiple_of(
      jnp.minimum((jj // _LANE) * _LANE, max_base), _LANE)
  pltpu.sync_copy(tt_hbm.at[:, pl.ds(base_i, _LANE)], tile_i)
  pltpu.sync_copy(tt_hbm.at[:, pl.ds(base_j, _LANE)], tile_j)
  col_i = jnp.full((_N_DIM,), ii - base_i, jnp.int32)
  col_j = jnp.full((_N_DIM,), jj - base_j, jnp.int32)
  dim_iota = lax.iota(jnp.int32, _N_DIM)
  tis = tuple(
      plsc.load_gather(tile_i, [jnp.full((_N_DIM,), d, jnp.int32), col_i])
      for d in range(_N_DIM))
  t2s = tuple(tis[d] + tis[d] for d in range(_N_DIM))
  rows_v[0, :] = plsc.load_gather(tile_i, [dim_iota, col_i])
  rows_v[1, :] = plsc.load_gather(tile_j, [dim_iota, col_j])

  bufs = (buf0, buf1)
  sems = (sem0, sem1)

  def start(c):
    g = c * _NW + wid
    if c == _CPW - 1:
      g = jnp.where(wid < _FULL_W, g, 0)
    off = pl.multiple_of(_SC_OFF + g * _CHW, _LANE)
    return pltpu.async_copy(
        tt_hbm.at[:, pl.ds(off, _CHW)], bufs[c % 2], sems[c % 2])

  def chunk_sum(buf, accs):
    @pl.loop(0, _CHW // _N_DIM, init_carry=accs)
    def accs(l, carry):
      off = l * _N_DIM
      out = []
      for d in range(_N_DIM):
        x = buf[d, pl.ds(off, _N_DIM)]
        out.append(carry[d] + jnp.exp(x * (t2s[d] - x)))
      return tuple(out)
    return accs

  zeros = tuple(jnp.zeros((_N_DIM,), jnp.float32) for _ in range(_N_DIM))
  inflight = start(0)
  accs = zeros
  for c in range(_CPW - 1):
    inflight.wait()
    nxt = start(c + 1)
    accs = chunk_sum(bufs[c % 2], accs)
    inflight = nxt
  inflight.wait()
  extra = chunk_sum(bufs[(_CPW - 1) % 2], zeros)

  zero_v = jnp.zeros((_N_DIM,), jnp.float32)
  for d in range(_N_DIM):
    k = jnp.exp(-(tis[d] * tis[d]))
    acc_v[d, :] = (accs[d] + jnp.where(wid < _FULL_W, extra[d], zero_v)) * k
  pltpu.sync_copy(acc_v, partials_hbm.at[wid])

  @pl.when(wid == 0)
  def _():
    pltpu.sync_copy(rows_v, rows_hbm)


@functools.partial(
    pl.kernel,
    out_type=(
        jax.ShapeDtypeStruct((_NW, _N_DIM, _N_DIM), jnp.float32),
        jax.ShapeDtypeStruct((2, _N_DIM), jnp.float32),
    ),
    mesh=plsc.VectorSubcoreMesh(core_axis_name="c", subcore_axis_name="s"),
    compiler_params=pltpu.CompilerParams(
        use_tc_tiling_on_sc=True, needs_layout_passes=False),
    scratch_types=(
        pltpu.VMEM((_N_DIM,), jnp.int32),
        pltpu.VMEM((_N_DIM, _LANE), jnp.float32),
        pltpu.VMEM((_N_DIM, _LANE), jnp.float32),
        pltpu.VMEM((2, _N_DIM), jnp.float32),
        pltpu.VMEM((_N_DIM, _CHW), jnp.float32),
        pltpu.VMEM((_N_DIM, _CHW), jnp.float32),
        pltpu.VMEM((_N_DIM, _N_DIM), jnp.float32),
        pltpu.SemaphoreType.DMA,
        pltpu.SemaphoreType.DMA,
        pltpu.SemaphoreType.DMA,
    ),
)
def _sc_reduce(tt_hbm, ij_hbm, partials_hbm, rows_hbm, *scratch):
  _sc_body(tt_hbm, ij_hbm, partials_hbm, rows_hbm, *scratch)


def _tc_stream(ii_ref, blk_ref, tt_ref, out_ref, tile_v, ti_v, sem):
  g = pl.program_id(0)

  @pl.when(g == 0)
  def _():
    ii = ii_ref[0]
    base = pl.multiple_of(
        jnp.minimum((ii // _LANE) * _LANE, _N_POINTS - _LANE), _LANE)
    cp = pltpu.make_async_copy(tt_ref.at[:, pl.ds(base, _LANE)], tile_v, sem)
    cp.start()
    cp.wait()
    lane = lax.broadcasted_iota(jnp.int32, (_N_DIM, _LANE), 1)
    sel = jnp.where(lane == ii - base, tile_v[...], jnp.float32(0))
    ti_v[...] = jnp.sum(sel + sel, axis=1, keepdims=True)
    out_ref[...] = jnp.zeros((_N_DIM, 1), jnp.float32)

  x = blk_ref[...]
  e = jnp.exp(x * (ti_v[...] - x))
  out_ref[...] = out_ref[...] + jnp.sum(e, axis=1, keepdims=True)


def _tc_epilogue(pij_ref, rows_ref, partials_ref, tail_ref, qtc_ref, out_ref):
  ti = rows_ref[0:1, :]
  tj = rows_ref[1:2, :]
  q_sc = jnp.sum(partials_ref[...])
  dt = tail_ref[...] - ti
  q_tail = jnp.sum(jnp.exp(-(dt * dt)))
  q_tc = jnp.sum(qtc_ref[...].reshape(1, _N_DIM) * jnp.exp(-(ti * ti)))
  q_sum = q_sc + q_tail + q_tc - jnp.float32(_N_DIM)
  d = ti - tj
  p = pij_ref[...]
  t = p * (jnp.log(p) + d * d + jnp.log(q_sum))
  out_ref[...] = jnp.sum(t).reshape(1, 1)


def kernel(pij, i, j, table):
  ij = jnp.concatenate(
      [i.astype(jnp.int32), j.astype(jnp.int32),
       jnp.zeros((_N_DIM - 2,), jnp.int32)])
  tt = table.T
  partials, rows = _sc_reduce(tt, ij)
  q_tc = pl.pallas_call(
      _tc_stream,
      grid=(_TC_NB,),
      in_specs=[
          pl.BlockSpec(memory_space=pltpu.SMEM),
          pl.BlockSpec((_N_DIM, _TC_BW), lambda g: (0, g)),
          pl.BlockSpec(memory_space=pl.ANY),
      ],
      out_specs=pl.BlockSpec((_N_DIM, 1), lambda g: (0, 0)),
      out_shape=jax.ShapeDtypeStruct((_N_DIM, 1), jnp.float32),
      scratch_shapes=[
          pltpu.VMEM((_N_DIM, _LANE), jnp.float32),
          pltpu.VMEM((_N_DIM, 1), jnp.float32),
          pltpu.SemaphoreType.DMA,
      ],
  )(i.astype(jnp.int32), tt, tt)
  tail = lax.slice(table, (_NT_FULL * _LANE, 0), (_N_POINTS, _N_DIM))
  out = pl.pallas_call(
      _tc_epilogue,
      out_shape=jax.ShapeDtypeStruct((1, 1), jnp.float32),
  )(pij.reshape(1, _N_DIM), rows, partials, tail, q_tc)
  return out[0, 0]

# --- scband reference (transcript-rebuilt; emitter-appended) ---
"""Pipeline reference for scband-tsne-85787676770383 (READ-ONLY COPY).

The authoritative reference and input builder live on the scoring server;
editing this copy changes nothing except your own understanding.
"""

import jax, jax.numpy as jnp
import numpy as np

N_POINTS = 1000000
N_DIM = 16

def setup_inputs(seed: int = 0) -> dict:
    key = jax.random.key(seed)
    k1, k2, k3, k4 = jax.random.split(key, 4)
    # pij: probabilities, must be positive to avoid log(0)
    pij = jax.random.uniform(k1, (N_DIM,), dtype=jnp.float32, minval=1e-4, maxval=1.0)
    i = jax.random.randint(k2, (1,), 0, N_POINTS, dtype=jnp.int32)
    j = jax.random.randint(k3, (1,), 0, N_POINTS, dtype=jnp.int32)
    # Embedding table (nn.Embedding default init ~ N(0,1))
    table = jax.random.normal(k4, (N_POINTS, N_DIM), dtype=jnp.float32)
    return {"pij": pij, "i": i, "j": j, "table": table}

def reference(pij, i, j, table):
    ii = i[0]
    # embd_points = logits(arange(n_points)) == full table gather
    embd_points = jnp.take(table, jnp.arange(N_POINTS), axis=0)
    # embd_points[i] with 1-element index tensor -> shape [1, n_dim]
    row_i = jnp.take(embd_points, i, axis=0)
    row_j = jnp.take(embd_points, j, axis=0)
    q_exp = jnp.exp(-(row_i - row_j) ** 2)
    t_i = row_i
    # torch.hstack((embd_points[:i], embd_points[i+1:])) removes row i
    rest_idx = jnp.arange(N_POINTS - 1, dtype=jnp.int32)
    rest_idx = rest_idx + (rest_idx >= ii).astype(jnp.int32)
    embd_rest = jnp.take(embd_points, rest_idx, axis=0)
    q_sum = jnp.sum(jnp.exp(-(embd_rest - t_i) ** 2))
    qij = q_exp / q_sum
    loss_kld = pij * jnp.log(pij / qij)
    return loss_kld.sum()

if __name__ == "__main__":
    import jax
    _d = setup_inputs()
    print(jax.jit(kernel)(*tuple(_d.values())))

</pallas_src>

<mosaic_0001>
#map = affine_map<(d0, d1) -> (0, 0)>
#map1 = affine_map<(d0, d1) -> (0)>
#map2 = affine_map<(d0, d1) -> (0, 0, 0)>
module attributes {stable_mosaic.version = 14 : i64} {
  func.func @_sc_reduce(%arg0: i32, %arg1: i32, %arg2: memref<16x1000000xf32, #tpu.memory_space<hbm>>, %arg3: memref<16xi32, #tpu.memory_space<hbm>>, %arg4: memref<32x16x16xf32, #tpu.memory_space<hbm>>, %arg5: memref<2x16xf32, #tpu.memory_space<hbm>>, %arg6: memref<16xi32, #tpu.memory_space<vmem>>, %arg7: memref<16x128xf32, #tpu.memory_space<vmem>>, %arg8: memref<16x128xf32, #tpu.memory_space<vmem>>, %arg9: memref<2x16xf32, #tpu.memory_space<vmem>>, %arg10: memref<16x3584xf32, #tpu.memory_space<vmem>>, %arg11: memref<16x3584xf32, #tpu.memory_space<vmem>>, %arg12: memref<16x16xf32, #tpu.memory_space<vmem>>, %arg13: memref<!tpu.dma_semaphore, #tpu.memory_space<semaphore_mem>>, %arg14: memref<!tpu.dma_semaphore, #tpu.memory_space<semaphore_mem>>, %arg15: memref<!tpu.dma_semaphore, #tpu.memory_space<semaphore_mem>>) attributes {dimension_semantics = [#tpu.dimension_semantics<core_parallel>, #tpu.dimension_semantics<subcore_parallel>], iteration_bounds = array<i64: 2, 16>, scalar_prefetch = 0 : i64, scratch_operands = 10 : i64, tpu.core_type = #tpu.core_type<sc_vector_subcore>, window_params = [{transform_indices = #map}, {transform_indices = #map1}, {transform_indices = #map2}, {transform_indices = #map}]} {
    %mul3A = arith.constant 2 : i32
    %mul3A_0 = arith.muli %arg1, %mul3A : i32
    %add3A = arith.addi %mul3A_0, %arg0 : i32
    "tpu.region"() ({
      %run_scoped3A = tpu.sem_alloc : memref<!tpu.dma_semaphore, #tpu.memory_space<semaphore_mem>>
      tpu.enqueue_dma source(%arg3 : memref<16xi32, #tpu.memory_space<hbm>>) target(%arg6 : memref<16xi32, #tpu.memory_space<vmem>>) target_semaphore(%run_scoped3A : memref<!tpu.dma_semaphore, #tpu.memory_space<semaphore_mem>>)
      tpu.wait_dma2 semaphore(%run_scoped3A : memref<!tpu.dma_semaphore, #tpu.memory_space<semaphore_mem>>) src(%arg3 : memref<16xi32, #tpu.memory_space<hbm>>) dst(%arg6 : memref<16xi32, #tpu.memory_space<vmem>>)
      tpu.yield
    }) : () -> ()
    %get3A = arith.constant 0 : index
    %get3A_1 = tpu.vector_load %arg6[%get3A] {strides = array<i32>} : memref<16xi32, #tpu.memory_space<vmem>>, vector<16xi32>,
    %slice3A = vector.extract_strided_slice %get3A_1 {offsets = [0], sizes = [1], strides = [1]} : vector<16xi32> to vector<1xi32>
    %squeeze3A = vector.extract %slice3A[0] : i32 from vector<1xi32>
    %slice3A_2 = vector.extract_strided_slice %get3A_1 {offsets = [1], sizes = [1], strides = [1]} : vector<16xi32> to vector<1xi32>
    %squeeze3A_3 = vector.extract %slice3A_2[0] : i32 from vector<1xi32>
    %jit3A = arith.constant 128 : i32
    %div3A = arith.divsi %squeeze3A, %jit3A : i32
    %sign3A = arith.constant 0 : i32
    %sign3A_4 = arith.cmpi sgt, %squeeze3A, %sign3A : i32
    %sign3A_5 = arith.extui %sign3A_4 : i1 to i32
    %sign3A_6 = arith.constant 0 : i32
    %sign3A_7 = arith.cmpi slt, %squeeze3A, %sign3A_6 : i32
    %sign3A_8 = arith.extui %sign3A_7 : i1 to i32
    %sign3A_9 = arith.subi %sign3A_5, %sign3A_8 : i32
    %sign3A_10 = arith.constant 0 : i32
    %sign3A_11 = arith.cmpi sgt, %jit3A, %sign3A_10 : i32
    %sign3A_12 = arith.extui %sign3A_11 : i1 to i32
    %sign3A_13 = arith.constant 0 : i32
    %sign3A_14 = arith.cmpi slt, %jit3A, %sign3A_13 : i32
    %sign3A_15 = arith.extui %sign3A_14 : i1 to i32
    %sign3A_16 = arith.subi %sign3A_12, %sign3A_15 : i32
    %ne3A = arith.cmpi ne, %sign3A_9, %sign3A_16 : i32
    %rem3A = arith.remsi %squeeze3A, %jit3A : i32
    %ne3A_17 = arith.constant 0 : i32
    %ne3A_18 = arith.cmpi ne, %rem3A, %ne3A_17 : i32
    %and3A = arith.andi %ne3A, %ne3A_18 : i1
    %sub3A = arith.constant 1 : i32
    %sub3A_19 = arith.subi %div3A, %sub3A : i32
    %select_n3A = arith.select %and3A, %sub3A_19, %div3A : i32
    %mul3A_20 = arith.constant 128 : i32
    %mul3A_21 = arith.muli %select_n3A, %mul3A_20 : i32
    %min3A = arith.constant 999872 : i32
    %min3A_22 = arith.minsi %mul3A_21, %min3A : i32
    %multiple_of3A = tpu.assume_multiple %min3A_22, 128 : i32
    %jit3A_23 = arith.constant 128 : i32
    %div3A_24 = arith.divsi %squeeze3A_3, %jit3A_23 : i32
    %sign3A_25 = arith.constant 0 : i32
    %sign3A_26 = arith.cmpi sgt, %squeeze3A_3, %sign3A_25 : i32
    %sign3A_27 = arith.extui %sign3A_26 : i1 to i32
    %sign3A_28 = arith.constant 0 : i32
    %sign3A_29 = arith.cmpi slt, %squeeze3A_3, %sign3A_28 : i32
    %sign3A_30 = arith.extui %sign3A_29 : i1 to i32
    %sign3A_31 = arith.subi %sign3A_27, %sign3A_30 : i32
    %sign3A_32 = arith.constant 0 : i32
    %sign3A_33 = arith.cmpi sgt, %jit3A_23, %sign3A_32 : i32
    %sign3A_34 = arith.extui %sign3A_33 : i1 to i32
    %sign3A_35 = arith.constant 0 : i32
    %sign3A_36 = arith.cmpi slt, %jit3A_23, %sign3A_35 : i32
    %sign3A_37 = arith.extui %sign3A_36 : i1 to i32
    %sign3A_38 = arith.subi %sign3A_34, %sign3A_37 : i32
    %ne3A_39 = arith.cmpi ne, %sign3A_31, %sign3A_38 : i32
    %rem3A_40 = arith.remsi %squeeze3A_3, %jit3A_23 : i32
    %ne3A_41 = arith.constant 0 : i32
    %ne3A_42 = arith.cmpi ne, %rem3A_40, %ne3A_41 : i32
    %and3A_43 = arith.andi %ne3A_39, %ne3A_42 : i1
    %sub3A_44 = arith.constant 1 : i32
    %sub3A_45 = arith.subi %div3A_24, %sub3A_44 : i32
    %select_n3A_46 = arith.select %and3A_43, %sub3A_45, %div3A_24 : i32
    %mul3A_47 = arith.constant 128 : i32
    %mul3A_48 = arith.muli %select_n3A_46, %mul3A_47 : i32
    %min3A_49 = arith.constant 999872 : i32
    %min3A_50 = arith.minsi %mul3A_48, %min3A_49 : i32
    %multiple_of3A_51 = tpu.assume_multiple %min3A_50, 128 : i32
    "tpu.region"() ({
      %run_scoped3A = tpu.sem_alloc : memref<!tpu.dma_semaphore, #tpu.memory_space<semaphore_mem>>
      %dma_start3A_490 = arith.constant 0 : i32
      %dma_start3A_491 = tpu.memref_slice %arg2[%dma_start3A_490, %multiple_of3A] : memref<16x1000000xf32, #tpu.memory_space<hbm>> -> memref<16x128xf32, #tpu.memory_space<hbm>>
      %dma_start3A_492 = arith.constant 0 : i32
      %dma_start3A_493 = tpu.memref_slice %arg2[%dma_start3A_492, %multiple_of3A] : memref<16x1000000xf32, #tpu.memory_space<hbm>> -> memref<16x128xf32, #tpu.memory_space<hbm>>
      tpu.enqueue_dma source(%dma_start3A_493 : memref<16x128xf32, #tpu.memory_space<hbm>>) target(%arg7 : memref<16x128xf32, #tpu.memory_space<vmem>>) target_semaphore(%run_scoped3A : memref<!tpu.dma_semaphore, #tpu.memory_space<semaphore_mem>>)
      %dma_wait3A_494 = arith.constant 0 : i32
      %dma_wait3A_495 = tpu.memref_slice %arg2[%dma_wait3A_494, %multiple_of3A] : memref<16x1000000xf32, #tpu.memory_space<hbm>> -> memref<16x128xf32, #tpu.memory_space<hbm>>
      %dma_wait3A_496 = arith.constant 0 : i32
      %dma_wait3A_497 = tpu.memref_slice %arg2[%dma_wait3A_496, %multiple_of3A] : memref<16x1000000xf32, #tpu.memory_space<hbm>> -> memref<16x128xf32, #tpu.memory_space<hbm>>
      tpu.wait_dma2 semaphore(%run_scoped3A : memref<!tpu.dma_semaphore, #tpu.memory_space<semaphore_mem>>) src(%dma_wait3A_497 : memref<16x128xf32, #tpu.memory_space<hbm>>) dst(%arg7 : memref<16x128xf32, #tpu.memory_space<vmem>>)
      tpu.yield
    }) : () -> ()
    "tpu.region"() ({
      %run_scoped3A = tpu.sem_alloc : memref<!tpu.dma_semaphore, #tpu.memory_space<semaphore_mem>>
      %dma_start3A_490 = arith.constant 0 : i32
      %dma_start3A_491 = tpu.memref_slice %arg2[%dma_start3A_490, %multiple_of3A_51] : memref<16x1000000xf32, #tpu.memory_space<hbm>> -> memref<16x128xf32, #tpu.memory_space<hbm>>
      %dma_start3A_492 = arith.constant 0 : i32
      %dma_start3A_493 = tpu.memref_slice %arg2[%dma_start3A_492, %multiple_of3A_51] : memref<16x1000000xf32, #tpu.memory_space<hbm>> -> memref<16x128xf32, #tpu.memory_space<hbm>>
      tpu.enqueue_dma source(%dma_start3A_493 : memref<16x128xf32, #tpu.memory_space<hbm>>) target(%arg8 : memref<16x128xf32, #tpu.memory_space<vmem>>) target_semaphore(%run_scoped3A : memref<!tpu.dma_semaphore, #tpu.memory_space<semaphore_mem>>)
      %dma_wait3A_494 = arith.constant 0 : i32
      %dma_wait3A_495 = tpu.memref_slice %arg2[%dma_wait3A_494, %multiple_of3A_51] : memref<16x1000000xf32, #tpu.memory_space<hbm>> -> memref<16x128xf32, #tpu.memory_space<hbm>>
      %dma_wait3A_496 = arith.constant 0 : i32
      %dma_wait3A_497 = tpu.memref_slice %arg2[%dma_wait3A_496, %multiple_of3A_51] : memref<16x1000000xf32, #tpu.memory_space<hbm>> -> memref<16x128xf32, #tpu.memory_space<hbm>>
      tpu.wait_dma2 semaphore(%run_scoped3A : memref<!tpu.dma_semaphore, #tpu.memory_space<semaphore_mem>>) src(%dma_wait3A_497 : memref<16x128xf32, #tpu.memory_space<hbm>>) dst(%arg8 : memref<16x128xf32, #tpu.memory_space<vmem>>)
      tpu.yield
    }) : () -> ()
    %sub3A_52 = arith.subi %squeeze3A, %multiple_of3A : i32
    %broadcast_in_dim3A = vector.broadcast %sub3A_52 : i32 to vector<16xi32>
    %sub3A_53 = arith.subi %squeeze3A_3, %multiple_of3A_51 : i32
    %broadcast_in_dim3A_54 = vector.broadcast %sub3A_53 : i32 to vector<16xi32>
    %iota3A = tpu.iota {dimensions = array<i32: 0>} : vector<16xi32>
    %broadcast_in_dim3A_55 = arith.constant 0 : i32
    %broadcast_in_dim3A_56 = vector.broadcast %broadcast_in_dim3A_55 : i32 to vector<16xi32>
    %gather3A = tpu.vector_load_idx %arg7[%broadcast_in_dim3A_56, %broadcast_in_dim3A] : memref<16x128xf32, #tpu.memory_space<vmem>>[vector<16xi32>, vector<16xi32>], vector<16xf32>,
    %broadcast_in_dim3A_57 = arith.constant 1 : i32
    %broadcast_in_dim3A_58 = vector.broadcast %broadcast_in_dim3A_57 : i32 to vector<16xi32>
    %gather3A_59 = tpu.vector_load_idx %arg7[%broadcast_in_dim3A_58, %broadcast_in_dim3A] : memref<16x128xf32, #tpu.memory_space<vmem>>[vector<16xi32>, vector<16xi32>], vector<16xf32>,
    %broadcast_in_dim3A_60 = arith.constant 2 : i32
    %broadcast_in_dim3A_61 = vector.broadcast %broadcast_in_dim3A_60 : i32 to vector<16xi32>
    %gather3A_62 = tpu.vector_load_idx %arg7[%broadcast_in_dim3A_61, %broadcast_in_dim3A] : memref<16x128xf32, #tpu.memory_space<vmem>>[vector<16xi32>, vector<16xi32>], vector<16xf32>,
    %broadcast_in_dim3A_63 = arith.constant 3 : i32
    %broadcast_in_dim3A_64 = vector.broadcast %broadcast_in_dim3A_63 : i32 to vector<16xi32>
    %gather3A_65 = tpu.vector_load_idx %arg7[%broadcast_in_dim3A_64, %broadcast_in_dim3A] : memref<16x128xf32, #tpu.memory_space<vmem>>[vector<16xi32>, vector<16xi32>], vector<16xf32>,
    %broadcast_in_dim3A_66 = arith.constant 4 : i32
    %broadcast_in_dim3A_67 = vector.broadcast %broadcast_in_dim3A_66 : i32 to vector<16xi32>
    %gather3A_68 = tpu.vector_load_idx %arg7[%broadcast_in_dim3A_67, %broadcast_in_dim3A] : memref<16x128xf32, #tpu.memory_space<vmem>>[vector<16xi32>, vector<16xi32>], vector<16xf32>,
    %broadcast_in_dim3A_69 = arith.constant 5 : i32
    %broadcast_in_dim3A_70 = vector.broadcast %broadcast_in_dim3A_69 : i32 to vector<16xi32>
    %gather3A_71 = tpu.vector_load_idx %arg7[%broadcast_in_dim3A_70, %broadcast_in_dim3A] : memref<16x128xf32, #tpu.memory_space<vmem>>[vector<16xi32>, vector<16xi32>], vector<16xf32>,
    %broadcast_in_dim3A_72 = arith.constant 6 : i32
    %broadcast_in_dim3A_73 = vector.broadcast %broadcast_in_dim3A_72 : i32 to vector<16xi32>
    %gather3A_74 = tpu.vector_load_idx %arg7[%broadcast_in_dim3A_73, %broadcast_in_dim3A] : memref<16x128xf32, #tpu.memory_space<vmem>>[vector<16xi32>, vector<16xi32>], vector<16xf32>,
    %broadcast_in_dim3A_75 = arith.constant 7 : i32
    %broadcast_in_dim3A_76 = vector.broadcast %broadcast_in_dim3A_75 : i32 to vector<16xi32>
    %gather3A_77 = tpu.vector_load_idx %arg7[%broadcast_in_dim3A_76, %broadcast_in_dim3A] : memref<16x128xf32, #tpu.memory_space<vmem>>[vector<16xi32>, vector<16xi32>], vector<16xf32>,
    %broadcast_in_dim3A_78 = arith.constant 8 : i32
    %broadcast_in_dim3A_79 = vector.broadcast %broadcast_in_dim3A_78 : i32 to vector<16xi32>
    %gather3A_80 = tpu.vector_load_idx %arg7[%broadcast_in_dim3A_79, %broadcast_in_dim3A] : memref<16x128xf32, #tpu.memory_space<vmem>>[vector<16xi32>, vector<16xi32>], vector<16xf32>,
    %broadcast_in_dim3A_81 = arith.constant 9 : i32
    %broadcast_in_dim3A_82 = vector.broadcast %broadcast_in_dim3A_81 : i32 to vector<16xi32>
    %gather3A_83 = tpu.vector_load_idx %arg7[%broadcast_in_dim3A_82, %broadcast_in_dim3A] : memref<16x128xf32, #tpu.memory_space<vmem>>[vector<16xi32>, vector<16xi32>], vector<16xf32>,
    %broadcast_in_dim3A_84 = arith.constant 10 : i32
    %broadcast_in_dim3A_85 = vector.broadcast %broadcast_in_dim3A_84 : i32 to vector<16xi32>
    %gather3A_86 = tpu.vector_load_idx %arg7[%broadcast_in_dim3A_85, %broadcast_in_dim3A] : memref<16x128xf32, #tpu.memory_space<vmem>>[vector<16xi32>, vector<16xi32>], vector<16xf32>,
    %broadcast_in_dim3A_87 = arith.constant 11 : i32
    %broadcast_in_dim3A_88 = vector.broadcast %broadcast_in_dim3A_87 : i32 to vector<16xi32>
    %gather3A_89 = tpu.vector_load_idx %arg7[%broadcast_in_dim3A_88, %broadcast_in_dim3A] : memref<16x128xf32, #tpu.memory_space<vmem>>[vector<16xi32>, vector<16xi32>], vector<16xf32>,
    %broadcast_in_dim3A_90 = arith.constant 12 : i32
    %broadcast_in_dim3A_91 = vector.broadcast %broadcast_in_dim3A_90 : i32 to vector<16xi32>
    %gather3A_92 = tpu.vector_load_idx %arg7[%broadcast_in_dim3A_91, %broadcast_in_dim3A] : memref<16x128xf32, #tpu.memory_space<vmem>>[vector<16xi32>, vector<16xi32>], vector<16xf32>,
    %broadcast_in_dim3A_93 = arith.constant 13 : i32
    %broadcast_in_dim3A_94 = vector.broadcast %broadcast_in_dim3A_93 : i32 to vector<16xi32>
    %gather3A_95 = tpu.vector_load_idx %arg7[%broadcast_in_dim3A_94, %broadcast_in_dim3A] : memref<16x128xf32, #tpu.memory_space<vmem>>[vector<16xi32>, vector<16xi32>], vector<16xf32>,
    %broadcast_in_dim3A_96 = arith.constant 14 : i32
    %broadcast_in_dim3A_97 = vector.broadcast %broadcast_in_dim3A_96 : i32 to vector<16xi32>
    %gather3A_98 = tpu.vector_load_idx %arg7[%broadcast_in_dim3A_97, %broadcast_in_dim3A] : memref<16x128xf32, #tpu.memory_space<vmem>>[vector<16xi32>, vector<16xi32>], vector<16xf32>,
    %broadcast_in_dim3A_99 = arith.constant 15 : i32
    %broadcast_in_dim3A_100 = vector.broadcast %broadcast_in_dim3A_99 : i32 to vector<16xi32>
    %gather3A_101 = tpu.vector_load_idx %arg7[%broadcast_in_dim3A_100, %broadcast_in_dim3A] : memref<16x128xf32, #tpu.memory_space<vmem>>[vector<16xi32>, vector<16xi32>], vector<16xf32>,
    %add3A_102 = arith.addf %gather3A, %gather3A : vector<16xf32>
    %add3A_103 = arith.addf %gather3A_59, %gather3A_59 : vector<16xf32>
    %add3A_104 = arith.addf %gather3A_62, %gather3A_62 : vector<16xf32>
    %add3A_105 = arith.addf %gather3A_65, %gather3A_65 : vector<16xf32>
    %add3A_106 = arith.addf %gather3A_68, %gather3A_68 : vector<16xf32>
    %add3A_107 = arith.addf %gather3A_71, %gather3A_71 : vector<16xf32>
    %add3A_108 = arith.addf %gather3A_74, %gather3A_74 : vector<16xf32>
    %add3A_109 = arith.addf %gather3A_77, %gather3A_77 : vector<16xf32>
    %add3A_110 = arith.addf %gather3A_80, %gather3A_80 : vector<16xf32>
    %add3A_111 = arith.addf %gather3A_83, %gather3A_83 : vector<16xf32>
    %add3A_112 = arith.addf %gather3A_86, %gather3A_86 : vector<16xf32>
    %add3A_113 = arith.addf %gather3A_89, %gather3A_89 : vector<16xf32>
    %add3A_114 = arith.addf %gather3A_92, %gather3A_92 : vector<16xf32>
    %add3A_115 = arith.addf %gather3A_95, %gather3A_95 : vector<16xf32>
    %add3A_116 = arith.addf %gather3A_98, %gather3A_98 : vector<16xf32>
    %add3A_117 = arith.addf %gather3A_101, %gather3A_101 : vector<16xf32>
    %gather3A_118 = tpu.vector_load_idx %arg7[%iota3A, %broadcast_in_dim3A] : memref<16x128xf32, #tpu.memory_space<vmem>>[vector<16xi32>, vector<16xi32>], vector<16xf32>,
    %swap3A = arith.constant 0 : i32
    %swap3A_119 = arith.index_cast %swap3A : i32 to index
    %swap3A_120 = arith.constant 0 : index
    %swap3A_121 = tpu.vector_load %arg9[%swap3A_119, %swap3A_120] {strides = array<i32>} : memref<2x16xf32, #tpu.memory_space<vmem>>, vector<16xf32>,
    tpu.vector_store %arg9[%swap3A_119, %swap3A_120], %gather3A_118 {strides = array<i32>} : memref<2x16xf32, #tpu.memory_space<vmem>>, vector<16xf32>,
    %gather3A_122 = tpu.vector_load_idx %arg8[%iota3A, %broadcast_in_dim3A_54] : memref<16x128xf32, #tpu.memory_space<vmem>>[vector<16xi32>, vector<16xi32>], vector<16xf32>,
    %swap3A_123 = arith.constant 1 : i32
    %swap3A_124 = arith.index_cast %swap3A_123 : i32 to index
    %swap3A_125 = arith.constant 0 : index
    %swap3A_126 = tpu.vector_load %arg9[%swap3A_124, %swap3A_125] {strides = array<i32>} : memref<2x16xf32, #tpu.memory_space<vmem>>, vector<16xf32>,
    tpu.vector_store %arg9[%swap3A_124, %swap3A_125], %gather3A_122 {strides = array<i32>} : memref<2x16xf32, #tpu.memory_space<vmem>>, vector<16xf32>,
    %broadcast_in_dim3A_127 = arith.constant 0.000000e+00 : f32
    %broadcast_in_dim3A_128 = vector.broadcast %broadcast_in_dim3A_127 : f32 to vector<16xf32>
    %broadcast_in_dim3A_129 = arith.constant 0.000000e+00 : f32
    %broadcast_in_dim3A_130 = vector.broadcast %broadcast_in_dim3A_129 : f32 to vector<16xf32>
    %broadcast_in_dim3A_131 = arith.constant 0.000000e+00 : f32
    %broadcast_in_dim3A_132 = vector.broadcast %broadcast_in_dim3A_131 : f32 to vector<16xf32>
    %broadcast_in_dim3A_133 = arith.constant 0.000000e+00 : f32
    %broadcast_in_dim3A_134 = vector.broadcast %broadcast_in_dim3A_133 : f32 to vector<16xf32>
    %broadcast_in_dim3A_135 = arith.constant 0.000000e+00 : f32
    %broadcast_in_dim3A_136 = vector.broadcast %broadcast_in_dim3A_135 : f32 to vector<16xf32>
    %broadcast_in_dim3A_137 = arith.constant 0.000000e+00 : f32
    %broadcast_in_dim3A_138 = vector.broadcast %broadcast_in_dim3A_137 : f32 to vector<16xf32>
    %broadcast_in_dim3A_139 = arith.constant 0.000000e+00 : f32
    %broadcast_in_dim3A_140 = vector.broadcast %broadcast_in_dim3A_139 : f32 to vector<16xf32>
    %broadcast_in_dim3A_141 = arith.constant 0.000000e+00 : f32
    %broadcast_in_dim3A_142 = vector.broadcast %broadcast_in_dim3A_141 : f32 to vector<16xf32>
    %broadcast_in_dim3A_143 = arith.constant 0.000000e+00 : f32
    %broadcast_in_dim3A_144 = vector.broadcast %broadcast_in_dim3A_143 : f32 to vector<16xf32>
    %broadcast_in_dim3A_145 = arith.constant 0.000000e+00 : f32
    %broadcast_in_dim3A_146 = vector.broadcast %broadcast_in_dim3A_145 : f32 to vector<16xf32>
    %broadcast_in_dim3A_147 = arith.constant 0.000000e+00 : f32
    %broadcast_in_dim3A_148 = vector.broadcast %broadcast_in_dim3A_147 : f32 to vector<16xf32>
    %broadcast_in_dim3A_149 = arith.constant 0.000000e+00 : f32
    %broadcast_in_dim3A_150 = vector.broadcast %broadcast_in_dim3A_149 : f32 to vector<16xf32>
    %broadcast_in_dim3A_151 = arith.constant 0.000000e+00 : f32
    %broadcast_in_dim3A_152 = vector.broadcast %broadcast_in_dim3A_151 : f32 to vector<16xf32>
    %broadcast_in_dim3A_153 = arith.constant 0.000000e+00 : f32
    %broadcast_in_dim3A_154 = vector.broadcast %broadcast_in_dim3A_153 : f32 to vector<16xf32>
    %broadcast_in_dim3A_155 = arith.constant 0.000000e+00 : f32
    %broadcast_in_dim3A_156 = vector.broadcast %broadcast_in_dim3A_155 : f32 to vector<16xf32>
    %broadcast_in_dim3A_157 = arith.constant 0.000000e+00 : f32
    %broadcast_in_dim3A_158 = vector.broadcast %broadcast_in_dim3A_157 : f32 to vector<16xf32>
    %add3A_159 = arith.constant 0 : i32
    %add3A_160 = arith.addi %add3A_159, %add3A : i32
    %mul3A_161 = arith.constant 3584 : i32
    %mul3A_162 = arith.muli %add3A_160, %mul3A_161 : i32
    %add3A_163 = arith.constant 430080 : i32
    %add3A_164 = arith.addi %add3A_163, %mul3A_162 : i32
    %multiple_of3A_165 = tpu.assume_multiple %add3A_164, 128 : i32
    %dma_start3A = arith.constant 0 : i32
    %dma_start3A_166 = tpu.memref_slice %arg2[%dma_start3A, %multiple_of3A_165] : memref<16x1000000xf32, #tpu.memory_space<hbm>> -> memref<16x3584xf32, #tpu.memory_space<hbm>>
    %dma_start3A_167 = arith.constant 0 : i32
    %dma_start3A_168 = tpu.memref_slice %arg2[%dma_start3A_167, %multiple_of3A_165] : memref<16x1000000xf32, #tpu.memory_space<hbm>> -> memref<16x3584xf32, #tpu.memory_space<hbm>>
    tpu.enqueue_dma source(%dma_start3A_168 : memref<16x3584xf32, #tpu.memory_space<hbm>>) target(%arg10 : memref<16x3584xf32, #tpu.memory_space<vmem>>) target_semaphore(%arg13 : memref<!tpu.dma_semaphore, #tpu.memory_space<semaphore_mem>>)
    %dma_wait3A = arith.constant 0 : i32
    %dma_wait3A_169 = tpu.memref_slice %arg2[%dma_wait3A, %multiple_of3A_165] : memref<16x1000000xf32, #tpu.memory_space<hbm>> -> memref<16x3584xf32, #tpu.memory_space<hbm>>
    %dma_wait3A_170 = arith.constant 0 : i32
    %dma_wait3A_171 = tpu.memref_slice %arg2[%dma_wait3A_170, %multiple_of3A_165] : memref<16x1000000xf32, #tpu.memory_space<hbm>> -> memref<16x3584xf32, #tpu.memory_space<hbm>>
    tpu.wait_dma2 semaphore(%arg13 : memref<!tpu.dma_semaphore, #tpu.memory_space<semaphore_mem>>) src(%dma_wait3A_171 : memref<16x3584xf32, #tpu.memory_space<hbm>>) dst(%arg10 : memref<16x3584xf32, #tpu.memory_space<vmem>>)
    %add3A_172 = arith.constant 32 : i32
    %add3A_173 = arith.addi %add3A_172, %add3A : i32
    %mul3A_174 = arith.constant 3584 : i32
    %mul3A_175 = arith.muli %add3A_173, %mul3A_174 : i32
    %add3A_176 = arith.constant 430080 : i32
    %add3A_177 = arith.addi %add3A_176, %mul3A_175 : i32
    %multiple_of3A_178 = tpu.assume_multiple %add3A_177, 128 : i32
    %dma_start3A_179 = arith.constant 0 : i32
    %dma_start3A_180 = tpu.memref_slice %arg2[%dma_start3A_179, %multiple_of3A_178] : memref<16x1000000xf32, #tpu.memory_space<hbm>> -> memref<16x3584xf32, #tpu.memory_space<hbm>>
    %dma_start3A_181 = arith.constant 0 : i32
    %dma_start3A_182 = tpu.memref_slice %arg2[%dma_start3A_181, %multiple_of3A_178] : memref<16x1000000xf32, #tpu.memory_space<hbm>> -> memref<16x3584xf32, #tpu.memory_space<hbm>>
    tpu.enqueue_dma source(%dma_start3A_182 : memref<16x3584xf32, #tpu.memory_space<hbm>>) target(%arg11 : memref<16x3584xf32, #tpu.memory_space<vmem>>) target_semaphore(%arg14 : memref<!tpu.dma_semaphore, #tpu.memory_space<semaphore_mem>>)
    %scan3A = arith.constant 0 : i32
    %scan3A_183 = arith.constant 224 : i32
    %scan3A_184 = arith.addi %scan3A, %scan3A_183 : i32
    %scan3A_185 = arith.constant 1 : i32
    %scan3A_186:16 = scf.for %scan3A_490 = %scan3A to %scan3A_184 step %scan3A_185 iter_args(%scan3A_491 = %broadcast_in_dim3A_128, %scan3A_492 = %broadcast_in_dim3A_130, %scan3A_493 = %broadcast_in_dim3A_132, %scan3A_494 = %broadcast_in_dim3A_134, %scan3A_495 = %broadcast_in_dim3A_136, %scan3A_496 = %broadcast_in_dim3A_138, %scan3A_497 = %broadcast_in_dim3A_140, %scan3A_498 = %broadcast_in_dim3A_142, %scan3A_499 = %broadcast_in_dim3A_144, %scan3A_500 = %broadcast_in_dim3A_146, %scan3A_501 = %broadcast_in_dim3A_148, %scan3A_502 = %broadcast_in_dim3A_150, %scan3A_503 = %broadcast_in_dim3A_152, %scan3A_504 = %broadcast_in_dim3A_154, %scan3A_505 = %broadcast_in_dim3A_156, %scan3A_506 = %broadcast_in_dim3A_158) -> (vector<16xf32>, vector<16xf32>, vector<16xf32>, vector<16xf32>, vector<16xf32>, vector<16xf32>, vector<16xf32>, vector<16xf32>, vector<16xf32>, vector<16xf32>, vector<16xf32>, vector<16xf32>, vector<16xf32>, vector<16xf32>, vector<16xf32>, vector<16xf32>)  : i32 {
      %mul3A_507 = arith.constant 1 : i32
      %mul3A_508 = arith.muli %scan3A_490, %mul3A_507 : i32
      %add3A_509 = arith.constant 0 : i32
      %add3A_510 = arith.addi %add3A_509, %mul3A_508 : i32
      %mul3A_511 = arith.constant 16 : i32
      %mul3A_512 = arith.muli %add3A_510, %mul3A_511 : i32
      %get3A_513 = arith.constant 0 : i32
      %get3A_514 = arith.index_cast %get3A_513 : i32 to index
      %get3A_515 = arith.index_cast %mul3A_512 : i32 to index
      %get3A_516 = tpu.vector_load %arg10[%get3A_514, %get3A_515] {strides = array<i32>} : memref<16x3584xf32, #tpu.memory_space<vmem>>, vector<16xf32>,
      %sub3A_517 = arith.subf %add3A_102, %get3A_516 : vector<16xf32>
      %mul3A_518 = arith.mulf %get3A_516, %sub3A_517 : vector<16xf32>
      %exp3A_519 = math.exp %mul3A_518 : vector<16xf32>
      %add3A_520 = arith.addf %scan3A_491, %exp3A_519 : vector<16xf32>
      %get3A_521 = arith.constant 1 : i32
      %get3A_522 = arith.index_cast %get3A_521 : i32 to index
      %get3A_523 = arith.index_cast %mul3A_512 : i32 to index
      %get3A_524 = tpu.vector_load %arg10[%get3A_522, %get3A_523] {strides = array<i32>} : memref<16x3584xf32, #tpu.memory_space<vmem>>, vector<16xf32>,
      %sub3A_525 = arith.subf %add3A_103, %get3A_524 : vector<16xf32>
      %mul3A_526 = arith.mulf %get3A_524, %sub3A_525 : vector<16xf32>
      %exp3A_527 = math.exp %mul3A_526 : vector<16xf32>
      %add3A_528 = arith.addf %scan3A_492, %exp3A_527 : vector<16xf32>
      %get3A_529 = arith.constant 2 : i32
      %get3A_530 = arith.index_cast %get3A_529 : i32 to index
      %get3A_531 = arith.index_cast %mul3A_512 : i32 to index
      %get3A_532 = tpu.vector_load %arg10[%get3A_530, %get3A_531] {strides = array<i32>} : memref<16x3584xf32, #tpu.memory_space<vmem>>, vector<16xf32>,
      %sub3A_533 = arith.subf %add3A_104, %get3A_532 : vector<16xf32>
      %mul3A_534 = arith.mulf %get3A_532, %sub3A_533 : vector<16xf32>
      %exp3A_535 = math.exp %mul3A_534 : vector<16xf32>
      %add3A_536 = arith.addf %scan3A_493, %exp3A_535 : vector<16xf32>
      %get3A_537 = arith.constant 3 : i32
      %get3A_538 = arith.index_cast %get3A_537 : i32 to index
      %get3A_539 = arith.index_cast %mul3A_512 : i32 to index
      %get3A_540 = tpu.vector_load %arg10[%get3A_538, %get3A_539] {strides = array<i32>} : memref<16x3584xf32, #tpu.memory_space<vmem>>, vector<16xf32>,
      %sub3A_541 = arith.subf %add3A_105, %get3A_540 : vector<16xf32>
      %mul3A_542 = arith.mulf %get3A_540, %sub3A_541 : vector<16xf32>
      %exp3A_543 = math.exp %mul3A_542 : vector<16xf32>
      %add3A_544 = arith.addf %scan3A_494, %exp3A_543 : vector<16xf32>
      %get3A_545 = arith.constant 4 : i32
      %get3A_546 = arith.index_cast %get3A_545 : i32 to index
      %get3A_547 = arith.index_cast %mul3A_512 : i32 to index
      %get3A_548 = tpu.vector_load %arg10[%get3A_546, %get3A_547] {strides = array<i32>} : memref<16x3584xf32, #tpu.memory_space<vmem>>, vector<16xf32>,
      %sub3A_549 = arith.subf %add3A_106, %get3A_548 : vector<16xf32>
      %mul3A_550 = arith.mulf %get3A_548, %sub3A_549 : vector<16xf32>
      %exp3A_551 = math.exp %mul3A_550 : vector<16xf32>
      %add3A_552 = arith.addf %scan3A_495, %exp3A_551 : vector<16xf32>
      %get3A_553 = arith.constant 5 : i32
      %get3A_554 = arith.index_cast %get3A_553 : i32 to index
      %get3A_555 = arith.index_cast %mul3A_512 : i32 to index
      %get3A_556 = tpu.vector_load %arg10[%get3A_554, %get3A_555] {strides = array<i32>} : memref<16x3584xf32, #tpu.memory_space<vmem>>, vector<16xf32>,
      %sub3A_557 = arith.subf %add3A_107, %get3A_556 : vector<16xf32>
      %mul3A_558 = arith.mulf %get3A_556, %sub3A_557 : vector<16xf32>
      %exp3A_559 = math.exp %mul3A_558 : vector<16xf32>
      %add3A_560 = arith.addf %scan3A_496, %exp3A_559 : vector<16xf32>
      %get3A_561 = arith.constant 6 : i32
      %get3A_562 = arith.index_cast %get3A_561 : i32 to index
      %get3A_563 = arith.index_cast %mul3A_512 : i32 to index
      %get3A_564 = tpu.vector_load %arg10[%get3A_562, %get3A_563] {strides = array<i32>} : memref<16x3584xf32, #tpu.memory_space<vmem>>, vector<16xf32>,
      %sub3A_565 = arith.subf %add3A_108, %get3A_564 : vector<16xf32>
      %mul3A_566 = arith.mulf %get3A_564, %sub3A_565 : vector<16xf32>
      %exp3A_567 = math.exp %mul3A_566 : vector<16xf32>
      %add3A_568 = arith.addf %scan3A_497, %exp3A_567 : vector<16xf32>
      %get3A_569 = arith.constant 7 : i32
      %get3A_570 = arith.index_cast %get3A_569 : i32 to index
      %get3A_571 = arith.index_cast %mul3A_512 : i32 to index
      %get3A_572 = tpu.vector_load %arg10[%get3A_570, %get3A_571] {strides = array<i32>} : memref<16x3584xf32, #tpu.memory_space<vmem>>, vector<16xf32>,
      %sub3A_573 = arith.subf %add3A_109, %get3A_572 : vector<16xf32>
      %mul3A_574 = arith.mulf %get3A_572, %sub3A_573 : vector<16xf32>
      %exp3A_575 = math.exp %mul3A_574 : vector<16xf32>
      %add3A_576 = arith.addf %scan3A_498, %exp3A_575 : vector<16xf32>
      %get3A_577 = arith.constant 8 : i32
      %get3A_578 = arith.index_cast %get3A_577 : i32 to index
      %get3A_579 = arith.index_cast %mul3A_512 : i32 to index
      %get3A_580 = tpu.vector_load %arg10[%get3A_578, %get3A_579] {strides = array<i32>} : memref<16x3584xf32, #tpu.memory_space<vmem>>, vector<16xf32>,
      %sub3A_581 = arith.subf %add3A_110, %get3A_580 : vector<16xf32>
      %mul3A_582 = arith.mulf %get3A_580, %sub3A_581 : vector<16xf32>
      %exp3A_583 = math.exp %mul3A_582 : vector<16xf32>
      %add3A_584 = arith.addf %scan3A_499, %exp3A_583 : vector<16xf32>
      %get3A_585 = arith.constant 9 : i32
      %get3A_586 = arith.index_cast %get3A_585 : i32 to index
      %get3A_587 = arith.index_cast %mul3A_512 : i32 to index
      %get3A_588 = tpu.vector_load %arg10[%get3A_586, %get3A_587] {strides = array<i32>} : memref<16x3584xf32, #tpu.memory_space<vmem>>, vector<16xf32>,
      %sub3A_589 = arith.subf %add3A_111, %get3A_588 : vector<16xf32>
      %mul3A_590 = arith.mulf %get3A_588, %sub3A_589 : vector<16xf32>
      %exp3A_591 = math.exp %mul3A_590 : vector<16xf32>
      %add3A_592 = arith.addf %scan3A_500, %exp3A_591 : vector<16xf32>
      %get3A_593 = arith.constant 10 : i32
      %get3A_594 = arith.index_cast %get3A_593 : i32 to index
      %get3A_595 = arith.index_cast %mul3A_512 : i32 to index
      %get3A_596 = tpu.vector_load %arg10[%get3A_594, %get3A_595] {strides = array<i32>} : memref<16x3584xf32, #tpu.memory_space<vmem>>, vector<16xf32>,
      %sub3A_597 = arith.subf %add3A_112, %get3A_596 : vector<16xf32>
      %mul3A_598 = arith.mulf %get3A_596, %sub3A_597 : vector<16xf32>
      %exp3A_599 = math.exp %mul3A_598 : vector<16xf32>
      %add3A_600 = arith.addf %scan3A_501, %exp3A_599 : vector<16xf32>
      %get3A_601 = arith.constant 11 : i32
      %get3A_602 = arith.index_cast %get3A_601 : i32 to index
      %get3A_603 = arith.index_cast %mul3A_512 : i32 to index
      %get3A_604 = tpu.vector_load %arg10[%get3A_602, %get3A_603] {strides = array<i32>} : memref<16x3584xf32, #tpu.memory_space<vmem>>, vector<16xf32>,
      %sub3A_605 = arith.subf %add3A_113, %get3A_604 : vector<16xf32>
      %mul3A_606 = arith.mulf %get3A_604, %sub3A_605 : vector<16xf32>
      %exp3A_607 = math.exp %mul3A_606 : vector<16xf32>
      %add3A_608 = arith.addf %scan3A_502, %exp3A_607 : vector<16xf32>
      %get3A_609 = arith.constant 12 : i32
      %get3A_610 = arith.index_cast %get3A_609 : i32 to index
      %get3A_611 = arith.index_cast %mul3A_512 : i32 to index
      %get3A_612 = tpu.vector_load %arg10[%get3A_610, %get3A_611] {strides = array<i32>} : memref<16x3584xf32, #tpu.memory_space<vmem>>, vector<16xf32>,
      %sub3A_613 = arith.subf %add3A_114, %get3A_612 : vector<16xf32>
      %mul3A_614 = arith.mulf %get3A_612, %sub3A_613 : vector<16xf32>
      %exp3A_615 = math.exp %mul3A_614 : vector<16xf32>
      %add3A_616 = arith.addf %scan3A_503, %exp3A_615 : vector<16xf32>
      %get3A_617 = arith.constant 13 : i32
      %get3A_618 = arith.index_cast %get3A_617 : i32 to index
      %get3A_619 = arith.index_cast %mul3A_512 : i32 to index
      %get3A_620 = tpu.vector_load %arg10[%get3A_618, %get3A_619] {strides = array<i32>} : memref<16x3584xf32, #tpu.memory_space<vmem>>, vector<16xf32>,
      %sub3A_621 = arith.subf %add3A_115, %get3A_620 : vector<16xf32>
      %mul3A_622 = arith.mulf %get3A_620, %sub3A_621 : vector<16xf32>
      %exp3A_623 = math.exp %mul3A_622 : vector<16xf32>
      %add3A_624 = arith.addf %scan3A_504, %exp3A_623 : vector<16xf32>
      %get3A_625 = arith.constant 14 : i32
      %get3A_626 = arith.index_cast %get3A_625 : i32 to index
      %get3A_627 = arith.index_cast %mul3A_512 : i32 to index
      %get3A_628 = tpu.vector_load %arg10[%get3A_626, %get3A_627] {strides = array<i32>} : memref<16x3584xf32, #tpu.memory_space<vmem>>, vector<16xf32>,
      %sub3A_629 = arith.subf %add3A_116, %get3A_628 : vector<16xf32>
      %mul3A_630 = arith.mulf %get3A_628, %sub3A_629 : vector<16xf32>
      %exp3A_631 = math.exp %mul3A_630 : vector<16xf32>
      %add3A_632 = arith.addf %scan3A_505, %exp3A_631 : vector<16xf32>
      %get3A_633 = arith.constant 15 : i32
      %get3A_634 = arith.index_cast %get3A_633 : i32 to index
      %get3A_635 = arith.index_cast %mul3A_512 : i32 to index
      %get3A_636 = tpu.vector_load %arg10[%get3A_634, %get3A_635] {strides = array<i32>} : memref<16x3584xf32, #tpu.memory_space<vmem>>, vector<16xf32>,
      %sub3A_637 = arith.subf %add3A_117, %get3A_636 : vector<16xf32>
      %mul3A_638 = arith.mulf %get3A_636, %sub3A_637 : vector<16xf32>
      %exp3A_639 = math.exp %mul3A_638 : vector<16xf32>
      %add3A_640 = arith.addf %scan3A_506, %exp3A_639 : vector<16xf32>
      scf.yield %add3A_520, %add3A_528, %add3A_536, %add3A_544, %add3A_552, %add3A_560, %add3A_568, %add3A_576, %add3A_584, %add3A_592, %add3A_600, %add3A_608, %add3A_616, %add3A_624, %add3A_632, %add3A_640 : vector<16xf32>, vector<16xf32>, vector<16xf32>, vector<16xf32>, vector<16xf32>, vector<16xf32>, vector<16xf32>, vector<16xf32>, vector<16xf32>, vector<16xf32>, vector<16xf32>, vector<16xf32>, vector<16xf32>, vector<16xf32>, vector<16xf32>, vector<16xf32>
    }
    %scan3A_187 = arith.constant 224 : i32
    %dma_wait3A_188 = arith.constant 0 : i32
    %dma_wait3A_189 = tpu.memref_slice %arg2[%dma_wait3A_188, %multiple_of3A_178] : memref<16x1000000xf32, #tpu.memory_space<hbm>> -> memref<16x3584xf32, #tpu.memory_space<hbm>>
    %dma_wait3A_190 = arith.constant 0 : i32
    %dma_wait3A_191 = tpu.memref_slice %arg2[%dma_wait3A_190, %multiple_of3A_178] : memref<16x1000000xf32, #tpu.memory_space<hbm>> -> memref<16x3584xf32, #tpu.memory_space<hbm>>
    tpu.wait_dma2 semaphore(%arg14 : memref<!tpu.dma_semaphore, #tpu.memory_space<semaphore_mem>>) src(%dma_wait3A_191 : memref<16x3584xf32, #tpu.memory_space<hbm>>) dst(%arg11 : memref<16x3584xf32, #tpu.memory_space<vmem>>)
    %add3A_192 = arith.constant 64 : i32
    %add3A_193 = arith.addi %add3A_192, %add3A : i32
    %mul3A_194 = arith.constant 3584 : i32
    %mul3A_195 = arith.muli %add3A_193, %mul3A_194 : i32
    %add3A_196 = arith.constant 430080 : i32
    %add3A_197 = arith.addi %add3A_196, %mul3A_195 : i32
    %multiple_of3A_198 = tpu.assume_multiple %add3A_197, 128 : i32
    %dma_start3A_199 = arith.constant 0 : i32
    %dma_start3A_200 = tpu.memref_slice %arg2[%dma_start3A_199, %multiple_of3A_198] : memref<16x1000000xf32, #tpu.memory_space<hbm>> -> memref<16x3584xf32, #tpu.memory_space<hbm>>
    %dma_start3A_201 = arith.constant 0 : i32
    %dma_start3A_202 = tpu.memref_slice %arg2[%dma_start3A_201, %multiple_of3A_198] : memref<16x1000000xf32, #tpu.memory_space<hbm>> -> memref<16x3584xf32, #tpu.memory_space<hbm>>
    tpu.enqueue_dma source(%dma_start3A_202 : memref<16x3584xf32, #tpu.memory_space<hbm>>) target(%arg10 : memref<16x3584xf32, #tpu.memory_space<vmem>>) target_semaphore(%arg13 : memref<!tpu.dma_semaphore, #tpu.memory_space<semaphore_mem>>)
    %scan3A_203 = arith.constant 0 : i32
    %scan3A_204 = arith.constant 224 : i32
    %scan3A_205 = arith.addi %scan3A_203, %scan3A_204 : i32
    %scan3A_206 = arith.constant 1 : i32
    %scan3A_207:16 = scf.for %scan3A_490 = %scan3A_203 to %scan3A_205 step %scan3A_206 iter_args(%scan3A_491 = %scan3A_186#0, %scan3A_492 = %scan3A_186#1, %scan3A_493 = %scan3A_186#2, %scan3A_494 = %scan3A_186#3, %scan3A_495 = %scan3A_186#4, %scan3A_496 = %scan3A_186#5, %scan3A_497 = %scan3A_186#6, %scan3A_498 = %scan3A_186#7, %scan3A_499 = %scan3A_186#8, %scan3A_500 = %scan3A_186#9, %scan3A_501 = %scan3A_186#10, %scan3A_502 = %scan3A_186#11, %scan3A_503 = %scan3A_186#12, %scan3A_504 = %scan3A_186#13, %scan3A_505 = %scan3A_186#14, %scan3A_506 = %scan3A_186#15) -> (vector<16xf32>, vector<16xf32>, vector<16xf32>, vector<16xf32>, vector<16xf32>, vector<16xf32>, vector<16xf32>, vector<16xf32>, vector<16xf32>, vector<16xf32>, vector<16xf32>, vector<16xf32>, vector<16xf32>, vector<16xf32>, vector<16xf32>, vector<16xf32>)  : i32 {
      %mul3A_507 = arith.constant 1 : i32
      %mul3A_508 = arith.muli %scan3A_490, %mul3A_507 : i32
      %add3A_509 = arith.constant 0 : i32
      %add3A_510 = arith.addi %add3A_509, %mul3A_508 : i32
      %mul3A_511 = arith.constant 16 : i32
      %mul3A_512 = arith.muli %add3A_510, %mul3A_511 : i32
      %get3A_513 = arith.constant 0 : i32
      %get3A_514 = arith.index_cast %get3A_513 : i32 to index
      %get3A_515 = arith.index_cast %mul3A_512 : i32 to index
      %get3A_516 = tpu.vector_load %arg11[%get3A_514, %get3A_515] {strides = array<i32>} : memref<16x3584xf32, #tpu.memory_space<vmem>>, vector<16xf32>,
      %sub3A_517 = arith.subf %add3A_102, %get3A_516 : vector<16xf32>
      %mul3A_518 = arith.mulf %get3A_516, %sub3A_517 : vector<16xf32>
      %exp3A_519 = math.exp %mul3A_518 : vector<16xf32>
      %add3A_520 = arith.addf %scan3A_491, %exp3A_519 : vector<16xf32>
      %get3A_521 = arith.constant 1 : i32
      %get3A_522 = arith.index_cast %get3A_521 : i32 to index
      %get3A_523 = arith.index_cast %mul3A_512 : i32 to index
      %get3A_524 = tpu.vector_load %arg11[%get3A_522, %get3A_523] {strides = array<i32>} : memref<16x3584xf32, #tpu.memory_space<vmem>>, vector<16xf32>,
      %sub3A_525 = arith.subf %add3A_103, %get3A_524 : vector<16xf32>
      %mul3A_526 = arith.mulf %get3A_524, %sub3A_525 : vector<16xf32>
      %exp3A_527 = math.exp %mul3A_526 : vector<16xf32>
      %add3A_528 = arith.addf %scan3A_492, %exp3A_527 : vector<16xf32>
      %get3A_529 = arith.constant 2 : i32
      %get3A_530 = arith.index_cast %get3A_529 : i32 to index
      %get3A_531 = arith.index_cast %mul3A_512 : i32 to index
      %get3A_532 = tpu.vector_load %arg11[%get3A_530, %get3A_531] {strides = array<i32>} : memref<16x3584xf32, #tpu.memory_space<vmem>>, vector<16xf32>,
      %sub3A_533 = arith.subf %add3A_104, %get3A_532 : vector<16xf32>
      %mul3A_534 = arith.mulf %get3A_532, %sub3A_533 : vector<16xf32>
      %exp3A_535 = math.exp %mul3A_534 : vector<16xf32>
      %add3A_536 = arith.addf %scan3A_493, %exp3A_535 : vector<16xf32>
      %get3A_537 = arith.constant 3 : i32
      %get3A_538 = arith.index_cast %get3A_537 : i32 to index
      %get3A_539 = arith.index_cast %mul3A_512 : i32 to index
      %get3A_540 = tpu.vector_load %arg11[%get3A_538, %get3A_539] {strides = array<i32>} : memref<16x3584xf32, #tpu.memory_space<vmem>>, vector<16xf32>,
      %sub3A_541 = arith.subf %add3A_105, %get3A_540 : vector<16xf32>
      %mul3A_542 = arith.mulf %get3A_540, %sub3A_541 : vector<16xf32>
      %exp3A_543 = math.exp %mul3A_542 : vector<16xf32>
      %add3A_544 = arith.addf %scan3A_494, %exp3A_543 : vector<16xf32>
      %get3A_545 = arith.constant 4 : i32
      %get3A_546 = arith.index_cast %get3A_545 : i32 to index
      %get3A_547 = arith.index_cast %mul3A_512 : i32 to index
      %get3A_548 = tpu.vector_load %arg11[%get3A_546, %get3A_547] {strides = array<i32>} : memref<16x3584xf32, #tpu.memory_space<vmem>>, vector<16xf32>,
      %sub3A_549 = arith.subf %add3A_106, %get3A_548 : vector<16xf32>
      %mul3A_550 = arith.mulf %get3A_548, %sub3A_549 : vector<16xf32>
      %exp3A_551 = math.exp %mul3A_550 : vector<16xf32>
      %add3A_552 = arith.addf %scan3A_495, %exp3A_551 : vector<16xf32>
      %get3A_553 = arith.constant 5 : i32
      %get3A_554 = arith.index_cast %get3A_553 : i32 to index
      %get3A_555 = arith.index_cast %mul3A_512 : i32 to index
      %get3A_556 = tpu.vector_load %arg11[%get3A_554, %get3A_555] {strides = array<i32>} : memref<16x3584xf32, #tpu.memory_space<vmem>>, vector<16xf32>,
      %sub3A_557 = arith.subf %add3A_107, %get3A_556 : vector<16xf32>
      %mul3A_558 = arith.mulf %get3A_556, %sub3A_557 : vector<16xf32>
      %exp3A_559 = math.exp %mul3A_558 : vector<16xf32>
      %add3A_560 = arith.addf %scan3A_496, %exp3A_559 : vector<16xf32>
      %get3A_561 = arith.constant 6 : i32
      %get3A_562 = arith.index_cast %get3A_561 : i32 to index
      %get3A_563 = arith.index_cast %mul3A_512 : i32 to index
      %get3A_564 = tpu.vector_load %arg11[%get3A_562, %get3A_563] {strides = array<i32>} : memref<16x3584xf32, #tpu.memory_space<vmem>>, vector<16xf32>,
      %sub3A_565 = arith.subf %add3A_108, %get3A_564 : vector<16xf32>
      %mul3A_566 = arith.mulf %get3A_564, %sub3A_565 : vector<16xf32>
      %exp3A_567 = math.exp %mul3A_566 : vector<16xf32>
      %add3A_568 = arith.addf %scan3A_497, %exp3A_567 : vector<16xf32>
      %get3A_569 = arith.constant 7 : i32
      %get3A_570 = arith.index_cast %get3A_569 : i32 to index
      %get3A_571 = arith.index_cast %mul3A_512 : i32 to index
      %get3A_572 = tpu.vector_load %arg11[%get3A_570, %get3A_571] {strides = array<i32>} : memref<16x3584xf32, #tpu.memory_space<vmem>>, vector<16xf32>,
      %sub3A_573 = arith.subf %add3A_109, %get3A_572 : vector<16xf32>
      %mul3A_574 = arith.mulf %get3A_572, %sub3A_573 : vector<16xf32>
      %exp3A_575 = math.exp %mul3A_574 : vector<16xf32>
      %add3A_576 = arith.addf %scan3A_498, %exp3A_575 : vector<16xf32>
      %get3A_577 = arith.constant 8 : i32
      %get3A_578 = arith.index_cast %get3A_577 : i32 to index
      %get3A_579 = arith.index_cast %mul3A_512 : i32 to index
      %get3A_580 = tpu.vector_load %arg11[%get3A_578, %get3A_579] {strides = array<i32>} : memref<16x3584xf32, #tpu.memory_space<vmem>>, vector<16xf32>,
      %sub3A_581 = arith.subf %add3A_110, %get3A_580 : vector<16xf32>
      %mul3A_582 = arith.mulf %get3A_580, %sub3A_581 : vector<16xf32>
      %exp3A_583 = math.exp %mul3A_582 : vector<16xf32>
      %add3A_584 = arith.addf %scan3A_499, %exp3A_583 : vector<16xf32>
      %get3A_585 = arith.constant 9 : i32
      %get3A_586 = arith.index_cast %get3A_585 : i32 to index
      %get3A_587 = arith.index_cast %mul3A_512 : i32 to index
      %get3A_588 = tpu.vector_load %arg11[%get3A_586, %get3A_587] {strides = array<i32>} : memref<16x3584xf32, #tpu.memory_space<vmem>>, vector<16xf32>,
      %sub3A_589 = arith.subf %add3A_111, %get3A_588 : vector<16xf32>
      %mul3A_590 = arith.mulf %get3A_588, %sub3A_589 : vector<16xf32>
      %exp3A_591 = math.exp %mul3A_590 : vector<16xf32>
      %add3A_592 = arith.addf %scan3A_500, %exp3A_591 : vector<16xf32>
      %get3A_593 = arith.constant 10 : i32
      %get3A_594 = arith.index_cast %get3A_593 : i32 to index
      %get3A_595 = arith.index_cast %mul3A_512 : i32 to index
      %get3A_596 = tpu.vector_load %arg11[%get3A_594, %get3A_595] {strides = array<i32>} : memref<16x3584xf32, #tpu.memory_space<vmem>>, vector<16xf32>,
      %sub3A_597 = arith.subf %add3A_112, %get3A_596 : vector<16xf32>
      %mul3A_598 = arith.mulf %get3A_596, %sub3A_597 : vector<16xf32>
      %exp3A_599 = math.exp %mul3A_598 : vector<16xf32>
      %add3A_600 = arith.addf %scan3A_501, %exp3A_599 : vector<16xf32>
      %get3A_601 = arith.constant 11 : i32
      %get3A_602 = arith.index_cast %get3A_601 : i32 to index
      %get3A_603 = arith.index_cast %mul3A_512 : i32 to index
      %get3A_604 = tpu.vector_load %arg11[%get3A_602, %get3A_603] {strides = array<i32>} : memref<16x3584xf32, #tpu.memory_space<vmem>>, vector<16xf32>,
      %sub3A_605 = arith.subf %add3A_113, %get3A_604 : vector<16xf32>
      %mul3A_606 = arith.mulf %get3A_604, %sub3A_605 : vector<16xf32>
      %exp3A_607 = math.exp %mul3A_606 : vector<16xf32>
      %add3A_608 = arith.addf %scan3A_502, %exp3A_607 : vector<16xf32>
      %get3A_609 = arith.constant 12 : i32
      %get3A_610 = arith.index_cast %get3A_609 : i32 to index
      %get3A_611 = arith.index_cast %mul3A_512 : i32 to index
      %get3A_612 = tpu.vector_load %arg11[%get3A_610, %get3A_611] {strides = array<i32>} : memref<16x3584xf32, #tpu.memory_space<vmem>>, vector<16xf32>,
      %sub3A_613 = arith.subf %add3A_114, %get3A_612 : vector<16xf32>
      %mul3A_614 = arith.mulf %get3A_612, %sub3A_613 : vector<16xf32>
      %exp3A_615 = math.exp %mul3A_614 : vector<16xf32>
      %add3A_616 = arith.addf %scan3A_503, %exp3A_615 : vector<16xf32>
      %get3A_617 = arith.constant 13 : i32
      %get3A_618 = arith.index_cast %get3A_617 : i32 to index
      %get3A_619 = arith.index_cast %mul3A_512 : i32 to index
      %get3A_620 = tpu.vector_load %arg11[%get3A_618, %get3A_619] {strides = array<i32>} : memref<16x3584xf32, #tpu.memory_space<vmem>>, vector<16xf32>,
      %sub3A_621 = arith.subf %add3A_115, %get3A_620 : vector<16xf32>
      %mul3A_622 = arith.mulf %get3A_620, %sub3A_621 : vector<16xf32>
      %exp3A_623 = math.exp %mul3A_622 : vector<16xf32>
      %add3A_624 = arith.addf %scan3A_504, %exp3A_623 : vector<16xf32>
      %get3A_625 = arith.constant 14 : i32
      %get3A_626 = arith.index_cast %get3A_625 : i32 to index
      %get3A_627 = arith.index_cast %mul3A_512 : i32 to index
      %get3A_628 = tpu.vector_load %arg11[%get3A_626, %get3A_627] {strides = array<i32>} : memref<16x3584xf32, #tpu.memory_space<vmem>>, vector<16xf32>,
      %sub3A_629 = arith.subf %add3A_116, %get3A_628 : vector<16xf32>
      %mul3A_630 = arith.mulf %get3A_628, %sub3A_629 : vector<16xf32>
      %exp3A_631 = math.exp %mul3A_630 : vector<16xf32>
      %add3A_632 = arith.addf %scan3A_505, %exp3A_631 : vector<16xf32>
      %get3A_633 = arith.constant 15 : i32
      %get3A_634 = arith.index_cast %get3A_633 : i32 to index
      %get3A_635 = arith.index_cast %mul3A_512 : i32 to index
      %get3A_636 = tpu.vector_load %arg11[%get3A_634, %get3A_635] {strides = array<i32>} : memref<16x3584xf32, #tpu.memory_space<vmem>>, vector<16xf32>,
      %sub3A_637 = arith.subf %add3A_117, %get3A_636 : vector<16xf32>
      %mul3A_638 = arith.mulf %get3A_636, %sub3A_637 : vector<16xf32>
      %exp3A_639 = math.exp %mul3A_638 : vector<16xf32>
      %add3A_640 = arith.addf %scan3A_506, %exp3A_639 : vector<16xf32>
      scf.yield %add3A_520, %add3A_528, %add3A_536, %add3A_544, %add3A_552, %add3A_560, %add3A_568, %add3A_576, %add3A_584, %add3A_592, %add3A_600, %add3A_608, %add3A_616, %add3A_624, %add3A_632, %add3A_640 : vector<16xf32>, vector<16xf32>, vector<16xf32>, vector<16xf32>, vector<16xf32>, vector<16xf32>, vector<16xf32>, vector<16xf32>, vector<16xf32>, vector<16xf32>, vector<16xf32>, vector<16xf32>, vector<16xf32>, vector<16xf32>, vector<16xf32>, vector<16xf32>
    }
    %scan3A_208 = arith.constant 224 : i32
    %dma_wait3A_209 = arith.constant 0 : i32
    %dma_wait3A_210 = tpu.memref_slice %arg2[%dma_wait3A_209, %multiple_of3A_198] : memref<16x1000000xf32, #tpu.memory_space<hbm>> -> memref<16x3584xf32, #tpu.memory_space<hbm>>
    %dma_wait3A_211 = arith.constant 0 : i32
    %dma_wait3A_212 = tpu.memref_slice %arg2[%dma_wait3A_211, %multiple_of3A_198] : memref<16x1000000xf32, #tpu.memory_space<hbm>> -> memref<16x3584xf32, #tpu.memory_space<hbm>>
    tpu.wait_dma2 semaphore(%arg13 : memref<!tpu.dma_semaphore, #tpu.memory_space<semaphore_mem>>) src(%dma_wait3A_212 : memref<16x3584xf32, #tpu.memory_space<hbm>>) dst(%arg10 : memref<16x3584xf32, #tpu.memory_space<vmem>>)
    %add3A_213 = arith.constant 96 : i32
    %add3A_214 = arith.addi %add3A_213, %add3A : i32
    %mul3A_215 = arith.constant 3584 : i32
    %mul3A_216 = arith.muli %add3A_214, %mul3A_215 : i32
    %add3A_217 = arith.constant 430080 : i32
    %add3A_218 = arith.addi %add3A_217, %mul3A_216 : i32
    %multiple_of3A_219 = tpu.assume_multiple %add3A_218, 128 : i32
    %dma_start3A_220 = arith.constant 0 : i32
    %dma_start3A_221 = tpu.memref_slice %arg2[%dma_start3A_220, %multiple_of3A_219] : memref<16x1000000xf32, #tpu.memory_space<hbm>> -> memref<16x3584xf32, #tpu.memory_space<hbm>>
    %dma_start3A_222 = arith.constant 0 : i32
    %dma_start3A_223 = tpu.memref_slice %arg2[%dma_start3A_222, %multiple_of3A_219] : memref<16x1000000xf32, #tpu.memory_space<hbm>> -> memref<16x3584xf32, #tpu.memory_space<hbm>>
    tpu.enqueue_dma source(%dma_start3A_223 : memref<16x3584xf32, #tpu.memory_space<hbm>>) target(%arg11 : memref<16x3584xf32, #tpu.memory_space<vmem>>) target_semaphore(%arg14 : memref<!tpu.dma_semaphore, #tpu.memory_space<semaphore_mem>>)
    %scan3A_224 = arith.constant 0 : i32
    %scan3A_225 = arith.constant 224 : i32
    %scan3A_226 = arith.addi %scan3A_224, %scan3A_225 : i32
    %scan3A_227 = arith.constant 1 : i32
    %scan3A_228:16 = scf.for %scan3A_490 = %scan3A_224 to %scan3A_226 step %scan3A_227 iter_args(%scan3A_491 = %scan3A_207#0, %scan3A_492 = %scan3A_207#1, %scan3A_493 = %scan3A_207#2, %scan3A_494 = %scan3A_207#3, %scan3A_495 = %scan3A_207#4, %scan3A_496 = %scan3A_207#5, %scan3A_497 = %scan3A_207#6, %scan3A_498 = %scan3A_207#7, %scan3A_499 = %scan3A_207#8, %scan3A_500 = %scan3A_207#9, %scan3A_501 = %scan3A_207#10, %scan3A_502 = %scan3A_207#11, %scan3A_503 = %scan3A_207#12, %scan3A_504 = %scan3A_207#13, %scan3A_505 = %scan3A_207#14, %scan3A_506 = %scan3A_207#15) -> (vector<16xf32>, vector<16xf32>, vector<16xf32>, vector<16xf32>, vector<16xf32>, vector<16xf32>, vector<16xf32>, vector<16xf32>, vector<16xf32>, vector<16xf32>, vector<16xf32>, vector<16xf32>, vector<16xf32>, vector<16xf32>, vector<16xf32>, vector<16xf32>)  : i32 {
      %mul3A_507 = arith.constant 1 : i32
      %mul3A_508 = arith.muli %scan3A_490, %mul3A_507 : i32
      %add3A_509 = arith.constant 0 : i32
      %add3A_510 = arith.addi %add3A_509, %mul3A_508 : i32
      %mul3A_511 = arith.constant 16 : i32
      %mul3A_512 = arith.muli %add3A_510, %mul3A_511 : i32
      %get3A_513 = arith.constant 0 : i32
      %get3A_514 = arith.index_cast %get3A_513 : i32 to index
      %get3A_515 = arith.index_cast %mul3A_512 : i32 to index
      %get3A_516 = tpu.vector_load %arg10[%get3A_514, %get3A_515] {strides = array<i32>} : memref<16x3584xf32, #tpu.memory_space<vmem>>, vector<16xf32>,
      %sub3A_517 = arith.subf %add3A_102, %get3A_516 : vector<16xf32>
      %mul3A_518 = arith.mulf %get3A_516, %sub3A_517 : vector<16xf32>
      %exp3A_519 = math.exp %mul3A_518 : vector<16xf32>
      %add3A_520 = arith.addf %scan3A_491, %exp3A_519 : vector<16xf32>
      %get3A_521 = arith.constant 1 : i32
      %get3A_522 = arith.index_cast %get3A_521 : i32 to index
      %get3A_523 = arith.index_cast %mul3A_512 : i32 to index
      %get3A_524 = tpu.vector_load %arg10[%get3A_522, %get3A_523] {strides = array<i32>} : memref<16x3584xf32, #tpu.memory_space<vmem>>, vector<16xf32>,
      %sub3A_525 = arith.subf %add3A_103, %get3A_524 : vector<16xf32>
      %mul3A_526 = arith.mulf %get3A_524, %sub3A_525 : vector<16xf32>
      %exp3A_527 = math.exp %mul3A_526 : vector<16xf32>
      %add3A_528 = arith.addf %scan3A_492, %exp3A_527 : vector<16xf32>
      %get3A_529 = arith.constant 2 : i32
      %get3A_530 = arith.index_cast %get3A_529 : i32 to index
      %get3A_531 = arith.index_cast %mul3A_512 : i32 to index
      %get3A_532 = tpu.vector_load %arg10[%get3A_530, %get3A_531] {strides = array<i32>} : memref<16x3584xf32, #tpu.memory_space<vmem>>, vector<16xf32>,
      %sub3A_533 = arith.subf %add3A_104, %get3A_532 : vector<16xf32>
      %mul3A_534 = arith.mulf %get3A_532, %sub3A_533 : vector<16xf32>
      %exp3A_535 = math.exp %mul3A_534 : vector<16xf32>
      %add3A_536 = arith.addf %scan3A_493, %exp3A_535 : vector<16xf32>
      %get3A_537 = arith.constant 3 : i32
      %get3A_538 = arith.index_cast %get3A_537 : i32 to index
      %get3A_539 = arith.index_cast %mul3A_512 : i32 to index
      %get3A_540 = tpu.vector_load %arg10[%get3A_538, %get3A_539] {strides = array<i32>} : memref<16x3584xf32, #tpu.memory_space<vmem>>, vector<16xf32>,
      %sub3A_541 = arith.subf %add3A_105, %get3A_540 : vector<16xf32>
      %mul3A_542 = arith.mulf %get3A_540, %sub3A_541 : vector<16xf32>
      %exp3A_543 = math.exp %mul3A_542 : vector<16xf32>
      %add3A_544 = arith.addf %scan3A_494, %exp3A_543 : vector<16xf32>
      %get3A_545 = arith.constant 4 : i32
      %get3A_546 = arith.index_cast %get3A_545 : i32 to index
      %get3A_547 = arith.index_cast %mul3A_512 : i32 to index
      %get3A_548 = tpu.vector_load %arg10[%get3A_546, %get3A_547] {strides = array<i32>} : memref<16x3584xf32, #tpu.memory_space<vmem>>, vector<16xf32>,
      %sub3A_549 = arith.subf %add3A_106, %get3A_548 : vector<16xf32>
      %mul3A_550 = arith.mulf %get3A_548, %sub3A_549 : vector<16xf32>
      %exp3A_551 = math.exp %mul3A_550 : vector<16xf32>
      %add3A_552 = arith.addf %scan3A_495, %exp3A_551 : vector<16xf32>
      %get3A_553 = arith.constant 5 : i32
      %get3A_554 = arith.index_cast %get3A_553 : i32 to index
      %get3A_555 = arith.index_cast %mul3A_512 : i32 to index
      %get3A_556 = tpu.vector_load %arg10[%get3A_554, %get3A_555] {strides = array<i32>} : memref<16x3584xf32, #tpu.memory_space<vmem>>, vector<16xf32>,
      %sub3A_557 = arith.subf %add3A_107, %get3A_556 : vector<16xf32>
      %mul3A_558 = arith.mulf %get3A_556, %sub3A_557 : vector<16xf32>
      %exp3A_559 = math.exp %mul3A_558 : vector<16xf32>
      %add3A_560 = arith.addf %scan3A_496, %exp3A_559 : vector<16xf32>
      %get3A_561 = arith.constant 6 : i32
      %get3A_562 = arith.index_cast %get3A_561 : i32 to index
      %get3A_563 = arith.index_cast %mul3A_512 : i32 to index
      %get3A_564 = tpu.vector_load %arg10[%get3A_562, %get3A_563] {strides = array<i32>} : memref<16x3584xf32, #tpu.memory_space<vmem>>, vector<16xf32>,
      %sub3A_565 = arith.subf %add3A_108, %get3A_564 : vector<16xf32>
      %mul3A_566 = arith.mulf %get3A_564, %sub3A_565 : vector<16xf32>
      %exp3A_567 = math.exp %mul3A_566 : vector<16xf32>
      %add3A_568 = arith.addf %scan3A_497, %exp3A_567 : vector<16xf32>
      %get3A_569 = arith.constant 7 : i32
      %get3A_570 = arith.index_cast %get3A_569 : i32 to index
      %get3A_571 = arith.index_cast %mul3A_512 : i32 to index
      %get3A_572 = tpu.vector_load %arg10[%get3A_570, %get3A_571] {strides = array<i32>} : memref<16x3584xf32, #tpu.memory_space<vmem>>, vector<16xf32>,
      %sub3A_573 = arith.subf %add3A_109, %get3A_572 : vector<16xf32>
      %mul3A_574 = arith.mulf %get3A_572, %sub3A_573 : vector<16xf32>
      %exp3A_575 = math.exp %mul3A_574 : vector<16xf32>
      %add3A_576 = arith.addf %scan3A_498, %exp3A_575 : vector<16xf32>
      %get3A_577 = arith.constant 8 : i32
      %get3A_578 = arith.index_cast %get3A_577 : i32 to index
      %get3A_579 = arith.index_cast %mul3A_512 : i32 to index
      %get3A_580 = tpu.vector_load %arg10[%get3A_578, %get3A_579] {strides = array<i32>} : memref<16x3584xf32, #tpu.memory_space<vmem>>, vector<16xf32>,
      %sub3A_581 = arith.subf %add3A_110, %get3A_580 : vector<16xf32>
      %mul3A_582 = arith.mulf %get3A_580, %sub3A_581 : vector<16xf32>
      %exp3A_583 = math.exp %mul3A_582 : vector<16xf32>
      %add3A_584 = arith.addf %scan3A_499, %exp3A_583 : vector<16xf32>
      %get3A_585 = arith.constant 9 : i32
      %get3A_586 = arith.index_cast %get3A_585 : i32 to index
      %get3A_587 = arith.index_cast %mul3A_512 : i32 to index
      %get3A_588 = tpu.vector_load %arg10[%get3A_586, %get3A_587] {strides = array<i32>} : memref<16x3584xf32, #tpu.memory_space<vmem>>, vector<16xf32>,
      %sub3A_589 = arith.subf %add3A_111, %get3A_588 : vector<16xf32>
      %mul3A_590 = arith.mulf %get3A_588, %sub3A_589 : vector<16xf32>
      %exp3A_591 = math.exp %mul3A_590 : vector<16xf32>
      %add3A_592 = arith.addf %scan3A_500, %exp3A_591 : vector<16xf32>
      %get3A_593 = arith.constant 10 : i32
      %get3A_594 = arith.index_cast %get3A_593 : i32 to index
      %get3A_595 = arith.index_cast %mul3A_512 : i32 to index
      %get3A_596 = tpu.vector_load %arg10[%get3A_594, %get3A_595] {strides = array<i32>} : memref<16x3584xf32, #tpu.memory_space<vmem>>, vector<16xf32>,
      %sub3A_597 = arith.subf %add3A_112, %get3A_596 : vector<16xf32>
      %mul3A_598 = arith.mulf %get3A_596, %sub3A_597 : vector<16xf32>
      %exp3A_599 = math.exp %mul3A_598 : vector<16xf32>
      %add3A_600 = arith.addf %scan3A_501, %exp3A_599 : vector<16xf32>
      %get3A_601 = arith.constant 11 : i32
      %get3A_602 = arith.index_cast %get3A_601 : i32 to index
      %get3A_603 = arith.index_cast %mul3A_512 : i32 to index
      %get3A_604 = tpu.vector_load %arg10[%get3A_602, %get3A_603] {strides = array<i32>} : memref<16x3584xf32, #tpu.memory_space<vmem>>, vector<16xf32>,
      %sub3A_605 = arith.subf %add3A_113, %get3A_604 : vector<16xf32>
      %mul3A_606 = arith.mulf %get3A_604, %sub3A_605 : vector<16xf32>
      %exp3A_607 = math.exp %mul3A_606 : vector<16xf32>
      %add3A_608 = arith.addf %scan3A_502, %exp3A_607 : vector<16xf32>
      %get3A_609 = arith.constant 12 : i32
      %get3A_610 = arith.index_cast %get3A_609 : i32 to index
      %get3A_611 = arith.index_cast %mul3A_512 : i32 to index
      %get3A_612 = tpu.vector_load %arg10[%get3A_610, %get3A_611] {strides = array<i32>} : memref<16x3584xf32, #tpu.memory_space<vmem>>, vector<16xf32>,
      %sub3A_613 = arith.subf %add3A_114, %get3A_612 : vector<16xf32>
      %mul3A_614 = arith.mulf %get3A_612, %sub3A_613 : vector<16xf32>
      %exp3A_615 = math.exp %mul3A_614 : vector<16xf32>
      %add3A_616 = arith.addf %scan3A_503, %exp3A_615 : vector<16xf32>
      %get3A_617 = arith.constant 13 : i32
      %get3A_618 = arith.index_cast %get3A_617 : i32 to index
      %get3A_619 = arith.index_cast %mul3A_512 : i32 to index
      %get3A_620 = tpu.vector_load %arg10[%get3A_618, %get3A_619] {strides = array<i32>} : memref<16x3584xf32, #tpu.memory_space<vmem>>, vector<16xf32>,
      %sub3A_621 = arith.subf %add3A_115, %get3A_620 : vector<16xf32>
      %mul3A_622 = arith.mulf %get3A_620, %sub3A_621 : vector<16xf32>
      %exp3A_623 = math.exp %mul3A_622 : vector<16xf32>
      %add3A_624 = arith.addf %scan3A_504, %exp3A_623 : vector<16xf32>
      %get3A_625 = arith.constant 14 : i32
      %get3A_626 = arith.index_cast %get3A_625 : i32 to index
      %get3A_627 = arith.index_cast %mul3A_512 : i32 to index
      %get3A_628 = tpu.vector_load %arg10[%get3A_626, %get3A_627] {strides = array<i32>} : memref<16x3584xf32, #tpu.memory_space<vmem>>, vector<16xf32>,
      %sub3A_629 = arith.subf %add3A_116, %get3A_628 : vector<16xf32>
      %mul3A_630 = arith.mulf %get3A_628, %sub3A_629 : vector<16xf32>
      %exp3A_631 = math.exp %mul3A_630 : vector<16xf32>
      %add3A_632 = arith.addf %scan3A_505, %exp3A_631 : vector<16xf32>
      %get3A_633 = arith.constant 15 : i32
      %get3A_634 = arith.index_cast %get3A_633 : i32 to index
      %get3A_635 = arith.index_cast %mul3A_512 : i32 to index
      %get3A_636 = tpu.vector_load %arg10[%get3A_634, %get3A_635] {strides = array<i32>} : memref<16x3584xf32, #tpu.memory_space<vmem>>, vector<16xf32>,
      %sub3A_637 = arith.subf %add3A_117, %get3A_636 : vector<16xf32>
      %mul3A_638 = arith.mulf %get3A_636, %sub3A_637 : vector<16xf32>
      %exp3A_639 = math.exp %mul3A_638 : vector<16xf32>
      %add3A_640 = arith.addf %scan3A_506, %exp3A_639 : vector<16xf32>
      scf.yield %add3A_520, %add3A_528, %add3A_536, %add3A_544, %add3A_552, %add3A_560, %add3A_568, %add3A_576, %add3A_584, %add3A_592, %add3A_600, %add3A_608, %add3A_616, %add3A_624, %add3A_632, %add3A_640 : vector<16xf32>, vector<16xf32>, vector<16xf32>, vector<16xf32>, vector<16xf32>, vector<16xf32>, vector<16xf32>, vector<16xf32>, vector<16xf32>, vector<16xf32>, vector<16xf32>, vector<16xf32>, vector<16xf32>, vector<16xf32>, vector<16xf32>, vector<16xf32>
    }
    %scan3A_229 = arith.constant 224 : i32
    %dma_wait3A_230 = arith.constant 0 : i32
    %dma_wait3A_231 = tpu.memref_slice %arg2[%dma_wait3A_230, %multiple_of3A_219] : memref<16x1000000xf32, #tpu.memory_space<hbm>> -> memref<16x3584xf32, #tpu.memory_space<hbm>>
    %dma_wait3A_232 = arith.constant 0 : i32
    %dma_wait3A_233 = tpu.memref_slice %arg2[%dma_wait3A_232, %multiple_of3A_219] : memref<16x1000000xf32, #tpu.memory_space<hbm>> -> memref<16x3584xf32, #tpu.memory_space<hbm>>
    tpu.wait_dma2 semaphore(%arg14 : memref<!tpu.dma_semaphore, #tpu.memory_space<semaphore_mem>>) src(%dma_wait3A_233 : memref<16x3584xf32, #tpu.memory_space<hbm>>) dst(%arg11 : memref<16x3584xf32, #tpu.memory_space<vmem>>)
    %add3A_234 = arith.constant 128 : i32
    %add3A_235 = arith.addi %add3A_234, %add3A : i32
    %lt3A = arith.constant 31 : i32
    %lt3A_236 = arith.cmpi slt, %add3A, %lt3A : i32
    %jit3A_237 = arith.constant 0 : i32
    %select_n3A_238 = arith.select %lt3A_236, %add3A_235, %jit3A_237 : i32
    %mul3A_239 = arith.constant 3584 : i32
    %mul3A_240 = arith.muli %select_n3A_238, %mul3A_239 : i32
    %add3A_241 = arith.constant 430080 : i32
    %add3A_242 = arith.addi %add3A_241, %mul3A_240 : i32
    %multiple_of3A_243 = tpu.assume_multiple %add3A_242, 128 : i32
    %dma_start3A_244 = arith.constant 0 : i32
    %dma_start3A_245 = tpu.memref_slice %arg2[%dma_start3A_244, %multiple_of3A_243] : memref<16x1000000xf32, #tpu.memory_space<hbm>> -> memref<16x3584xf32, #tpu.memory_space<hbm>>
    %dma_start3A_246 = arith.constant 0 : i32
    %dma_start3A_247 = tpu.memref_slice %arg2[%dma_start3A_246, %multiple_of3A_243] : memref<16x1000000xf32, #tpu.memory_space<hbm>> -> memref<16x3584xf32, #tpu.memory_space<hbm>>
    tpu.enqueue_dma source(%dma_start3A_247 : memref<16x3584xf32, #tpu.memory_space<hbm>>) target(%arg10 : memref<16x3584xf32, #tpu.memory_space<vmem>>) target_semaphore(%arg13 : memref<!tpu.dma_semaphore, #tpu.memory_space<semaphore_mem>>)
    %scan3A_248 = arith.constant 0 : i32
    %scan3A_249 = arith.constant 224 : i32
    %scan3A_250 = arith.addi %scan3A_248, %scan3A_249 : i32
    %scan3A_251 = arith.constant 1 : i32
    %scan3A_252:16 = scf.for %scan3A_490 = %scan3A_248 to %scan3A_250 step %scan3A_251 iter_args(%scan3A_491 = %scan3A_228#0, %scan3A_492 = %scan3A_228#1, %scan3A_493 = %scan3A_228#2, %scan3A_494 = %scan3A_228#3, %scan3A_495 = %scan3A_228#4, %scan3A_496 = %scan3A_228#5, %scan3A_497 = %scan3A_228#6, %scan3A_498 = %scan3A_228#7, %scan3A_499 = %scan3A_228#8, %scan3A_500 = %scan3A_228#9, %scan3A_501 = %scan3A_228#10, %scan3A_502 = %scan3A_228#11, %scan3A_503 = %scan3A_228#12, %scan3A_504 = %scan3A_228#13, %scan3A_505 = %scan3A_228#14, %scan3A_506 = %scan3A_228#15) -> (vector<16xf32>, vector<16xf32>, vector<16xf32>, vector<16xf32>, vector<16xf32>, vector<16xf32>, vector<16xf32>, vector<16xf32>, vector<16xf32>, vector<16xf32>, vector<16xf32>, vector<16xf32>, vector<16xf32>, vector<16xf32>, vector<16xf32>, vector<16xf32>)  : i32 {
      %mul3A_507 = arith.constant 1 : i32
      %mul3A_508 = arith.muli %scan3A_490, %mul3A_507 : i32
      %add3A_509 = arith.constant 0 : i32
      %add3A_510 = arith.addi %add3A_509, %mul3A_508 : i32
      %mul3A_511 = arith.constant 16 : i32
      %mul3A_512 = arith.muli %add3A_510, %mul3A_511 : i32
      %get3A_513 = arith.constant 0 : i32
      %get3A_514 = arith.index_cast %get3A_513 : i32 to index
      %get3A_515 = arith.index_cast %mul3A_512 : i32 to index
      %get3A_516 = tpu.vector_load %arg11[%get3A_514, %get3A_515] {strides = array<i32>} : memref<16x3584xf32, #tpu.memory_space<vmem>>, vector<16xf32>,
      %sub3A_517 = arith.subf %add3A_102, %get3A_516 : vector<16xf32>
      %mul3A_518 = arith.mulf %get3A_516, %sub3A_517 : vector<16xf32>
      %exp3A_519 = math.exp %mul3A_518 : vector<16xf32>
      %add3A_520 = arith.addf %scan3A_491, %exp3A_519 : vector<16xf32>
      %get3A_521 = arith.constant 1 : i32
      %get3A_522 = arith.index_cast %get3A_521 : i32 to index
      %get3A_523 = arith.index_cast %mul3A_512 : i32 to index
      %get3A_524 = tpu.vector_load %arg11[%get3A_522, %get3A_523] {strides = array<i32>} : memref<16x3584xf32, #tpu.memory_space<vmem>>, vector<16xf32>,
      %sub3A_525 = arith.subf %add3A_103, %get3A_524 : vector<16xf32>
      %mul3A_526 = arith.mulf %get3A_524, %sub3A_525 : vector<16xf32>
      %exp3A_527 = math.exp %mul3A_526 : vector<16xf32>
      %add3A_528 = arith.addf %scan3A_492, %exp3A_527 : vector<16xf32>
      %get3A_529 = arith.constant 2 : i32
      %get3A_530 = arith.index_cast %get3A_529 : i32 to index
      %get3A_531 = arith.index_cast %mul3A_512 : i32 to index
      %get3A_532 = tpu.vector_load %arg11[%get3A_530, %get3A_531] {strides = array<i32>} : memref<16x3584xf32, #tpu.memory_space<vmem>>, vector<16xf32>,
      %sub3A_533 = arith.subf %add3A_104, %get3A_532 : vector<16xf32>
      %mul3A_534 = arith.mulf %get3A_532, %sub3A_533 : vector<16xf32>
      %exp3A_535 = math.exp %mul3A_534 : vector<16xf32>
      %add3A_536 = arith.addf %scan3A_493, %exp3A_535 : vector<16xf32>
      %get3A_537 = arith.constant 3 : i32
      %get3A_538 = arith.index_cast %get3A_537 : i32 to index
      %get3A_539 = arith.index_cast %mul3A_512 : i32 to index
      %get3A_540 = tpu.vector_load %arg11[%get3A_538, %get3A_539] {strides = array<i32>} : memref<16x3584xf32, #tpu.memory_space<vmem>>, vector<16xf32>,
      %sub3A_541 = arith.subf %add3A_105, %get3A_540 : vector<16xf32>
      %mul3A_542 = arith.mulf %get3A_540, %sub3A_541 : vector<16xf32>
      %exp3A_543 = math.exp %mul3A_542 : vector<16xf32>
      %add3A_544 = arith.addf %scan3A_494, %exp3A_543 : vector<16xf32>
      %get3A_545 = arith.constant 4 : i32
      %get3A_546 = arith.index_cast %get3A_545 : i32 to index
      %get3A_547 = arith.index_cast %mul3A_512 : i32 to index
      %get3A_548 = tpu.vector_load %arg11[%get3A_546, %get3A_547] {strides = array<i32>} : memref<16x3584xf32, #tpu.memory_space<vmem>>, vector<16xf32>,
      %sub3A_549 = arith.subf %add3A_106, %get3A_548 : vector<16xf32>
      %mul3A_550 = arith.mulf %get3A_548, %sub3A_549 : vector<16xf32>
      %exp3A_551 = math.exp %mul3A_550 : vector<16xf32>
      %add3A_552 = arith.addf %scan3A_495, %exp3A_551 : vector<16xf32>
      %get3A_553 = arith.constant 5 : i32
      %get3A_554 = arith.index_cast %get3A_553 : i32 to index
      %get3A_555 = arith.index_cast %mul3A_512 : i32 to index
      %get3A_556 = tpu.vector_load %arg11[%get3A_554, %get3A_555] {strides = array<i32>} : memref<16x3584xf32, #tpu.memory_space<vmem>>, vector<16xf32>,
      %sub3A_557 = arith.subf %add3A_107, %get3A_556 : vector<16xf32>
      %mul3A_558 = arith.mulf %get3A_556, %sub3A_557 : vector<16xf32>
      %exp3A_559 = math.exp %mul3A_558 : vector<16xf32>
      %add3A_560 = arith.addf %scan3A_496, %exp3A_559 : vector<16xf32>
      %get3A_561 = arith.constant 6 : i32
      %get3A_562 = arith.index_cast %get3A_561 : i32 to index
      %get3A_563 = arith.index_cast %mul3A_512 : i32 to index
      %get3A_564 = tpu.vector_load %arg11[%get3A_562, %get3A_563] {strides = array<i32>} : memref<16x3584xf32, #tpu.memory_space<vmem>>, vector<16xf32>,
      %sub3A_565 = arith.subf %add3A_108, %get3A_564 : vector<16xf32>
      %mul3A_566 = arith.mulf %get3A_564, %sub3A_565 : vector<16xf32>
      %exp3A_567 = math.exp %mul3A_566 : vector<16xf32>
      %add3A_568 = arith.addf %scan3A_497, %exp3A_567 : vector<16xf32>
      %get3A_569 = arith.constant 7 : i32
      %get3A_570 = arith.index_cast %get3A_569 : i32 to index
      %get3A_571 = arith.index_cast %mul3A_512 : i32 to index
      %get3A_572 = tpu.vector_load %arg11[%get3A_570, %get3A_571] {strides = array<i32>} : memref<16x3584xf32, #tpu.memory_space<vmem>>, vector<16xf32>,
      %sub3A_573 = arith.subf %add3A_109, %get3A_572 : vector<16xf32>
      %mul3A_574 = arith.mulf %get3A_572, %sub3A_573 : vector<16xf32>
      %exp3A_575 = math.exp %mul3A_574 : vector<16xf32>
      %add3A_576 = arith.addf %scan3A_498, %exp3A_575 : vector<16xf32>
      %get3A_577 = arith.constant 8 : i32
      %get3A_578 = arith.index_cast %get3A_577 : i32 to index
      %get3A_579 = arith.index_cast %mul3A_512 : i32 to index
      %get3A_580 = tpu.vector_load %arg11[%get3A_578, %get3A_579] {strides = array<i32>} : memref<16x3584xf32, #tpu.memory_space<vmem>>, vector<16xf32>,
      %sub3A_581 = arith.subf %add3A_110, %get3A_580 : vector<16xf32>
      %mul3A_582 = arith.mulf %get3A_580, %sub3A_581 : vector<16xf32>
      %exp3A_583 = math.exp %mul3A_582 : vector<16xf32>
      %add3A_584 = arith.addf %scan3A_499, %exp3A_583 : vector<16xf32>
      %get3A_585 = arith.constant 9 : i32
      %get3A_586 = arith.index_cast %get3A_585 : i32 to index
      %get3A_587 = arith.index_cast %mul3A_512 : i32 to index
      %get3A_588 = tpu.vector_load %arg11[%get3A_586, %get3A_587] {strides = array<i32>} : memref<16x3584xf32, #tpu.memory_space<vmem>>, vector<16xf32>,
      %sub3A_589 = arith.subf %add3A_111, %get3A_588 : vector<16xf32>
      %mul3A_590 = arith.mulf %get3A_588, %sub3A_589 : vector<16xf32>
      %exp3A_591 = math.exp %mul3A_590 : vector<16xf32>
      %add3A_592 = arith.addf %scan3A_500, %exp3A_591 : vector<16xf32>
      %get3A_593 = arith.constant 10 : i32
      %get3A_594 = arith.index_cast %get3A_593 : i32 to index
      %get3A_595 = arith.index_cast %mul3A_512 : i32 to index
      %get3A_596 = tpu.vector_load %arg11[%get3A_594, %get3A_595] {strides = array<i32>} : memref<16x3584xf32, #tpu.memory_space<vmem>>, vector<16xf32>,
      %sub3A_597 = arith.subf %add3A_112, %get3A_596 : vector<16xf32>
      %mul3A_598 = arith.mulf %get3A_596, %sub3A_597 : vector<16xf32>
      %exp3A_599 = math.exp %mul3A_598 : vector<16xf32>
      %add3A_600 = arith.addf %scan3A_501, %exp3A_599 : vector<16xf32>
      %get3A_601 = arith.constant 11 : i32
      %get3A_602 = arith.index_cast %get3A_601 : i32 to index
      %get3A_603 = arith.index_cast %mul3A_512 : i32 to index
      %get3A_604 = tpu.vector_load %arg11[%get3A_602, %get3A_603] {strides = array<i32>} : memref<16x3584xf32, #tpu.memory_space<vmem>>, vector<16xf32>,
      %sub3A_605 = arith.subf %add3A_113, %get3A_604 : vector<16xf32>
      %mul3A_606 = arith.mulf %get3A_604, %sub3A_605 : vector<16xf32>
      %exp3A_607 = math.exp %mul3A_606 : vector<16xf32>
      %add3A_608 = arith.addf %scan3A_502, %exp3A_607 : vector<16xf32>
      %get3A_609 = arith.constant 12 : i32
      %get3A_610 = arith.index_cast %get3A_609 : i32 to index
      %get3A_611 = arith.index_cast %mul3A_512 : i32 to index
      %get3A_612 = tpu.vector_load %arg11[%get3A_610, %get3A_611] {strides = array<i32>} : memref<16x3584xf32, #tpu.memory_space<vmem>>, vector<16xf32>,
      %sub3A_613 = arith.subf %add3A_114, %get3A_612 : vector<16xf32>
      %mul3A_614 = arith.mulf %get3A_612, %sub3A_613 : vector<16xf32>
      %exp3A_615 = math.exp %mul3A_614 : vector<16xf32>
      %add3A_616 = arith.addf %scan3A_503, %exp3A_615 : vector<16xf32>
      %get3A_617 = arith.constant 13 : i32
      %get3A_618 = arith.index_cast %get3A_617 : i32 to index
      %get3A_619 = arith.index_cast %mul3A_512 : i32 to index
      %get3A_620 = tpu.vector_load %arg11[%get3A_618, %get3A_619] {strides = array<i32>} : memref<16x3584xf32, #tpu.memory_space<vmem>>, vector<16xf32>,
      %sub3A_621 = arith.subf %add3A_115, %get3A_620 : vector<16xf32>
      %mul3A_622 = arith.mulf %get3A_620, %sub3A_621 : vector<16xf32>
      %exp3A_623 = math.exp %mul3A_622 : vector<16xf32>
      %add3A_624 = arith.addf %scan3A_504, %exp3A_623 : vector<16xf32>
      %get3A_625 = arith.constant 14 : i32
      %get3A_626 = arith.index_cast %get3A_625 : i32 to index
      %get3A_627 = arith.index_cast %mul3A_512 : i32 to index
      %get3A_628 = tpu.vector_load %arg11[%get3A_626, %get3A_627] {strides = array<i32>} : memref<16x3584xf32, #tpu.memory_space<vmem>>, vector<16xf32>,
      %sub3A_629 = arith.subf %add3A_116, %get3A_628 : vector<16xf32>
      %mul3A_630 = arith.mulf %get3A_628, %sub3A_629 : vector<16xf32>
      %exp3A_631 = math.exp %mul3A_630 : vector<16xf32>
      %add3A_632 = arith.addf %scan3A_505, %exp3A_631 : vector<16xf32>
      %get3A_633 = arith.constant 15 : i32
      %get3A_634 = arith.index_cast %get3A_633 : i32 to index
      %get3A_635 = arith.index_cast %mul3A_512 : i32 to index
      %get3A_636 = tpu.vector_load %arg11[%get3A_634, %get3A_635] {strides = array<i32>} : memref<16x3584xf32, #tpu.memory_space<vmem>>, vector<16xf32>,
      %sub3A_637 = arith.subf %add3A_117, %get3A_636 : vector<16xf32>
      %mul3A_638 = arith.mulf %get3A_636, %sub3A_637 : vector<16xf32>
      %exp3A_639 = math.exp %mul3A_638 : vector<16xf32>
      %add3A_640 = arith.addf %scan3A_506, %exp3A_639 : vector<16xf32>
      scf.yield %add3A_520, %add3A_528, %add3A_536, %add3A_544, %add3A_552, %add3A_560, %add3A_568, %add3A_576, %add3A_584, %add3A_592, %add3A_600, %add3A_608, %add3A_616, %add3A_624, %add3A_632, %add3A_640 : vector<16xf32>, vector<16xf32>, vector<16xf32>, vector<16xf32>, vector<16xf32>, vector<16xf32>, vector<16xf32>, vector<16xf32>, vector<16xf32>, vector<16xf32>, vector<16xf32>, vector<16xf32>, vector<16xf32>, vector<16xf32>, vector<16xf32>, vector<16xf32>
    }
    %scan3A_253 = arith.constant 224 : i32
    %dma_wait3A_254 = arith.constant 0 : i32
    %dma_wait3A_255 = tpu.memref_slice %arg2[%dma_wait3A_254, %multiple_of3A_243] : memref<16x1000000xf32, #tpu.memory_space<hbm>> -> memref<16x3584xf32, #tpu.memory_space<hbm>>
    %dma_wait3A_256 = arith.constant 0 : i32
    %dma_wait3A_257 = tpu.memref_slice %arg2[%dma_wait3A_256, %multiple_of3A_243] : memref<16x1000000xf32, #tpu.memory_space<hbm>> -> memref<16x3584xf32, #tpu.memory_space<hbm>>
    tpu.wait_dma2 semaphore(%arg13 : memref<!tpu.dma_semaphore, #tpu.memory_space<semaphore_mem>>) src(%dma_wait3A_257 : memref<16x3584xf32, #tpu.memory_space<hbm>>) dst(%arg10 : memref<16x3584xf32, #tpu.memory_space<vmem>>)
    %scan3A_258 = arith.constant 0 : i32
    %scan3A_259 = arith.constant 224 : i32
    %scan3A_260 = arith.addi %scan3A_258, %scan3A_259 : i32
    %scan3A_261 = arith.constant 1 : i32
    %scan3A_262:16 = scf.for %scan3A_490 = %scan3A_258 to %scan3A_260 step %scan3A_261 iter_args(%scan3A_491 = %broadcast_in_dim3A_128, %scan3A_492 = %broadcast_in_dim3A_130, %scan3A_493 = %broadcast_in_dim3A_132, %scan3A_494 = %broadcast_in_dim3A_134, %scan3A_495 = %broadcast_in_dim3A_136, %scan3A_496 = %broadcast_in_dim3A_138, %scan3A_497 = %broadcast_in_dim3A_140, %scan3A_498 = %broadcast_in_dim3A_142, %scan3A_499 = %broadcast_in_dim3A_144, %scan3A_500 = %broadcast_in_dim3A_146, %scan3A_501 = %broadcast_in_dim3A_148, %scan3A_502 = %broadcast_in_dim3A_150, %scan3A_503 = %broadcast_in_dim3A_152, %scan3A_504 = %broadcast_in_dim3A_154, %scan3A_505 = %broadcast_in_dim3A_156, %scan3A_506 = %broadcast_in_dim3A_158) -> (vector<16xf32>, vector<16xf32>, vector<16xf32>, vector<16xf32>, vector<16xf32>, vector<16xf32>, vector<16xf32>, vector<16xf32>, vector<16xf32>, vector<16xf32>, vector<16xf32>, vector<16xf32>, vector<16xf32>, vector<16xf32>, vector<16xf32>, vector<16xf32>)  : i32 {
      %mul3A_507 = arith.constant 1 : i32
      %mul3A_508 = arith.muli %scan3A_490, %mul3A_507 : i32
      %add3A_509 = arith.constant 0 : i32
      %add3A_510 = arith.addi %add3A_509, %mul3A_508 : i32
      %mul3A_511 = arith.constant 16 : i32
      %mul3A_512 = arith.muli %add3A_510, %mul3A_511 : i32
      %get3A_513 = arith.constant 0 : i32
      %get3A_514 = arith.index_cast %get3A_513 : i32 to index
      %get3A_515 = arith.index_cast %mul3A_512 : i32 to index
      %get3A_516 = tpu.vector_load %arg10[%get3A_514, %get3A_515] {strides = array<i32>} : memref<16x3584xf32, #tpu.memory_space<vmem>>, vector<16xf32>,
      %sub3A_517 = arith.subf %add3A_102, %get3A_516 : vector<16xf32>
      %mul3A_518 = arith.mulf %get3A_516, %sub3A_517 : vector<16xf32>
      %exp3A_519 = math.exp %mul3A_518 : vector<16xf32>
      %add3A_520 = arith.addf %scan3A_491, %exp3A_519 : vector<16xf32>
      %get3A_521 = arith.constant 1 : i32
      %get3A_522 = arith.index_cast %get3A_521 : i32 to index
      %get3A_523 = arith.index_cast %mul3A_512 : i32 to index
      %get3A_524 = tpu.vector_load %arg10[%get3A_522, %get3A_523] {strides = array<i32>} : memref<16x3584xf32, #tpu.memory_space<vmem>>, vector<16xf32>,
      %sub3A_525 = arith.subf %add3A_103, %get3A_524 : vector<16xf32>
      %mul3A_526 = arith.mulf %get3A_524, %sub3A_525 : vector<16xf32>
      %exp3A_527 = math.exp %mul3A_526 : vector<16xf32>
      %add3A_528 = arith.addf %scan3A_492, %exp3A_527 : vector<16xf32>
      %get3A_529 = arith.constant 2 : i32
      %get3A_530 = arith.index_cast %get3A_529 : i32 to index
      %get3A_531 = arith.index_cast %mul3A_512 : i32 to index
      %get3A_532 = tpu.vector_load %arg10[%get3A_530, %get3A_531] {strides = array<i32>} : memref<16x3584xf32, #tpu.memory_space<vmem>>, vector<16xf32>,
      %sub3A_533 = arith.subf %add3A_104, %get3A_532 : vector<16xf32>
      %mul3A_534 = arith.mulf %get3A_532, %sub3A_533 : vector<16xf32>
      %exp3A_535 = math.exp %mul3A_534 : vector<16xf32>
      %add3A_536 = arith.addf %scan3A_493, %exp3A_535 : vector<16xf32>
      %get3A_537 = arith.constant 3 : i32
      %get3A_538 = arith.index_cast %get3A_537 : i32 to index
      %get3A_539 = arith.index_cast %mul3A_512 : i32 to index
      %get3A_540 = tpu.vector_load %arg10[%get3A_538, %get3A_539] {strides = array<i32>} : memref<16x3584xf32, #tpu.memory_space<vmem>>, vector<16xf32>,
      %sub3A_541 = arith.subf %add3A_105, %get3A_540 : vector<16xf32>
      %mul3A_542 = arith.mulf %get3A_540, %sub3A_541 : vector<16xf32>
      %exp3A_543 = math.exp %mul3A_542 : vector<16xf32>
      %add3A_544 = arith.addf %scan3A_494, %exp3A_543 : vector<16xf32>
      %get3A_545 = arith.constant 4 : i32
      %get3A_546 = arith.index_cast %get3A_545 : i32 to index
      %get3A_547 = arith.index_cast %mul3A_512 : i32 to index
      %get3A_548 = tpu.vector_load %arg10[%get3A_546, %get3A_547] {strides = array<i32>} : memref<16x3584xf32, #tpu.memory_space<vmem>>, vector<16xf32>,
      %sub3A_549 = arith.subf %add3A_106, %get3A_548 : vector<16xf32>
      %mul3A_550 = arith.mulf %get3A_548, %sub3A_549 : vector<16xf32>
      %exp3A_551 = math.exp %mul3A_550 : vector<16xf32>
      %add3A_552 = arith.addf %scan3A_495, %exp3A_551 : vector<16xf32>
      %get3A_553 = arith.constant 5 : i32
      %get3A_554 = arith.index_cast %get3A_553 : i32 to index
      %get3A_555 = arith.index_cast %mul3A_512 : i32 to index
      %get3A_556 = tpu.vector_load %arg10[%get3A_554, %get3A_555] {strides = array<i32>} : memref<16x3584xf32, #tpu.memory_space<vmem>>, vector<16xf32>,
      %sub3A_557 = arith.subf %add3A_107, %get3A_556 : vector<16xf32>
      %mul3A_558 = arith.mulf %get3A_556, %sub3A_557 : vector<16xf32>
      %exp3A_559 = math.exp %mul3A_558 : vector<16xf32>
      %add3A_560 = arith.addf %scan3A_496, %exp3A_559 : vector<16xf32>
      %get3A_561 = arith.constant 6 : i32
      %get3A_562 = arith.index_cast %get3A_561 : i32 to index
      %get3A_563 = arith.index_cast %mul3A_512 : i32 to index
      %get3A_564 = tpu.vector_load %arg10[%get3A_562, %get3A_563] {strides = array<i32>} : memref<16x3584xf32, #tpu.memory_space<vmem>>, vector<16xf32>,
      %sub3A_565 = arith.subf %add3A_108, %get3A_564 : vector<16xf32>
      %mul3A_566 = arith.mulf %get3A_564, %sub3A_565 : vector<16xf32>
      %exp3A_567 = math.exp %mul3A_566 : vector<16xf32>
      %add3A_568 = arith.addf %scan3A_497, %exp3A_567 : vector<16xf32>
      %get3A_569 = arith.constant 7 : i32
      %get3A_570 = arith.index_cast %get3A_569 : i32 to index
      %get3A_571 = arith.index_cast %mul3A_512 : i32 to index
      %get3A_572 = tpu.vector_load %arg10[%get3A_570, %get3A_571] {strides = array<i32>} : memref<16x3584xf32, #tpu.memory_space<vmem>>, vector<16xf32>,
      %sub3A_573 = arith.subf %add3A_109, %get3A_572 : vector<16xf32>
      %mul3A_574 = arith.mulf %get3A_572, %sub3A_573 : vector<16xf32>
      %exp3A_575 = math.exp %mul3A_574 : vector<16xf32>
      %add3A_576 = arith.addf %scan3A_498, %exp3A_575 : vector<16xf32>
      %get3A_577 = arith.constant 8 : i32
      %get3A_578 = arith.index_cast %get3A_577 : i32 to index
      %get3A_579 = arith.index_cast %mul3A_512 : i32 to index
      %get3A_580 = tpu.vector_load %arg10[%get3A_578, %get3A_579] {strides = array<i32>} : memref<16x3584xf32, #tpu.memory_space<vmem>>, vector<16xf32>,
      %sub3A_581 = arith.subf %add3A_110, %get3A_580 : vector<16xf32>
      %mul3A_582 = arith.mulf %get3A_580, %sub3A_581 : vector<16xf32>
      %exp3A_583 = math.exp %mul3A_582 : vector<16xf32>
      %add3A_584 = arith.addf %scan3A_499, %exp3A_583 : vector<16xf32>
      %get3A_585 = arith.constant 9 : i32
      %get3A_586 = arith.index_cast %get3A_585 : i32 to index
      %get3A_587 = arith.index_cast %mul3A_512 : i32 to index
      %get3A_588 = tpu.vector_load %arg10[%get3A_586, %get3A_587] {strides = array<i32>} : memref<16x3584xf32, #tpu.memory_space<vmem>>, vector<16xf32>,
      %sub3A_589 = arith.subf %add3A_111, %get3A_588 : vector<16xf32>
      %mul3A_590 = arith.mulf %get3A_588, %sub3A_589 : vector<16xf32>
      %exp3A_591 = math.exp %mul3A_590 : vector<16xf32>
      %add3A_592 = arith.addf %scan3A_500, %exp3A_591 : vector<16xf32>
      %get3A_593 = arith.constant 10 : i32
      %get3A_594 = arith.index_cast %get3A_593 : i32 to index
      %get3A_595 = arith.index_cast %mul3A_512 : i32 to index
      %get3A_596 = tpu.vector_load %arg10[%get3A_594, %get3A_595] {strides = array<i32>} : memref<16x3584xf32, #tpu.memory_space<vmem>>, vector<16xf32>,
      %sub3A_597 = arith.subf %add3A_112, %get3A_596 : vector<16xf32>
      %mul3A_598 = arith.mulf %get3A_596, %sub3A_597 : vector<16xf32>
      %exp3A_599 = math.exp %mul3A_598 : vector<16xf32>
      %add3A_600 = arith.addf %scan3A_501, %exp3A_599 : vector<16xf32>
      %get3A_601 = arith.constant 11 : i32
      %get3A_602 = arith.index_cast %get3A_601 : i32 to index
      %get3A_603 = arith.index_cast %mul3A_512 : i32 to index
      %get3A_604 = tpu.vector_load %arg10[%get3A_602, %get3A_603] {strides = array<i32>} : memref<16x3584xf32, #tpu.memory_space<vmem>>, vector<16xf32>,
      %sub3A_605 = arith.subf %add3A_113, %get3A_604 : vector<16xf32>
      %mul3A_606 = arith.mulf %get3A_604, %sub3A_605 : vector<16xf32>
      %exp3A_607 = math.exp %mul3A_606 : vector<16xf32>
      %add3A_608 = arith.addf %scan3A_502, %exp3A_607 : vector<16xf32>
      %get3A_609 = arith.constant 12 : i32
      %get3A_610 = arith.index_cast %get3A_609 : i32 to index
      %get3A_611 = arith.index_cast %mul3A_512 : i32 to index
      %get3A_612 = tpu.vector_load %arg10[%get3A_610, %get3A_611] {strides = array<i32>} : memref<16x3584xf32, #tpu.memory_space<vmem>>, vector<16xf32>,
      %sub3A_613 = arith.subf %add3A_114, %get3A_612 : vector<16xf32>
      %mul3A_614 = arith.mulf %get3A_612, %sub3A_613 : vector<16xf32>
      %exp3A_615 = math.exp %mul3A_614 : vector<16xf32>
      %add3A_616 = arith.addf %scan3A_503, %exp3A_615 : vector<16xf32>
      %get3A_617 = arith.constant 13 : i32
      %get3A_618 = arith.index_cast %get3A_617 : i32 to index
      %get3A_619 = arith.index_cast %mul3A_512 : i32 to index
      %get3A_620 = tpu.vector_load %arg10[%get3A_618, %get3A_619] {strides = array<i32>} : memref<16x3584xf32, #tpu.memory_space<vmem>>, vector<16xf32>,
      %sub3A_621 = arith.subf %add3A_115, %get3A_620 : vector<16xf32>
      %mul3A_622 = arith.mulf %get3A_620, %sub3A_621 : vector<16xf32>
      %exp3A_623 = math.exp %mul3A_622 : vector<16xf32>
      %add3A_624 = arith.addf %scan3A_504, %exp3A_623 : vector<16xf32>
      %get3A_625 = arith.constant 14 : i32
      %get3A_626 = arith.index_cast %get3A_625 : i32 to index
      %get3A_627 = arith.index_cast %mul3A_512 : i32 to index
      %get3A_628 = tpu.vector_load %arg10[%get3A_626, %get3A_627] {strides = array<i32>} : memref<16x3584xf32, #tpu.memory_space<vmem>>, vector<16xf32>,
      %sub3A_629 = arith.subf %add3A_116, %get3A_628 : vector<16xf32>
      %mul3A_630 = arith.mulf %get3A_628, %sub3A_629 : vector<16xf32>
      %exp3A_631 = math.exp %mul3A_630 : vector<16xf32>
      %add3A_632 = arith.addf %scan3A_505, %exp3A_631 : vector<16xf32>
      %get3A_633 = arith.constant 15 : i32
      %get3A_634 = arith.index_cast %get3A_633 : i32 to index
      %get3A_635 = arith.index_cast %mul3A_512 : i32 to index
      %get3A_636 = tpu.vector_load %arg10[%get3A_634, %get3A_635] {strides = array<i32>} : memref<16x3584xf32, #tpu.memory_space<vmem>>, vector<16xf32>,
      %sub3A_637 = arith.subf %add3A_117, %get3A_636 : vector<16xf32>
      %mul3A_638 = arith.mulf %get3A_636, %sub3A_637 : vector<16xf32>
      %exp3A_639 = math.exp %mul3A_638 : vector<16xf32>
      %add3A_640 = arith.addf %scan3A_506, %exp3A_639 : vector<16xf32>
      scf.yield %add3A_520, %add3A_528, %add3A_536, %add3A_544, %add3A_552, %add3A_560, %add3A_568, %add3A_576, %add3A_584, %add3A_592, %add3A_600, %add3A_608, %add3A_616, %add3A_624, %add3A_632, %add3A_640 : vector<16xf32>, vector<16xf32>, vector<16xf32>, vector<16xf32>, vector<16xf32>, vector<16xf32>, vector<16xf32>, vector<16xf32>, vector<16xf32>, vector<16xf32>, vector<16xf32>, vector<16xf32>, vector<16xf32>, vector<16xf32>, vector<16xf32>, vector<16xf32>
    }
    %scan3A_263 = arith.constant 224 : i32
    %broadcast_in_dim3A_264 = arith.constant 0.000000e+00 : f32
    %broadcast_in_dim3A_265 = vector.broadcast %broadcast_in_dim3A_264 : f32 to vector<16xf32>
    %mul3A_266 = arith.mulf %gather3A, %gather3A : vector<16xf32>
    %neg3A = arith.constant 0.000000e+00 : f32
    %neg3A_267 = vector.broadcast %neg3A : f32 to vector<16xf32>
    %neg3A_268 = arith.subf %neg3A_267, %mul3A_266 : vector<16xf32>
    %exp3A = math.exp %neg3A_268 : vector<16xf32>
    %lt3A_269 = arith.constant 31 : i32
    %lt3A_270 = arith.cmpi slt, %add3A, %lt3A_269 : i32
    %select_n3A_271 = arith.select %lt3A_270, %scan3A_262#0, %broadcast_in_dim3A_265 : vector<16xf32>
    %add3A_272 = arith.addf %scan3A_252#0, %select_n3A_271 : vector<16xf32>
    %mul3A_273 = arith.mulf %add3A_272, %exp3A : vector<16xf32>
    %swap3A_274 = arith.constant 0 : i32
    %swap3A_275 = arith.index_cast %swap3A_274 : i32 to index
    %swap3A_276 = arith.constant 0 : index
    %swap3A_277 = tpu.vector_load %arg12[%swap3A_275, %swap3A_276] {strides = array<i32>} : memref<16x16xf32, #tpu.memory_space<vmem>>, vector<16xf32>,
    tpu.vector_store %arg12[%swap3A_275, %swap3A_276], %mul3A_273 {strides = array<i32>} : memref<16x16xf32, #tpu.memory_space<vmem>>, vector<16xf32>,
    %mul3A_278 = arith.mulf %gather3A_59, %gather3A_59 : vector<16xf32>
    %neg3A_279 = arith.constant 0.000000e+00 : f32
    %neg3A_280 = vector.broadcast %neg3A_279 : f32 to vector<16xf32>
    %neg3A_281 = arith.subf %neg3A_280, %mul3A_278 : vector<16xf32>
    %exp3A_282 = math.exp %neg3A_281 : vector<16xf32>
    %lt3A_283 = arith.constant 31 : i32
    %lt3A_284 = arith.cmpi slt, %add3A, %lt3A_283 : i32
    %select_n3A_285 = arith.select %lt3A_284, %scan3A_262#1, %broadcast_in_dim3A_265 : vector<16xf32>
    %add3A_286 = arith.addf %scan3A_252#1, %select_n3A_285 : vector<16xf32>
    %mul3A_287 = arith.mulf %add3A_286, %exp3A_282 : vector<16xf32>
    %swap3A_288 = arith.constant 1 : i32
    %swap3A_289 = arith.index_cast %swap3A_288 : i32 to index
    %swap3A_290 = arith.constant 0 : index
    %swap3A_291 = tpu.vector_load %arg12[%swap3A_289, %swap3A_290] {strides = array<i32>} : memref<16x16xf32, #tpu.memory_space<vmem>>, vector<16xf32>,
    tpu.vector_store %arg12[%swap3A_289, %swap3A_290], %mul3A_287 {strides = array<i32>} : memref<16x16xf32, #tpu.memory_space<vmem>>, vector<16xf32>,
    %mul3A_292 = arith.mulf %gather3A_62, %gather3A_62 : vector<16xf32>
    %neg3A_293 = arith.constant 0.000000e+00 : f32
    %neg3A_294 = vector.broadcast %neg3A_293 : f32 to vector<16xf32>
    %neg3A_295 = arith.subf %neg3A_294, %mul3A_292 : vector<16xf32>
    %exp3A_296 = math.exp %neg3A_295 : vector<16xf32>
    %lt3A_297 = arith.constant 31 : i32
    %lt3A_298 = arith.cmpi slt, %add3A, %lt3A_297 : i32
    %select_n3A_299 = arith.select %lt3A_298, %scan3A_262#2, %broadcast_in_dim3A_265 : vector<16xf32>
    %add3A_300 = arith.addf %scan3A_252#2, %select_n3A_299 : vector<16xf32>
    %mul3A_301 = arith.mulf %add3A_300, %exp3A_296 : vector<16xf32>
    %swap3A_302 = arith.constant 2 : i32
    %swap3A_303 = arith.index_cast %swap3A_302 : i32 to index
    %swap3A_304 = arith.constant 0 : index
    %swap3A_305 = tpu.vector_load %arg12[%swap3A_303, %swap3A_304] {strides = array<i32>} : memref<16x16xf32, #tpu.memory_space<vmem>>, vector<16xf32>,
    tpu.vector_store %arg12[%swap3A_303, %swap3A_304], %mul3A_301 {strides = array<i32>} : memref<16x16xf32, #tpu.memory_space<vmem>>, vector<16xf32>,
    %mul3A_306 = arith.mulf %gather3A_65, %gather3A_65 : vector<16xf32>
    %neg3A_307 = arith.constant 0.000000e+00 : f32
    %neg3A_308 = vector.broadcast %neg3A_307 : f32 to vector<16xf32>
    %neg3A_309 = arith.subf %neg3A_308, %mul3A_306 : vector<16xf32>
    %exp3A_310 = math.exp %neg3A_309 : vector<16xf32>
    %lt3A_311 = arith.constant 31 : i32
    %lt3A_312 = arith.cmpi slt, %add3A, %lt3A_311 : i32
    %select_n3A_313 = arith.select %lt3A_312, %scan3A_262#3, %broadcast_in_dim3A_265 : vector<16xf32>
    %add3A_314 = arith.addf %scan3A_252#3, %select_n3A_313 : vector<16xf32>
    %mul3A_315 = arith.mulf %add3A_314, %exp3A_310 : vector<16xf32>
    %swap3A_316 = arith.constant 3 : i32
    %swap3A_317 = arith.index_cast %swap3A_316 : i32 to index
    %swap3A_318 = arith.constant 0 : index
    %swap3A_319 = tpu.vector_load %arg12[%swap3A_317, %swap3A_318] {strides = array<i32>} : memref<16x16xf32, #tpu.memory_space<vmem>>, vector<16xf32>,
    tpu.vector_store %arg12[%swap3A_317, %swap3A_318], %mul3A_315 {strides = array<i32>} : memref<16x16xf32, #tpu.memory_space<vmem>>, vector<16xf32>,
    %mul3A_320 = arith.mulf %gather3A_68, %gather3A_68 : vector<16xf32>
    %neg3A_321 = arith.constant 0.000000e+00 : f32
    %neg3A_322 = vector.broadcast %neg3A_321 : f32 to vector<16xf32>
    %neg3A_323 = arith.subf %neg3A_322, %mul3A_320 : vector<16xf32>
    %exp3A_324 = math.exp %neg3A_323 : vector<16xf32>
    %lt3A_325 = arith.constant 31 : i32
    %lt3A_326 = arith.cmpi slt, %add3A, %lt3A_325 : i32
    %select_n3A_327 = arith.select %lt3A_326, %scan3A_262#4, %broadcast_in_dim3A_265 : vector<16xf32>
    %add3A_328 = arith.addf %scan3A_252#4, %select_n3A_327 : vector<16xf32>
    %mul3A_329 = arith.mulf %add3A_328, %exp3A_324 : vector<16xf32>
    %swap3A_330 = arith.constant 4 : i32
    %swap3A_331 = arith.index_cast %swap3A_330 : i32 to index
    %swap3A_332 = arith.constant 0 : index
    %swap3A_333 = tpu.vector_load %arg12[%swap3A_331, %swap3A_332] {strides = array<i32>} : memref<16x16xf32, #tpu.memory_space<vmem>>, vector<16xf32>,
    tpu.vector_store %arg12[%swap3A_331, %swap3A_332], %mul3A_329 {strides = array<i32>} : memref<16x16xf32, #tpu.memory_space<vmem>>, vector<16xf32>,
    %mul3A_334 = arith.mulf %gather3A_71, %gather3A_71 : vector<16xf32>
    %neg3A_335 = arith.constant 0.000000e+00 : f32
    %neg3A_336 = vector.broadcast %neg3A_335 : f32 to vector<16xf32>
    %neg3A_337 = arith.subf %neg3A_336, %mul3A_334 : vector<16xf32>
    %exp3A_338 = math.exp %neg3A_337 : vector<16xf32>
    %lt3A_339 = arith.constant 31 : i32
    %lt3A_340 = arith.cmpi slt, %add3A, %lt3A_339 : i32
    %select_n3A_341 = arith.select %lt3A_340, %scan3A_262#5, %broadcast_in_dim3A_265 : vector<16xf32>
    %add3A_342 = arith.addf %scan3A_252#5, %select_n3A_341 : vector<16xf32>
    %mul3A_343 = arith.mulf %add3A_342, %exp3A_338 : vector<16xf32>
    %swap3A_344 = arith.constant 5 : i32
    %swap3A_345 = arith.index_cast %swap3A_344 : i32 to index
    %swap3A_346 = arith.constant 0 : index
    %swap3A_347 = tpu.vector_load %arg12[%swap3A_345, %swap3A_346] {strides = array<i32>} : memref<16x16xf32, #tpu.memory_space<vmem>>, vector<16xf32>,
    tpu.vector_store %arg12[%swap3A_345, %swap3A_346], %mul3A_343 {strides = array<i32>} : memref<16x16xf32, #tpu.memory_space<vmem>>, vector<16xf32>,
    %mul3A_348 = arith.mulf %gather3A_74, %gather3A_74 : vector<16xf32>
    %neg3A_349 = arith.constant 0.000000e+00 : f32
    %neg3A_350 = vector.broadcast %neg3A_349 : f32 to vector<16xf32>
    %neg3A_351 = arith.subf %neg3A_350, %mul3A_348 : vector<16xf32>
    %exp3A_352 = math.exp %neg3A_351 : vector<16xf32>
    %lt3A_353 = arith.constant 31 : i32
    %lt3A_354 = arith.cmpi slt, %add3A, %lt3A_353 : i32
    %select_n3A_355 = arith.select %lt3A_354, %scan3A_262#6, %broadcast_in_dim3A_265 : vector<16xf32>
    %add3A_356 = arith.addf %scan3A_252#6, %select_n3A_355 : vector<16xf32>
    %mul3A_357 = arith.mulf %add3A_356, %exp3A_352 : vector<16xf32>
    %swap3A_358 = arith.constant 6 : i32
    %swap3A_359 = arith.index_cast %swap3A_358 : i32 to index
    %swap3A_360 = arith.constant 0 : index
    %swap3A_361 = tpu.vector_load %arg12[%swap3A_359, %swap3A_360] {strides = array<i32>} : memref<16x16xf32, #tpu.memory_space<vmem>>, vector<16xf32>,
    tpu.vector_store %arg12[%swap3A_359, %swap3A_360], %mul3A_357 {strides = array<i32>} : memref<16x16xf32, #tpu.memory_space<vmem>>, vector<16xf32>,
    %mul3A_362 = arith.mulf %gather3A_77, %gather3A_77 : vector<16xf32>
    %neg3A_363 = arith.constant 0.000000e+00 : f32
    %neg3A_364 = vector.broadcast %neg3A_363 : f32 to vector<16xf32>
    %neg3A_365 = arith.subf %neg3A_364, %mul3A_362 : vector<16xf32>
    %exp3A_366 = math.exp %neg3A_365 : vector<16xf32>
    %lt3A_367 = arith.constant 31 : i32
    %lt3A_368 = arith.cmpi slt, %add3A, %lt3A_367 : i32
    %select_n3A_369 = arith.select %lt3A_368, %scan3A_262#7, %broadcast_in_dim3A_265 : vector<16xf32>
    %add3A_370 = arith.addf %scan3A_252#7, %select_n3A_369 : vector<16xf32>
    %mul3A_371 = arith.mulf %add3A_370, %exp3A_366 : vector<16xf32>
    %swap3A_372 = arith.constant 7 : i32
    %swap3A_373 = arith.index_cast %swap3A_372 : i32 to index
    %swap3A_374 = arith.constant 0 : index
    %swap3A_375 = tpu.vector_load %arg12[%swap3A_373, %swap3A_374] {strides = array<i32>} : memref<16x16xf32, #tpu.memory_space<vmem>>, vector<16xf32>,
    tpu.vector_store %arg12[%swap3A_373, %swap3A_374], %mul3A_371 {strides = array<i32>} : memref<16x16xf32, #tpu.memory_space<vmem>>, vector<16xf32>,
    %mul3A_376 = arith.mulf %gather3A_80, %gather3A_80 : vector<16xf32>
    %neg3A_377 = arith.constant 0.000000e+00 : f32
    %neg3A_378 = vector.broadcast %neg3A_377 : f32 to vector<16xf32>
    %neg3A_379 = arith.subf %neg3A_378, %mul3A_376 : vector<16xf32>
    %exp3A_380 = math.exp %neg3A_379 : vector<16xf32>
    %lt3A_381 = arith.constant 31 : i32
    %lt3A_382 = arith.cmpi slt, %add3A, %lt3A_381 : i32
    %select_n3A_383 = arith.select %lt3A_382, %scan3A_262#8, %broadcast_in_dim3A_265 : vector<16xf32>
    %add3A_384 = arith.addf %scan3A_252#8, %select_n3A_383 : vector<16xf32>
    %mul3A_385 = arith.mulf %add3A_384, %exp3A_380 : vector<16xf32>
    %swap3A_386 = arith.constant 8 : i32
    %swap3A_387 = arith.index_cast %swap3A_386 : i32 to index
    %swap3A_388 = arith.constant 0 : index
    %swap3A_389 = tpu.vector_load %arg12[%swap3A_387, %swap3A_388] {strides = array<i32>} : memref<16x16xf32, #tpu.memory_space<vmem>>, vector<16xf32>,
    tpu.vector_store %arg12[%swap3A_387, %swap3A_388], %mul3A_385 {strides = array<i32>} : memref<16x16xf32, #tpu.memory_space<vmem>>, vector<16xf32>,
    %mul3A_390 = arith.mulf %gather3A_83, %gather3A_83 : vector<16xf32>
    %neg3A_391 = arith.constant 0.000000e+00 : f32
    %neg3A_392 = vector.broadcast %neg3A_391 : f32 to vector<16xf32>
    %neg3A_393 = arith.subf %neg3A_392, %mul3A_390 : vector<16xf32>
    %exp3A_394 = math.exp %neg3A_393 : vector<16xf32>
    %lt3A_395 = arith.constant 31 : i32
    %lt3A_396 = arith.cmpi slt, %add3A, %lt3A_395 : i32
    %select_n3A_397 = arith.select %lt3A_396, %scan3A_262#9, %broadcast_in_dim3A_265 : vector<16xf32>
    %add3A_398 = arith.addf %scan3A_252#9, %select_n3A_397 : vector<16xf32>
    %mul3A_399 = arith.mulf %add3A_398, %exp3A_394 : vector<16xf32>
    %swap3A_400 = arith.constant 9 : i32
    %swap3A_401 = arith.index_cast %swap3A_400 : i32 to index
    %swap3A_402 = arith.constant 0 : index
    %swap3A_403 = tpu.vector_load %arg12[%swap3A_401, %swap3A_402] {strides = array<i32>} : memref<16x16xf32, #tpu.memory_space<vmem>>, vector<16xf32>,
    tpu.vector_store %arg12[%swap3A_401, %swap3A_402], %mul3A_399 {strides = array<i32>} : memref<16x16xf32, #tpu.memory_space<vmem>>, vector<16xf32>,
    %mul3A_404 = arith.mulf %gather3A_86, %gather3A_86 : vector<16xf32>
    %neg3A_405 = arith.constant 0.000000e+00 : f32
    %neg3A_406 = vector.broadcast %neg3A_405 : f32 to vector<16xf32>
    %neg3A_407 = arith.subf %neg3A_406, %mul3A_404 : vector<16xf32>
    %exp3A_408 = math.exp %neg3A_407 : vector<16xf32>
    %lt3A_409 = arith.constant 31 : i32
    %lt3A_410 = arith.cmpi slt, %add3A, %lt3A_409 : i32
    %select_n3A_411 = arith.select %lt3A_410, %scan3A_262#10, %broadcast_in_dim3A_265 : vector<16xf32>
    %add3A_412 = arith.addf %scan3A_252#10, %select_n3A_411 : vector<16xf32>
    %mul3A_413 = arith.mulf %add3A_412, %exp3A_408 : vector<16xf32>
    %swap3A_414 = arith.constant 10 : i32
    %swap3A_415 = arith.index_cast %swap3A_414 : i32 to index
    %swap3A_416 = arith.constant 0 : index
    %swap3A_417 = tpu.vector_load %arg12[%swap3A_415, %swap3A_416] {strides = array<i32>} : memref<16x16xf32, #tpu.memory_space<vmem>>, vector<16xf32>,
    tpu.vector_store %arg12[%swap3A_415, %swap3A_416], %mul3A_413 {strides = array<i32>} : memref<16x16xf32, #tpu.memory_space<vmem>>, vector<16xf32>,
    %mul3A_418 = arith.mulf %gather3A_89, %gather3A_89 : vector<16xf32>
    %neg3A_419 = arith.constant 0.000000e+00 : f32
    %neg3A_420 = vector.broadcast %neg3A_419 : f32 to vector<16xf32>
    %neg3A_421 = arith.subf %neg3A_420, %mul3A_418 : vector<16xf32>
    %exp3A_422 = math.exp %neg3A_421 : vector<16xf32>
    %lt3A_423 = arith.constant 31 : i32
    %lt3A_424 = arith.cmpi slt, %add3A, %lt3A_423 : i32
    %select_n3A_425 = arith.select %lt3A_424, %scan3A_262#11, %broadcast_in_dim3A_265 : vector<16xf32>
    %add3A_426 = arith.addf %scan3A_252#11, %select_n3A_425 : vector<16xf32>
    %mul3A_427 = arith.mulf %add3A_426, %exp3A_422 : vector<16xf32>
    %swap3A_428 = arith.constant 11 : i32
    %swap3A_429 = arith.index_cast %swap3A_428 : i32 to index
    %swap3A_430 = arith.constant 0 : index
    %swap3A_431 = tpu.vector_load %arg12[%swap3A_429, %swap3A_430] {strides = array<i32>} : memref<16x16xf32, #tpu.memory_space<vmem>>, vector<16xf32>,
    tpu.vector_store %arg12[%swap3A_429, %swap3A_430], %mul3A_427 {strides = array<i32>} : memref<16x16xf32, #tpu.memory_space<vmem>>, vector<16xf32>,
    %mul3A_432 = arith.mulf %gather3A_92, %gather3A_92 : vector<16xf32>
    %neg3A_433 = arith.constant 0.000000e+00 : f32
    %neg3A_434 = vector.broadcast %neg3A_433 : f32 to vector<16xf32>
    %neg3A_435 = arith.subf %neg3A_434, %mul3A_432 : vector<16xf32>
    %exp3A_436 = math.exp %neg3A_435 : vector<16xf32>
    %lt3A_437 = arith.constant 31 : i32
    %lt3A_438 = arith.cmpi slt, %add3A, %lt3A_437 : i32
    %select_n3A_439 = arith.select %lt3A_438, %scan3A_262#12, %broadcast_in_dim3A_265 : vector<16xf32>
    %add3A_440 = arith.addf %scan3A_252#12, %select_n3A_439 : vector<16xf32>
    %mul3A_441 = arith.mulf %add3A_440, %exp3A_436 : vector<16xf32>
    %swap3A_442 = arith.constant 12 : i32
    %swap3A_443 = arith.index_cast %swap3A_442 : i32 to index
    %swap3A_444 = arith.constant 0 : index
    %swap3A_445 = tpu.vector_load %arg12[%swap3A_443, %swap3A_444] {strides = array<i32>} : memref<16x16xf32, #tpu.memory_space<vmem>>, vector<16xf32>,
    tpu.vector_store %arg12[%swap3A_443, %swap3A_444], %mul3A_441 {strides = array<i32>} : memref<16x16xf32, #tpu.memory_space<vmem>>, vector<16xf32>,
    %mul3A_446 = arith.mulf %gather3A_95, %gather3A_95 : vector<16xf32>
    %neg3A_447 = arith.constant 0.000000e+00 : f32
    %neg3A_448 = vector.broadcast %neg3A_447 : f32 to vector<16xf32>
    %neg3A_449 = arith.subf %neg3A_448, %mul3A_446 : vector<16xf32>
    %exp3A_450 = math.exp %neg3A_449 : vector<16xf32>
    %lt3A_451 = arith.constant 31 : i32
    %lt3A_452 = arith.cmpi slt, %add3A, %lt3A_451 : i32
    %select_n3A_453 = arith.select %lt3A_452, %scan3A_262#13, %broadcast_in_dim3A_265 : vector<16xf32>
    %add3A_454 = arith.addf %scan3A_252#13, %select_n3A_453 : vector<16xf32>
    %mul3A_455 = arith.mulf %add3A_454, %exp3A_450 : vector<16xf32>
    %swap3A_456 = arith.constant 13 : i32
    %swap3A_457 = arith.index_cast %swap3A_456 : i32 to index
    %swap3A_458 = arith.constant 0 : index
    %swap3A_459 = tpu.vector_load %arg12[%swap3A_457, %swap3A_458] {strides = array<i32>} : memref<16x16xf32, #tpu.memory_space<vmem>>, vector<16xf32>,
    tpu.vector_store %arg12[%swap3A_457, %swap3A_458], %mul3A_455 {strides = array<i32>} : memref<16x16xf32, #tpu.memory_space<vmem>>, vector<16xf32>,
    %mul3A_460 = arith.mulf %gather3A_98, %gather3A_98 : vector<16xf32>
    %neg3A_461 = arith.constant 0.000000e+00 : f32
    %neg3A_462 = vector.broadcast %neg3A_461 : f32 to vector<16xf32>
    %neg3A_463 = arith.subf %neg3A_462, %mul3A_460 : vector<16xf32>
    %exp3A_464 = math.exp %neg3A_463 : vector<16xf32>
    %lt3A_465 = arith.constant 31 : i32
    %lt3A_466 = arith.cmpi slt, %add3A, %lt3A_465 : i32
    %select_n3A_467 = arith.select %lt3A_466, %scan3A_262#14, %broadcast_in_dim3A_265 : vector<16xf32>
    %add3A_468 = arith.addf %scan3A_252#14, %select_n3A_467 : vector<16xf32>
    %mul3A_469 = arith.mulf %add3A_468, %exp3A_464 : vector<16xf32>
    %swap3A_470 = arith.constant 14 : i32
    %swap3A_471 = arith.index_cast %swap3A_470 : i32 to index
    %swap3A_472 = arith.constant 0 : index
    %swap3A_473 = tpu.vector_load %arg12[%swap3A_471, %swap3A_472] {strides = array<i32>} : memref<16x16xf32, #tpu.memory_space<vmem>>, vector<16xf32>,
    tpu.vector_store %arg12[%swap3A_471, %swap3A_472], %mul3A_469 {strides = array<i32>} : memref<16x16xf32, #tpu.memory_space<vmem>>, vector<16xf32>,
    %mul3A_474 = arith.mulf %gather3A_101, %gather3A_101 : vector<16xf32>
    %neg3A_475 = arith.constant 0.000000e+00 : f32
    %neg3A_476 = vector.broadcast %neg3A_475 : f32 to vector<16xf32>
    %neg3A_477 = arith.subf %neg3A_476, %mul3A_474 : vector<16xf32>
    %exp3A_478 = math.exp %neg3A_477 : vector<16xf32>
    %lt3A_479 = arith.constant 31 : i32
    %lt3A_480 = arith.cmpi slt, %add3A, %lt3A_479 : i32
    %select_n3A_481 = arith.select %lt3A_480, %scan3A_262#15, %broadcast_in_dim3A_265 : vector<16xf32>
    %add3A_482 = arith.addf %scan3A_252#15, %select_n3A_481 : vector<16xf32>
    %mul3A_483 = arith.mulf %add3A_482, %exp3A_478 : vector<16xf32>
    %swap3A_484 = arith.constant 15 : i32
    %swap3A_485 = arith.index_cast %swap3A_484 : i32 to index
    %swap3A_486 = arith.constant 0 : index
    %swap3A_487 = tpu.vector_load %arg12[%swap3A_485, %swap3A_486] {strides = array<i32>} : memref<16x16xf32, #tpu.memory_space<vmem>>, vector<16xf32>,
    tpu.vector_store %arg12[%swap3A_485, %swap3A_486], %mul3A_483 {strides = array<i32>} : memref<16x16xf32, #tpu.memory_space<vmem>>, vector<16xf32>,
    "tpu.region"() ({
      %run_scoped3A = tpu.sem_alloc : memref<!tpu.dma_semaphore, #tpu.memory_space<semaphore_mem>>
      %dma_start3A_490 = arith.constant 0 : i32
      %dma_start3A_491 = arith.constant 0 : i32
      %dma_start3A_492 = tpu.memref_slice %arg4[%add3A, %dma_start3A_490, %dma_start3A_491] : memref<32x16x16xf32, #tpu.memory_space<hbm>> -> memref<1x16x16xf32, #tpu.memory_space<hbm>>
      %dma_start3A_493 = tpu.memref_squeeze %dma_start3A_492 : memref<1x16x16xf32, #tpu.memory_space<hbm>> -> memref<16x16xf32, #tpu.memory_space<hbm>>
      %dma_start3A_494 = arith.constant 0 : i32
      %dma_start3A_495 = arith.constant 0 : i32
      %dma_start3A_496 = tpu.memref_slice %arg4[%add3A, %dma_start3A_494, %dma_start3A_495] : memref<32x16x16xf32, #tpu.memory_space<hbm>> -> memref<1x16x16xf32, #tpu.memory_space<hbm>>
      %dma_start3A_497 = tpu.memref_squeeze %dma_start3A_496 : memref<1x16x16xf32, #tpu.memory_space<hbm>> -> memref<16x16xf32, #tpu.memory_space<hbm>>
      tpu.enqueue_dma source(%arg12 : memref<16x16xf32, #tpu.memory_space<vmem>>) target(%dma_start3A_497 : memref<16x16xf32, #tpu.memory_space<hbm>>) target_semaphore(%run_scoped3A : memref<!tpu.dma_semaphore, #tpu.memory_space<semaphore_mem>>)
      %dma_wait3A_498 = arith.constant 0 : i32
      %dma_wait3A_499 = arith.constant 0 : i32
      %dma_wait3A_500 = tpu.memref_slice %arg4[%add3A, %dma_wait3A_498, %dma_wait3A_499] : memref<32x16x16xf32, #tpu.memory_space<hbm>> -> memref<1x16x16xf32, #tpu.memory_space<hbm>>
      %dma_wait3A_501 = tpu.memref_squeeze %dma_wait3A_500 : memref<1x16x16xf32, #tpu.memory_space<hbm>> -> memref<16x16xf32, #tpu.memory_space<hbm>>
      %dma_wait3A_502 = arith.constant 0 : i32
      %dma_wait3A_503 = arith.constant 0 : i32
      %dma_wait3A_504 = tpu.memref_slice %arg4[%add3A, %dma_wait3A_502, %dma_wait3A_503] : memref<32x16x16xf32, #tpu.memory_space<hbm>> -> memref<1x16x16xf32, #tpu.memory_space<hbm>>
      %dma_wait3A_505 = tpu.memref_squeeze %dma_wait3A_504 : memref<1x16x16xf32, #tpu.memory_space<hbm>> -> memref<16x16xf32, #tpu.memory_space<hbm>>
      tpu.wait_dma2 semaphore(%run_scoped3A : memref<!tpu.dma_semaphore, #tpu.memory_space<semaphore_mem>>) src(%arg12 : memref<16x16xf32, #tpu.memory_space<vmem>>) dst(%dma_wait3A_505 : memref<16x16xf32, #tpu.memory_space<hbm>>)
      tpu.yield
    }) : () -> ()
    %eq3A = arith.constant 0 : i32
    %eq3A_488 = arith.cmpi eq, %add3A, %eq3A : i32
    %convert_element_type3A = arith.extui %eq3A_488 : i1 to i32
    %cond3A = arith.constant 0 : i32
    %cond3A_489 = arith.cmpi ne, %convert_element_type3A, %cond3A : i32
    scf.if %cond3A_489 {
      "tpu.region"() ({
        %run_scoped3A = tpu.sem_alloc : memref<!tpu.dma_semaphore, #tpu.memory_space<semaphore_mem>>
        tpu.enqueue_dma source(%arg9 : memref<2x16xf32, #tpu.memory_space<vmem>>) target(%arg5 : memref<2x16xf32, #tpu.memory_space<hbm>>) target_semaphore(%run_scoped3A : memref<!tpu.dma_semaphore, #tpu.memory_space<semaphore_mem>>)
        tpu.wait_dma2 semaphore(%run_scoped3A : memref<!tpu.dma_semaphore, #tpu.memory_space<semaphore_mem>>) src(%arg9 : memref<2x16xf32, #tpu.memory_space<vmem>>) dst(%arg5 : memref<2x16xf32, #tpu.memory_space<hbm>>)
        tpu.yield
      }) : () -> ()
    } else {
    }
    return
  }
}

module attributes {stable_mosaic.version = 14 : i64} {
  func.func @_tc_epilogue(%arg0: memref<1x16xf32, #tpu.memory_space<vmem>>, %arg1: memref<2x16xf32, #tpu.memory_space<vmem>>, %arg2: memref<32x16x16xf32, #tpu.memory_space<vmem>>, %arg3: memref<64x16xf32, #tpu.memory_space<vmem>>, %arg4: memref<16x1xf32, #tpu.memory_space<vmem>>, %arg5: memref<1x1xf32, #tpu.memory_space<vmem>>) attributes {dimension_semantics = [], scalar_prefetch = 0 : i64, scratch_operands = 0 : i64, tpu.core_type = #tpu.core_type<tc>} {
    %get3A = arith.constant 0 : index
    %get3A_0 = arith.constant 0 : index
    %get3A_1 = vector.load %arg1[%get3A, %get3A_0] : memref<2x16xf32, #tpu.memory_space<vmem>>, vector<1x16xf32>
    %get3A_2 = arith.constant 1 : index
    %get3A_3 = arith.constant 0 : index
    %get3A_4 = vector.load %arg1[%get3A_2, %get3A_3] : memref<2x16xf32, #tpu.memory_space<vmem>>, vector<1x16xf32>
    %get3A_5 = arith.constant 0 : index
    %get3A_6 = arith.constant 0 : index
    %get3A_7 = arith.constant 0 : index
    %get3A_8 = vector.load %arg2[%get3A_5, %get3A_6, %get3A_7] : memref<32x16x16xf32, #tpu.memory_space<vmem>>, vector<32x16x16xf32>
    %reduce_sum3A = vector.shape_cast %get3A_8 : vector<32x16x16xf32> to vector<1x32x16x16xf32>
    %reduce_sum3A_9 = arith.constant dense<0.000000e+00> : vector<1xf32>
    %reduce_sum3A_10 = vector.multi_reduction <add>, %reduce_sum3A, %reduce_sum3A_9 [1, 2, 3] : vector<1x32x16x16xf32> to vector<1xf32>
    %reduce_sum3A_11 = vector.shape_cast %reduce_sum3A_10 : vector<1xf32> to vector<1x1x1x1xf32>
    %reduce_sum3A_12 = vector.extract %reduce_sum3A_11[0, 0, 0, 0] : f32 from vector<1x1x1x1xf32>
    %get3A_13 = arith.constant 0 : index
    %get3A_14 = arith.constant 0 : index
    %get3A_15 = vector.load %arg3[%get3A_13, %get3A_14] : memref<64x16xf32, #tpu.memory_space<vmem>>, vector<64x16xf32>
    %sub3A = vector.broadcast %get3A_1 : vector<1x16xf32> to vector<64x16xf32>
    %sub3A_16 = arith.subf %get3A_15, %sub3A : vector<64x16xf32>
    %mul3A = arith.mulf %sub3A_16, %sub3A_16 : vector<64x16xf32>
    %neg3A = arith.constant 0.000000e+00 : f32
    %neg3A_17 = vector.broadcast %neg3A : f32 to vector<64x16xf32>
    %neg3A_18 = arith.subf %neg3A_17, %mul3A : vector<64x16xf32>
    %exp3A = math.exp %neg3A_18 : vector<64x16xf32>
    %reduce_sum3A_19 = vector.shape_cast %exp3A : vector<64x16xf32> to vector<1x64x16xf32>
    %reduce_sum3A_20 = arith.constant dense<0.000000e+00> : vector<1xf32>
    %reduce_sum3A_21 = vector.multi_reduction <add>, %reduce_sum3A_19, %reduce_sum3A_20 [1, 2] : vector<1x64x16xf32> to vector<1xf32>
    %reduce_sum3A_22 = vector.shape_cast %reduce_sum3A_21 : vector<1xf32> to vector<1x1x1xf32>
    %reduce_sum3A_23 = vector.extract %reduce_sum3A_22[0, 0, 0] : f32 from vector<1x1x1xf32>
    %get3A_24 = arith.constant 0 : index
    %get3A_25 = arith.constant 0 : index
    %get3A_26 = vector.load %arg4[%get3A_24, %get3A_25] : memref<16x1xf32, #tpu.memory_space<vmem>>, vector<16x1xf32>
    %reshape3A = vector.shape_cast %get3A_26 : vector<16x1xf32> to vector<1x16xf32>
    %mul3A_27 = arith.mulf %get3A_1, %get3A_1 : vector<1x16xf32>
    %neg3A_28 = arith.constant 0.000000e+00 : f32
    %neg3A_29 = vector.broadcast %neg3A_28 : f32 to vector<1x16xf32>
    %neg3A_30 = arith.subf %neg3A_29, %mul3A_27 : vector<1x16xf32>
    %exp3A_31 = math.exp %neg3A_30 : vector<1x16xf32>
    %mul3A_32 = arith.mulf %reshape3A, %exp3A_31 : vector<1x16xf32>
    %reduce_sum3A_33 = vector.shape_cast %mul3A_32 : vector<1x16xf32> to vector<1x1x16xf32>
    %reduce_sum3A_34 = arith.constant dense<0.000000e+00> : vector<1xf32>
    %reduce_sum3A_35 = vector.multi_reduction <add>, %reduce_sum3A_33, %reduce_sum3A_34 [1, 2] : vector<1x1x16xf32> to vector<1xf32>
    %reduce_sum3A_36 = vector.shape_cast %reduce_sum3A_35 : vector<1xf32> to vector<1x1x1xf32>
    %reduce_sum3A_37 = vector.extract %reduce_sum3A_36[0, 0, 0] : f32 from vector<1x1x1xf32>
    %add3A = arith.addf %reduce_sum3A_12, %reduce_sum3A_23 : f32
    %add3A_38 = arith.addf %add3A, %reduce_sum3A_37 : f32
    %sub3A_39 = arith.constant 1.600000e+01 : f32
    %sub3A_40 = arith.subf %add3A_38, %sub3A_39 : f32
    %sub3A_41 = arith.subf %get3A_1, %get3A_4 : vector<1x16xf32>
    %get3A_42 = arith.constant 0 : index
    %get3A_43 = arith.constant 0 : index
    %get3A_44 = vector.load %arg0[%get3A_42, %get3A_43] : memref<1x16xf32, #tpu.memory_space<vmem>>, vector<1x16xf32>
    %log3A = math.log %get3A_44 : vector<1x16xf32>
    %mul3A_45 = arith.mulf %sub3A_41, %sub3A_41 : vector<1x16xf32>
    %add3A_46 = arith.addf %log3A, %mul3A_45 : vector<1x16xf32>
    %log3A_47 = math.log %sub3A_40 : f32
    %add3A_48 = vector.broadcast %log3A_47 : f32 to vector<1x16xf32>
    %add3A_49 = arith.addf %add3A_46, %add3A_48 : vector<1x16xf32>
    %mul3A_50 = arith.mulf %get3A_44, %add3A_49 : vector<1x16xf32>
    %reduce_sum3A_51 = vector.shape_cast %mul3A_50 : vector<1x16xf32> to vector<1x1x16xf32>
    %reduce_sum3A_52 = arith.constant dense<0.000000e+00> : vector<1xf32>
    %reduce_sum3A_53 = vector.multi_reduction <add>, %reduce_sum3A_51, %reduce_sum3A_52 [1, 2] : vector<1x1x16xf32> to vector<1xf32>
    %reduce_sum3A_54 = vector.shape_cast %reduce_sum3A_53 : vector<1xf32> to vector<1x1x1xf32>
    %reduce_sum3A_55 = vector.extract %reduce_sum3A_54[0, 0, 0] : f32 from vector<1x1x1xf32>
    %reshape3A_56 = vector.broadcast %reduce_sum3A_55 : f32 to vector<1x1xf32>
    %swap3A = arith.constant 0 : index
    %swap3A_57 = arith.constant 0 : index
    %swap3A_58 = vector.load %arg5[%swap3A, %swap3A_57] : memref<1x1xf32, #tpu.memory_space<vmem>>, vector<1x1xf32>
    tpu.vector_store %arg5[%swap3A, %swap3A_57], %reshape3A_56 {strides = array<i32>} : memref<1x1xf32, #tpu.memory_space<vmem>>, vector<1x1xf32>,
    return
  }
}

module attributes {stable_mosaic.version = 14 : i64} {
  func.func @_tc_stream(%arg0: i32, %arg1: memref<1xi32, #tpu.memory_space<smem>>, %arg2: memref<16x10752xf32, #tpu.memory_space<vmem>>, %arg3: memref<16x1000000xf32, #tpu.memory_space<any>>, %arg4: memref<16x1xf32, #tpu.memory_space<vmem>>, %arg5: memref<16x128xf32, #tpu.memory_space<vmem>>, %arg6: memref<16x1xf32, #tpu.memory_space<vmem>>, %arg7: memref<!tpu.dma_semaphore, #tpu.memory_space<semaphore_mem>>) attributes {dimension_semantics = [#tpu.dimension_semantics<arbitrary>], iteration_bounds = array<i64: 40>, scalar_prefetch = 0 : i64, scratch_operands = 3 : i64, tpu.core_type = #tpu.core_type<tc>, window_params = [{transform_indices = @transform_0, window_bounds = array<i64: 1>}, {transform_indices = @transform_1, window_bounds = array<i64: 16, 10752>}, {}, {pipeline_mode = #tpu.pipeline_mode<synchronous>, transform_indices = @transform_3, window_bounds = array<i64: 16, 1>}]} {
    %eq3A = arith.constant 0 : i32
    %eq3A_0 = arith.cmpi eq, %arg0, %eq3A : i32
    %convert_element_type3A = arith.extui %eq3A_0 : i1 to i32
    %cond3A = arith.constant 0 : i32
    %cond3A_1 = arith.cmpi ne, %convert_element_type3A, %cond3A : i32
    scf.if %cond3A_1 {
      %get3A_14 = arith.constant 0 : index
      %get3A_15 = memref.load %arg1[%get3A_14] : memref<1xi32, #tpu.memory_space<smem>>
      %jit3A = arith.constant 128 : i32
      %div3A = arith.divsi %get3A_15, %jit3A : i32
      %sign3A = arith.constant 0 : i32
      %sign3A_16 = arith.cmpi sgt, %get3A_15, %sign3A : i32
      %sign3A_17 = arith.extui %sign3A_16 : i1 to i32
      %sign3A_18 = arith.constant 0 : i32
      %sign3A_19 = arith.cmpi slt, %get3A_15, %sign3A_18 : i32
      %sign3A_20 = arith.extui %sign3A_19 : i1 to i32
      %sign3A_21 = arith.subi %sign3A_17, %sign3A_20 : i32
      %sign3A_22 = arith.constant 0 : i32
      %sign3A_23 = arith.cmpi sgt, %jit3A, %sign3A_22 : i32
      %sign3A_24 = arith.extui %sign3A_23 : i1 to i32
      %sign3A_25 = arith.constant 0 : i32
      %sign3A_26 = arith.cmpi slt, %jit3A, %sign3A_25 : i32
      %sign3A_27 = arith.extui %sign3A_26 : i1 to i32
      %sign3A_28 = arith.subi %sign3A_24, %sign3A_27 : i32
      %ne3A = arith.cmpi ne, %sign3A_21, %sign3A_28 : i32
      %rem3A = arith.remsi %get3A_15, %jit3A : i32
      %ne3A_29 = arith.constant 0 : i32
      %ne3A_30 = arith.cmpi ne, %rem3A, %ne3A_29 : i32
      %and3A = arith.andi %ne3A, %ne3A_30 : i1
      %sub3A_31 = arith.constant 1 : i32
      %sub3A_32 = arith.subi %div3A, %sub3A_31 : i32
      %select_n3A = arith.select %and3A, %sub3A_32, %div3A : i32
      %mul3A_33 = arith.constant 128 : i32
      %mul3A_34 = arith.muli %select_n3A, %mul3A_33 : i32
      %min3A = arith.constant 999872 : i32
      %min3A_35 = arith.minsi %mul3A_34, %min3A : i32
      %multiple_of3A = tpu.assume_multiple %min3A_35, 128 : i32
      %dma_start3A = arith.constant 0 : i32
      %dma_start3A_36 = tpu.memref_slice %arg3[%dma_start3A, %multiple_of3A] : memref<16x1000000xf32, #tpu.memory_space<any>> -> memref<16x128xf32, #tpu.memory_space<any>>
      tpu.enqueue_dma source(%dma_start3A_36 : memref<16x128xf32, #tpu.memory_space<any>>) target(%arg5 : memref<16x128xf32, #tpu.memory_space<vmem>>) target_semaphore(%arg7 : memref<!tpu.dma_semaphore, #tpu.memory_space<semaphore_mem>>)
      %dma_wait3A = arith.constant 0 : i32
      %dma_wait3A_37 = tpu.memref_slice %arg3[%dma_wait3A, %multiple_of3A] : memref<16x1000000xf32, #tpu.memory_space<any>> -> memref<16x128xf32, #tpu.memory_space<any>>
      tpu.wait_dma2 semaphore(%arg7 : memref<!tpu.dma_semaphore, #tpu.memory_space<semaphore_mem>>) src(%dma_wait3A_37 : memref<16x128xf32, #tpu.memory_space<any>>) dst(%arg5 : memref<16x128xf32, #tpu.memory_space<vmem>>)
      %iota3A = tpu.iota {dimensions = array<i32: 1>} : vector<16x128xi32>
      %sub3A_38 = arith.subi %get3A_15, %multiple_of3A : i32
      %eq3A_39 = vector.broadcast %sub3A_38 : i32 to vector<16x128xi32>
      %eq3A_40 = arith.cmpi eq, %iota3A, %eq3A_39 : vector<16x128xi32>
      %get3A_41 = arith.constant 0 : index
      %get3A_42 = arith.constant 0 : index
      %get3A_43 = vector.load %arg5[%get3A_41, %get3A_42] : memref<16x128xf32, #tpu.memory_space<vmem>>, vector<16x128xf32>
      %jit3A_44 = arith.constant 0.000000e+00 : f32
      %broadcast_in_dim3A_45 = vector.broadcast %jit3A_44 : f32 to vector<16x128xf32>
      %select_n3A_46 = arith.select %eq3A_40, %get3A_43, %broadcast_in_dim3A_45 : vector<16x128xi1>, vector<16x128xf32>
      %add3A_47 = arith.addf %select_n3A_46, %select_n3A_46 : vector<16x128xf32>
      %reduce_sum3A_48 = arith.constant dense<0.000000e+00> : vector<16xf32>
      %reduce_sum3A_49 = vector.multi_reduction <add>, %add3A_47, %reduce_sum3A_48 [1] : vector<16x128xf32> to vector<16xf32>
      %broadcast_in_dim3A_50 = vector.shape_cast %reduce_sum3A_49 : vector<16xf32> to vector<16x1xf32>
      %swap3A_51 = arith.constant 0 : index
      %swap3A_52 = arith.constant 0 : index
      %swap3A_53 = vector.load %arg6[%swap3A_51, %swap3A_52] : memref<16x1xf32, #tpu.memory_space<vmem>>, vector<16x1xf32>
      tpu.vector_store %arg6[%swap3A_51, %swap3A_52], %broadcast_in_dim3A_50 {strides = array<i32>} : memref<16x1xf32, #tpu.memory_space<vmem>>, vector<16x1xf32>,
      %broadcast_in_dim3A_54 = arith.constant 0.000000e+00 : f32
      %broadcast_in_dim3A_55 = vector.broadcast %broadcast_in_dim3A_54 : f32 to vector<16x1xf32>
      %swap3A_56 = arith.constant 0 : index
      %swap3A_57 = arith.constant 0 : index
      %swap3A_58 = vector.load %arg4[%swap3A_56, %swap3A_57] : memref<16x1xf32, #tpu.memory_space<vmem>>, vector<16x1xf32>
      tpu.vector_store %arg4[%swap3A_56, %swap3A_57], %broadcast_in_dim3A_55 {strides = array<i32>} : memref<16x1xf32, #tpu.memory_space<vmem>>, vector<16x1xf32>,
    } else {
    }
    %get3A = arith.constant 0 : index
    %get3A_2 = arith.constant 0 : index
    %get3A_3 = vector.load %arg2[%get3A, %get3A_2] : memref<16x10752xf32, #tpu.memory_space<vmem>>, vector<16x10752xf32>
    %get3A_4 = arith.constant 0 : index
    %get3A_5 = arith.constant 0 : index
    %get3A_6 = vector.load %arg6[%get3A_4, %get3A_5] : memref<16x1xf32, #tpu.memory_space<vmem>>, vector<16x1xf32>
    %sub3A = vector.broadcast %get3A_6 : vector<16x1xf32> to vector<16x10752xf32>
    %sub3A_7 = arith.subf %sub3A, %get3A_3 : vector<16x10752xf32>
    %mul3A = arith.mulf %get3A_3, %sub3A_7 : vector<16x10752xf32>
    %exp3A = math.exp %mul3A : vector<16x10752xf32>
    %get3A_8 = arith.constant 0 : index
    %get3A_9 = arith.constant 0 : index
    %get3A_10 = vector.load %arg4[%get3A_8, %get3A_9] : memref<16x1xf32, #tpu.memory_space<vmem>>, vector<16x1xf32>
    %reduce_sum3A = arith.constant dense<0.000000e+00> : vector<16xf32>
    %reduce_sum3A_11 = vector.multi_reduction <add>, %exp3A, %reduce_sum3A [1] : vector<16x10752xf32> to vector<16xf32>
    %broadcast_in_dim3A = vector.shape_cast %reduce_sum3A_11 : vector<16xf32> to vector<16x1xf32>
    %add3A = arith.addf %get3A_10, %broadcast_in_dim3A : vector<16x1xf32>
    %swap3A = arith.constant 0 : index
    %swap3A_12 = arith.constant 0 : index
    %swap3A_13 = vector.load %arg4[%swap3A, %swap3A_12] : memref<16x1xf32, #tpu.memory_space<vmem>>, vector<16x1xf32>
    tpu.vector_store %arg4[%swap3A, %swap3A_12], %add3A {strides = array<i32>} : memref<16x1xf32, #tpu.memory_space<vmem>>, vector<16x1xf32>,
    return
  }
  func.func @transform_0(%arg0: i32) -> i32 {
    %c0_i32 = arith.constant 0 : i32
    %c0_i32_0 = arith.constant 0 : i32
    return %c0_i32 : i32
  }
  func.func @transform_1(%arg0: i32) -> (i32, i32) {
    %c0_i32 = arith.constant 0 : i32
    %c0_i32_0 = arith.constant 0 : i32
    return %c0_i32, %arg0 : i32, i32
  }
  func.func @transform_3(%arg0: i32) -> (i32, i32) {
    %c0_i32 = arith.constant 0 : i32
    %c0_i32_0 = arith.constant 0 : i32
    %c0_i32_1 = arith.constant 0 : i32
    return %c0_i32, %c0_i32_0 : i32, i32
  }
}

</mosaic_0001>

<sc_bundles>
// kernel: kernel.5.cloned.1.call-start
scs
__scs_entry_jumppad:
0x0: {  	(pc) =	sbr.rel $0x88, $3  }
0x1: {  	(tag) =	ssettag $0x0;
	lr =	simm.s32 $0x1  }
0x2: {  	[smem:$0x3F9D] =	sst lr;
	_ =	strace $0xD0000000  }
0x3: {  	_ = 	snop  }
0x4: {  	_ = 	snop  }
0x5: {  	_ = 	snop  }
0x6: {  	_ = 	snop  }
0x7: {  	_ = 	snop  }
__scs_overlays_trampoline_lowered:
0x8: {  	[smem:$0x3FAC] =	sst s0  }
0x9: {  	[smem:$0x3FAD] =	sst s1  }
0xa: {  	[smem:$0x3FAE] =	sst s2  }
0xb: {  	[smem:$0x3FAF] =	sst s3  }
0xc: {  	[smem:$0x3FB0] =	sst s4  }
0xd: {  	[smem:$0x3FB1] =	sst s5  }
0xe: {  	[smem:$0x3FB2] =	sst s6  }
0xf: {  	[smem:$0x3FB3] =	sst s7  }
0x10: {  	[smem:$0x3FB4] =	sst s8  }
0x11: {  	[smem:$0x3FB5] =	sst s9;
	s0 =	simm.s32 @!p0 $0x0  }
0x12: {  	s1 =	sld [smem:$0x3F9B];
	s0 =	simm.s32 @p0 $0x1  }
0x13: {  	[smem:$0x3FB6] =	sst s0;
	s0 =	simm.s32 @!p1 $0x0  }
0x14: {  	s2 =	sld [smem:$0x3F9A];
	s0 =	simm.s32 @p1 $0x1  }
0x15: {  	[smem:$0x3FB7] =	sst s0;
	s0 =	simm.s32 @!p2 $0x0  }
0x16: {  	s3 =	sld [smem:$0x3FDB];
	s0 =	simm.s32 @p2 $0x1  }
0x17: {  	s4 =	simm.s32 $0x1BF5;
	[smem:$0x3FB9] =	sst s0  }
0x18: {  	s0 =	sld [smem:$0x3F9C];
	_ =	swait.ge [sflag:s4], $0x0  }
0x19: {  	s7 =	sld [smem:$0x3F9D]  }
0x1a: {  	s8 =	sadd.s32 $0xFFFFE003, lr  }
0x1b: {  	s9 =	sadd.s32 $0xFFFFFEF7, lr;
	s5 =	simm.s32 $0xFFFFFFFF;
	p2 =	slt.u32 s8, $0xFFFFF086  }
0x1c: {  	p1 =	slt.u32 s9, $0xF7A;
	s5 =	simm.s32 @!p2 $0x0  }
0x1d: {  	s5 =	simm.s32 @p1 $0x1;
	p0 =	seq.s32 s7, s2  }
0x1e: {  	s7 =	smul.u32 @!p0 $0xF7A, s2;
	p2 =	seq.s32 @!p0 s5, $0x0  }
0x1f: {  	s9 =	smul.u32 $0xF7A, s1;
	s8 =	simm.s32 @!p0 $0x1BF5;
	p2 =	por !p2, p0  }
0x20: {  	[sflag:s8] =	ssyncset.s32 @!p0 $0xFFFFF086;
	s6 =	sadd.s32 @!p0 s3, s7;
	s7 =	simm.s32 @!p0 $0x108  }
0x21: {  	s3 =	sadd.s32 s3, s9;
	s6 =	sadd.s32 @!p0 $0x88, s6;
	s7 =	simm.s32 @p2 $0x1082  }
0x22: {  	[simem:s7], [sflag:s8] =	dma.local @!p0 [hbm:s6], $0xF7A  }
0x23: {  	s9 =	sor.u32 $0xD0000000, s2;
	s6 =	simm.s32 $0x108;
	_ =	swait.ge @!p0 [sflag:s8], $0x0  }
0x24: {  	s3 =	sadd.s32 $0x88, s3;
	s6 =	simm.s32 @!p1 $0x1082;
	[sflag:s4] =	ssyncset.s32 $0xFFFFF086  }
0x25: {  	[simem:s6], [sflag:s4] =	dma.local [hbm:s3], $0xF7A  }
0x26: {  	[smem:$0x3F9D] =	sst s1;
	(tag) =	ssettag s2;
	_ =	strace s9  }
0x27: {  	s1 =	sld [smem:$0x3FAD]  }
0x28: {  	s2 =	sld [smem:$0x3FAE]  }
0x29: {  	s4 =	sld [smem:$0x3FB0]  }
0x2a: {  	p0 =	seq.s32 s5, $0x0;
	s5 =	sld [smem:$0x3FB1]  }
0x2b: {  	s6 =	sld [smem:$0x3FB2]  }
0x2c: {  	s7 =	sld [smem:$0x3FB3]  }
0x2d: {  	s3 =	simm.s32 $0x108;
	s8 =	sld [smem:$0x3FB4]  }
0x2e: {  	s3 =	simm.s32 @!p0 $0x1082;
	s9 =	sld [smem:$0x3FB5]  }
0x2f: {  	lr =	sadd.s32 s0, s3;
	s0 =	sld [smem:$0x3FAC]  }
0x30: {  	s3 =	sld [smem:$0x3FAF]  }
0x31: {  	[smem:$0x3FB8] =	sst s10  }
0x32: {  	s10 =	sld [smem:$0x3FB6];
	_ =	sdelay $0x3  }
0x33: {  	p0 =	seq.s32 s10, $0x1;
	s10 =	sld [smem:$0x3FB8];
	_ =	sdelay $0x3  }
0x34: {  	[smem:$0x3FB8] =	sst s10  }
0x35: {  	s10 =	sld [smem:$0x3FB7];
	_ =	sdelay $0x3  }
0x36: {  	p1 =	seq.s32 s10, $0x1;
	s10 =	sld [smem:$0x3FB8];
	_ =	sdelay $0x3  }
0x37: {  	[smem:$0x3FB8] =	sst s10  }
0x38: {  	s10 =	sld [smem:$0x3FB9]  }
0x39: {  	_ = 	snop;
	(pc) =	sbr.ind lr, $3  }
0x3a: {  	_ = 	snop  }
0x3b: {  	_ = 	snop  }
0x3c: {  	p2 =	seq.s32 s10, $0x1;
	s10 =	sld [smem:$0x3FB8]  }
0x3d: {  	_ =	shalt  }
0x3e: {  	_ =	shalt  }
0x3f: {  	_ =	shalt  }
0x40: {  	_ =	shalt  }
0x41: {  	_ =	shalt  }
0x42: {  	_ =	shalt  }
0x43: {  	_ =	shalt  }
0x44: {  	_ =	shalt  }
0x45: {  	_ =	shalt  }
0x46: {  	_ =	shalt  }
0x47: {  	_ =	shalt  }
0x48: {  	_ =	shalt  }
0x49: {  	_ =	shalt  }
0x4a: {  	_ =	shalt  }
0x4b: {  	_ =	shalt  }
0x4c: {  	_ =	shalt  }
0x4d: {  	_ =	shalt  }
0x4e: {  	_ =	shalt  }
0x4f: {  	_ =	shalt  }
0x50: {  	_ =	shalt  }
0x51: {  	_ =	shalt  }
0x52: {  	_ =	shalt  }
0x53: {  	_ =	shalt  }
0x54: {  	_ =	shalt  }
0x55: {  	_ =	shalt  }
0x56: {  	_ =	shalt  }
0x57: {  	_ =	shalt  }
0x58: {  	_ =	shalt  }
0x59: {  	_ =	shalt  }
0x5a: {  	_ =	shalt  }
0x5b: {  	_ =	shalt  }
0x5c: {  	_ =	shalt  }
0x5d: {  	_ =	shalt  }
0x5e: {  	_ =	shalt  }
0x5f: {  	_ =	shalt  }
0x60: {  	_ =	shalt  }
0x61: {  	_ =	shalt  }
0x62: {  	_ =	shalt  }
0x63: {  	_ =	shalt  }
0x64: {  	_ =	shalt  }
0x65: {  	_ =	shalt  }
0x66: {  	_ =	shalt  }
0x67: {  	_ =	shalt  }
0x68: {  	_ =	shalt  }
0x69: {  	_ =	shalt  }
0x6a: {  	_ =	shalt  }
0x6b: {  	_ =	shalt  }
0x6c: {  	_ =	shalt  }
0x6d: {  	_ =	shalt  }
0x6e: {  	_ =	shalt  }
0x6f: {  	_ =	shalt  }
0x70: {  	_ =	shalt  }
0x71: {  	_ =	shalt  }
0x72: {  	_ =	shalt  }
0x73: {  	_ =	shalt  }
0x74: {  	_ =	shalt  }
0x75: {  	_ =	shalt  }
0x76: {  	_ =	shalt  }
0x77: {  	_ =	shalt  }
0x78: {  	_ =	shalt  }
0x79: {  	_ =	shalt  }
0x7a: {  	_ =	shalt  }
0x7b: {  	_ =	shalt  }
0x7c: {  	_ =	shalt  }
0x7d: {  	_ =	shalt  }
0x7e: {  	_ =	shalt  }
0x7f: {  	_ =	shalt  }
0x80: {  	_ =	shalt  }
0x81: {  	_ =	shalt  }
0x82: {  	_ =	shalt  }
0x83: {  	_ =	shalt  }
0x84: {  	_ =	shalt  }
0x85: {  	_ =	shalt  }
0x86: {  	_ =	shalt  }
0x87: {  	_ =	shalt  }
.Lfunc_end0:
.L_simem_size_0:
called_computation_lowered:
.L_overlay_start_0:
0x88: {  	s2 =	sld [smem:$0x3FD9]  }
0x89: {  	s3 =	sld [smem:$0x3FFE];
	_ =	sdelay $0x1  }
0x8a: {  	s1 =	srdreg.scid  }
0x8b: {  	s0 =	sand.u32 $0x1, s1  }
0x8c: {  	s17 =	sshll.u32 s0, $0xA;
	s2 =	sadd.s32 s3, s2  }
0x8d: {  	s2 =	sadd.s32 s2, s17  }
0x8e: {  	[smem:$0x3FC4] =	sst s2  }
0x8f: {  	_ = 	snop  }
0x90: {  	s2 =	sld [smem:$0x3FC6]  }
0x91: {  	s18 =	sld [smem:$0x3FD0];
	(tm) =	ssettm $0x1  }
0x92: {  	s4 =	sld [smem:$0x3FFB];
	_ =	sdelay $0x3  }
0x93: {  	_ =	strace s4  }
0x94: {  	s4 =	sld [smem:$0x3FFC];
	_ =	sdelay $0x3  }
0x95: {  	_ =	strace s4  }
0x96: {  	s4 =	sld [smem:$0x3FFD];
	_ =	sdelay $0x3  }
0x97: {  	_ =	strace s4  }
0x98: {  	_ =	strace $0x8FFFFFFF  }
0x99: {  	s19 =	sld [smem:$0x3FDB];
	_ =	sdelay $0x1  }
0x9a: {  	s5 =	simm.s32 $_scs_section_size  }
0x9b: {  	s6 =	simm.s32 $_size__tile_overlayer_lowered;
	s7 =	simm.s32 $_tile_overlayer_lowered  }
0x9c: {  	s22 =	simm.s32 $0x1BFF;
	s21 =	sshll.u32 s7, $0x1;
	s4 =	sadd.s32 s5, s19  }
0x9d: {  	s8 =	simm.s32 $0x0;
	s20 =	sshll.u32 s6, $0x1;
	s6 =	sadd.s32 s21, s4  }
0x9e: {  	[timem:s8], [sflag:s22] =	dma.local [hbm:s6], s20  }
0x9f: {  	_ =	swait.ge [sflag:s22], s20  }
0xa0: {  	s5 =	ssub.s32 $0x0, s20;
	[sflag:s22] =	ssyncset.done $0x0  }
0xa1: {  	[sflag:s22] =	ssyncadd.s32 s5;
	_ =	sdelay $0x1  }
0xa2: {  	s23 =	simm.s32 $0x1B8B  }
0xa3: {  	_ =	swait.ge [sflag:s23], $0x1  }
0xa4: {  	[sflag:s23] =	ssyncset.done $0x0  }
0xa5: {  	s25 =	simm.s32 $0x1B8E;
	s24 =	sld [smem:$0x3FFE];
	[sflag:s23] =	ssyncadd.s32 $0xFFFFFFFF  }
0xa6: {  	s26 =	simm.s32 $execute0_lowered;
	[smem:$0x3FD2] =	sst s25  }
0xa7: {  	s6 =	sshll.u32 s26, $0x1;
	_ =	strace $0x80000046;
	[dreg:$0x1] =	wrdreg $0xFFFFFFFF  }
0xa8: {  	s28 =	simm.s32 $_size_execute0_lowered;
	s4 =	sadd.s32 s4, s6;
	[dreg:$0x0] =	wrdreg $0x0  }
0xa9: {  	s6 =	sshll.u32 s28, $0x1;
	[dreg:$0x2] =	wrdreg s4  }
0xaa: {  	[dreg:$0x3] =	wrdreg s6  }
0xab: {  	[dreg:$0x4] =	wrdreg $0xC0  }
0xac: {  	_ =	task [dreg:s8], $0x5FFFF  }
0xad: {  	[dreg:$0x1] =	wrdreg $0xFFFFFFFF  }
0xae: {  	[dreg:$0x0] =	wrdreg $0x60  }
0xaf: {  	[dreg:$0x2] =	wrdreg s2  }
0xb0: {  	[dreg:$0x3] =	wrdreg s18  }
0xb1: {  	[dreg:$0x4] =	wrdreg s24  }
0xb2: {  	[dreg:$0x5] =	wrdreg $0x9  }
0xb3: {  	_ =	task.clear_ibuf [dreg:s8], $0x6FFFF;
	_ =	strace $0x90000046  }
0xb4: {  	s29 =	simm.s32 $0x9;
	_ =	strace $0x80000048  }
0xb5: {  	_ =	swait.ge [sflag:s29], $0x1  }
0xb6: {  	[sflag:s29] =	ssyncadd.s32 $0xFFFFFFFF  }
0xb7: {  	_ =	strace $0x90000048  }
0xb8: {  	_ =	sfence  }
0xb9: {  	s30 =	sld [smem:$0x0];
	_ =	sdelay $0x2  }
0xba: {  	s31 =	sshll.u32 s1, $0xD;
	s1 =	sshrl.u32 s1, $0x2  }
0xbb: {  	s3 =	sand.u32 $0x4000, s31;
	s1 =	sadd.s32 s1, s30  }
0xbc: {  	s0 =	sor.u32 s3, s0;
	s1 =	sshll.u32 s1, $0x11  }
0xbd: {  	s0 =	sor.u32 s1, s0  }
0xbe: {  	s0 =	sadd.s32 $0x8F2B, s0  }
0xbf: {  	[sflag:s0] =	ssyncadd.remote.s32 $0x1  }
0xc0: {  	_ =	sfence.sel $0xFFFF  }
0xc1: {  	[dreg:$0x0] =	wrdreg $0xFFFFFFFF;
	(pc) =	sbr.abs _section_cstart, $3  }
0xc2: {  	[dreg:$0x1] =	wrdreg $0xFFFFFFFF  }
0xc3: {  	_ =	task.clear_ibuf [dreg:s8], $0x2FFFF;
	_ =	strace $0x9FFFFFFF  }
0xc4: {  	(tm) =	ssettm $0x7FFFFFFF  }
0xc5: {  	_ =	shalt  }
tec
execute0_lowered:
.L_overlay_start_1:
0x0: {  	(tag) =	ssettag $0x1  }
0x1: {  	s1 =	rddreg [dreg:$0x0]  }
0x2: {  	s3 =	rddreg [dreg:$0x1]  }
0x3: {  	s5 =	rddreg [dreg:$0x2];
	s6 =	srdreg.scid  }
0x4: {  	s0 =	stileid.u32;
	s4 =	simm.s32 $0x0;
	s13 =	simm.s32 $0x3  }
0x5: {  	s14 =	simm.s32 $0x1;
	s15 =	simm.s32 $0x400;
	s16 =	simm.s32 $0x7A1400  }
0x6: {  	s17 =	simm.s32 $0x80;
	s18 =	simm.s32 $0x880;
	s19 =	simm.s32 $0x7000  }
0x7: {  	s20 =	simm.s32 $0x1180;
	s21 =	simm.s32 $0xF180;
	s22 =	simm.s32 $0x2  }
0x8: {  	s24 =	simm.s32 $0x0;
	s6 =	sand.u32 $0x1, s6;
	s7 =	sshll.u32 s0, $0x1  }
0x9: {  	[smem:$0x7FF] =	sst s4;
	s23 =	sor.u32 s6, s7;
	s6 =	ssub.s32 $0x2, s6  }
0xa: {  	_ =	strace $0x80000047;
	s7 =	sshll.u32 s23, $0x8;
	s8 =	smul.u32 $0x7000, s23  }
0xb: {  	s30 =	sshrl.u32 s6, $0x1;
	p0 =	seq.s32 s23, $0x1F;
	p1 =	sne.s32 s23, $0x0  }
0xc: {  	s23 =	simm.s32 $0x1D180;
	s11 =	sadd.s32 s7, s5;
	s5 =	sadd.s32 $0x2E00, s5  }
0xd: {  	v0 =	vlaneseq.u32;
	s12 =	ssub.s32 s6, s30;
	s31 =	sshrl.u32 s8, $0x3;
	s11 =	sadd.s32 $0xE00, s11  }
0xe: {  	v0 =	vmul.u32 $0x80, v0;
	s12 =	smax.u32 s12, $0x1;
	s9 =	sadd.s32 s1, s31;
	s10 =	sadd.s32 $0xD9000, s31  }
0xf: {  	s6 =	sadd.s32 $0x69000, s9;
	s7 =	sadd.s32 $0x85000, s9;
	s10 =	simm.s32 @p0 $0x69000  }
0x10: {  	[tilespmem:$0x1FFF0] =	vst v0;
	s8 =	sadd.s32 $0xA1000, s9;
	s9 =	sadd.s32 $0xBD000, s9;
	s10 =	sadd.s32 s1, s10  }
.LBB2_1:
0x11: {  	[tilespmem:s4], [sflag:$0x3] =	stream.linear.gather [hbm4b:s3+s4], $0x80, $0x38;
	[tilespmem:$0x1D980] =	vst v63  }
0x12: {  	_ =	swait.ge [sflag:s13], $0x80  }
0x13: {  	[sflag:s13] =	ssyncset.done $0x0  }
0x14: {  	[sflag:s13] =	ssyncadd.s32 $0xFFFFFF80  }
0x15: {  	v0 =	vld [tilespmem:$0x0];
	_ =	sdelay $0x4  }
0x16: {  	(v2sf) =	vpush v0, $0x0;
	_ =	sdelay $0x1  }
0x17: {  	(v2sf) =	vpush v0, $0x1;
	_ =	sdelay $0xc  }
0x18: {  	s26 =	spop (v2sf)  }
0x19: {  	s25 =	sand.u32 $0x7F, s26;
	s28 =	sshra.s32 s26, $0x1F  }
0x1a: {  	p2 =	slt.s32 s26, $0x1;
	s31 =	spop (v2sf);
	p3 =	sne.s32 s25, $0x0  }
0x1b: {  	s29 =	sshrl.u32 s28, $0x19;
	s0 =	sand.u32 $0x7F, s31;
	s30 =	sshra.s32 s31, $0x1F  }
0x1c: {  	p5 =	slt.s32 s31, $0x1;
	p2 =	por !p2, !p3;
	s28 =	sadd.s32 s29, s26  }
0x1d: {  	s29 =	simm.s32 $0x1;
	p6 =	sne.s32 s0, $0x0;
	p2 =	por !p2, !p2  }
0x1e: {  	s2 =	sshrl.u32 s30, $0x19;
	s28 =	sshrl.u32 s28, $0x7;
	s29 =	simm.s32 @!p2 $0x0  }
0x1f: {  	s30 =	simm.s32 $0x1;
	p2 =	por !p5, !p6;
	s28 =	ssub.s32 s28, s29  }
0x20: {  	s29 =	sadd.s32 s2, s31;
	p2 =	por !p2, !p2;
	s28 =	sshll.u32 s28, $0x7  }
0x21: {  	s29 =	sshrl.u32 s29, $0x7;
	s30 =	simm.s32 @!p2 $0x0;
	p3 =	slt.s32 s28, $0xF41C0  }
0x22: {  	s29 =	ssub.s32 s29, s30;
	s28 =	simm.s32 @!p3 $0xF41C0  }
0x23: {  	s29 =	sshll.u32 s29, $0x7;
	s30 =	sand.u32 $0xFFFFF80, s28  }
0x24: {  	p2 =	slt.s32 s29, $0xF41C0;
	s30 =	sadd.s32 s1, s30  }
0x25: {  	[tilespmem:s17], [sflag:$0x3] =	stream.strided.gather [hbm4b:s30+s15], $0x800, s16, s15, $0x38;
	[tilespmem:$0x1D980] =	vst v63  }
0x26: {  	s29 =	simm.s32 @!p2 $0xF41C0;
	_ =	swait.ge [sflag:s13], $0x800  }
0x27: {  	s26 =	ssub.s32 s26, s28;
	s30 =	sand.u32 $0xFFFFF80, s29;
	[sflag:s13] =	ssyncset.done $0x0  }
0x28: {  	v0 =	vmov s26;
	s28 =	sadd.s32 s1, s30;
	[sflag:s13] =	ssyncadd.s32 $0xFFFFF800  }
0x29: {  	v1 =	vadd.s32 $0x80, v0;
	[tilespmem:s18], [sflag:$0x3] =	stream.strided.gather [hbm4b:s28+s15], $0x800, s16, s15, $0x38;
	[tilespmem:$0x1D980] =	vst v63  }
0x2a: {  	v2 =	vadd.s32 $0x100, v0;
	_ =	swait.ge [sflag:s13], $0x800  }
0x2b: {  	v3 =	vadd.s32 $0x180, v0;
	[sflag:s13] =	ssyncset.done $0x0  }
0x2c: {  	v4 =	vadd.s32 $0x200, v0;
	v6 =	vld [tilespmem:$0x1FFF0];
	[sflag:s13] =	ssyncadd.s32 $0xFFFFF800  }
0x2d: {  	v5 =	vadd.s32 $0x280, v0;
	v29 =	vld.idx.msk [tilespmem:v0+s17+$0x0], $0xffff  }
0x2e: {  	v33 =	vld.idx.msk [tilespmem:v1+s17+$0x0], $0xffff;
	v1 =	vadd.s32 $0x300, v0  }
0x2f: {  	v16 =	vld.idx.msk [tilespmem:v2+s17+$0x0], $0xffff;
	v2 =	vadd.s32 $0x380, v0  }
0x30: {  	v15 =	vld.idx.msk [tilespmem:v3+s17+$0x0], $0xffff;
	v3 =	vadd.s32 $0x400, v0  }
0x31: {  	v14 =	vld.idx.msk [tilespmem:v4+s17+$0x0], $0xffff;
	v4 =	vadd.s32 $0x480, v0  }
0x32: {  	v28 =	vld.idx.msk [tilespmem:v5+s17+$0x0], $0xffff;
	v5 =	vadd.s32 $0x500, v0  }
0x33: {  	v13 =	vld.idx.msk [tilespmem:v1+s17+$0x0], $0xffff;
	v1 =	vadd.s32 $0x580, v0  }
0x34: {  	v12 =	vld.idx.msk [tilespmem:v2+s17+$0x0], $0xffff;
	v2 =	vadd.s32 s26, v6  }
0x35: {  	v11 =	vld.idx.msk [tilespmem:v3+s17+$0x0], $0xffff  }
0x36: {  	v3 =	vadd.s32 $0x600, v0;
	v9 =	vld.idx.msk [tilespmem:v4+s17+$0x0], $0xffff  }
0x37: {  	v4 =	vadd.s32 $0x680, v0;
	v8 =	vld.idx.msk [tilespmem:v5+s17+$0x0], $0xffff  }
0x38: {  	v5 =	vadd.s32 $0x700, v0;
	v7 =	vld.idx.msk [tilespmem:v1+s17+$0x0], $0xffff  }
0x39: {  	s25 =	ssub.s32 s31, s29;
	v0 =	vadd.s32 $0x780, v0;
	v1 =	vld.idx.msk [tilespmem:v2+s17+$0x0], $0xffff  }
0x3a: {  	v2 =	vadd.s32 s25, v6  }
0x3b: {  	v32 =	vld.idx.msk [tilespmem:v3+s17+$0x0], $0xffff  }
0x3c: {  	v10 =	vld.idx.msk [tilespmem:v4+s17+$0x0], $0xffff  }
0x3d: {  	v5 =	vld.idx.msk [tilespmem:v5+s17+$0x0], $0xffff  }
0x3e: {  	v30 =	vld.idx.msk [tilespmem:v0+s17+$0x0], $0xffff;
	[tilespmem:$0x1080] =	vst v1  }
0x3f: {  	v0 =	vld.idx.msk [tilespmem:v2+s18+$0x0], $0xffff;
	_ =	sdelay $0x4  }
0x40: {  	[tilespmem:$0x1100] =	vst v0  }
0x41: {  	[tilespmem:s20], [sflag:$0x1] =	stream.strided.gather [hbm4b:s6+s19], $0xE000, s16, s19, $0x38;
	[tilespmem:$0x1D980] =	vst v63  }
0x42: {  	_ =	swait.ge [sflag:s14], $0xE000  }
0x43: {  	s0 =	sand.u32 $0x7C00, s4;
	s31 =	sand.u32 $0x70, s4;
	[sflag:s14] =	ssyncset.done $0x0  }
0x44: {  	s25 =	sor.u32 s31, s0;
	[sflag:s14] =	ssyncadd.s32 $0xFFFF2000  }
0x45: {  	[tilespmem:s21], [sflag:$0x2] =	stream.strided.gather [hbm4b:s7+s19], $0xE000, s16, s19, $0x38;
	[tilespmem:$0x1D980] =	vst v63  }
0x46: {  	v0 =	vld [tilespmem:s25+$0x8200]  }
0x47: {  	v17 =	vadd.f32 v16, v16;
	v1 =	vld [tilespmem:s25+$0x8180]  }
0x48: {  	v18 =	vadd.f32 v15, v15;
	v19 =	vadd.f32 v14, v14;
	[tilespmem:$0x1FF10] =	vst v14;
	v2 =	vld [tilespmem:s25+$0x8480]  }
0x49: {  	v20 =	vadd.f32 v13, v13;
	v21 =	vadd.f32 v12, v12;
	[tilespmem:$0x1FF30] =	vst v12;
	v3 =	vld [tilespmem:s25+$0x1480]  }
0x4a: {  	v22 =	vadd.f32 v11, v11;
	v23 =	vadd.f32 v9, v9;
	[tilespmem:$0x1FF50] =	vst v9;
	v6 =	vld [tilespmem:s25+$0x8400]  }
0x4b: {  	v25 =	vadd.f32 v8, v8;
	v24 =	vadd.f32 v5, v5;
	[tilespmem:$0x1FF60] =	vst v5;
	v5 =	vld [tilespmem:s25+$0x8300]  }
0x4c: {  	v26 =	vadd.f32 v7, v7;
	v27 =	vadd.f32 v10, v10;
	[tilespmem:$0x1FF70] =	vst v8;
	v4 =	vld [tilespmem:s25+$0x1280]  }
0x4d: {  	[tilespmem:$0x1FF80] =	vst v7;
	v7 =	vld [tilespmem:s25+$0x1380];
	v8 =	vsub.f32 v24, v2;
	v9 =	vsub.f32 v23, v0  }
0x4e: {  	[tilespmem:$0x1FF90] =	vst v10;
	v10 =	vsub.f32 v22, v1;
	v12 =	vsub.f32 v20, v3  }
0x4f: {  	s2 =	sand.u32 $0x7, s4;
	[tilespmem:$0x1FF40] =	vst v11;
	v11 =	vld [tilespmem:s25+$0x8280];
	v14 =	vsub.f32 v27, v6;
	v2 =	vmul.f32 v8, v2;
	v0 =	vmul.f32 v9, v0  }
0x50: {  	s26 =	sshll.u32 s2, $0x4;
	[tilespmem:$0x1FF20] =	vst v13;
	v13 =	vld [tilespmem:s25+$0x1300];
	v1 =	vmul.f32 v10, v1;
	v10 =	vsub.f32 v26, v5;
	v3 =	vmul.f32 v12, v3  }
0x51: {  	s26 =	sadd.s32 $0x0, s26;
	v8 =	vsub.f32 v17, v4;
	v6 =	vmul.f32 v14, v6;
	v0 =	vmul.f32 $1.442695020e+00, v0  }
0x52: {  	s26 =	sor.u32 $0x380, s26;
	[tilespmem:$0x1FF00] =	vst v15;
	v15 =	vld [tilespmem:s25+$0x1400];
	v12 =	vsub.f32 v19, v7;
	v2 =	vmul.f32 $1.442695020e+00, v2;
	v5 =	vmul.f32 v10, v5  }
0x53: {  	[tilespmem:$0x1FFA0] =	vst v28;
	v28 =	vadd.f32 v28, v28;
	v9 =	vld [tilespmem:s26+$0x1180];
	v3 =	vmul.f32 $1.442695020e+00, v3;
	v1 =	vmul.f32 $1.442695020e+00, v1  }
0x54: {  	v10 =	vsub.f32 v25, v11;
	v4 =	vmul.f32 v8, v4;
	v7 =	vmul.f32 v12, v7  }
0x55: {  	v14 =	vsub.f32 v18, v13;
	v6 =	vmul.f32 $1.442695020e+00, v6;
	(erf) = vpow2.f32 v2;
	v2 =	vld [tilespmem:s25+$0x1180]  }
0x56: {  	[tilespmem:$0x1FFB0] =	vst v29;
	v29 =	vadd.f32 v29, v29;
	v8 =	vmul.f32 v10, v11;
	v5 =	vmul.f32 $1.442695020e+00, v5  }
0x57: {  	v12 =	vsub.f32 v28, v15;
	v10 =	vld [tilespmem:s25+$0x8500];
	v11 =	vmul.f32 v14, v13;
	v7 =	vmul.f32 $1.442695020e+00, v7  }
0x58: {  	[tilespmem:$0x1FEF0] =	vst v16;
	v4 =	vmul.f32 $1.442695020e+00, v4;
	v16 =	vsub.f32 v21, v9;
	(erf) = vpow2.f32 v5  }
0x59: {  	v31 =	vadd.f32 v30, v30;
	v5 =	vmul.f32 $1.442695020e+00, v11;
	(erf) = vpow2.f32 v0  }
0x5a: {  	v11 =	vmul.f32 v12, v15;
	v9 =	vmul.f32 v16, v9;
	v0 =	vsub.f32 v29, v2  }
0x5b: {  	s29 =	simm.s32 $0x10;
	s28 =	simm.s32 $0x80;
	v8 =	vmul.f32 $1.442695020e+00, v8;
	(erf) = vpow2.f32 v7;
	v7 =	vld [tilespmem:s25+$0x1200]  }
0x5c: {  	s28 =	sand.u32 $0x7C00, s28;
	s26 =	sand.u32 $0x70, s29;
	v12 =	vsub.f32 v31, v10;
	v9 =	vmul.f32 $1.442695020e+00, v9;
	v0 =	vmul.f32 v0, v2;
	v2 =	vld [tilespmem:s25+$0x8380]  }
0x5d: {  	[tilespmem:$0x1FFC0] =	vst v30;
	v30 =	vadd.f32 v33, v33;
	(erf) = vpow2.f32 v5;
	v5 =	vmul.f32 $1.442695020e+00, v11;
	s25 =	sor.u32 s26, s28  }
0x5e: {  	[tilespmem:$0x1FFE0] =	vst v32;
	v32 =	vadd.f32 v32, v32;
	(erf) = vpow2.f32 v4;
	v10 =	vmul.f32 v12, v10;
	v4 =	vld [tilespmem:s25+$0x1480]  }
0x5f: {  	s31 =	simm.s32 $0x1;
	[tilespmem:$0x1FFD0] =	vst v33;
	v33 =	vimm.f32 $0.0e+00;
	(erf) = vpow2.f32 v5;
	v14 =	vld [tilespmem:s25+$0x1280];
	v0 =	vmul.f32 $1.442695020e+00, v0  }
0x60: {  	s26 =	sand.u32 $0x7, s31;
	(erf) = vpow2.f32 v9;
	v9 =	vld [tilespmem:s25+$0x8480];
	v11 =	vpop (erf);
	v5 =	vmul.f32 $1.442695020e+00, v10;
	v10 =	vsub.f32 v30, v7  }
0x61: {  	s26 =	sshll.u32 s26, $0x4;
	v34 =	vadd.f32 v11, v33;
	v11 =	vld [tilespmem:s25+$0x8180];
	(erf) = vpow2.f32 v0;
	v13 =	vpop (erf);
	v0 =	vsub.f32 v32, v2  }
0x62: {  	v16 =	vld [tilespmem:s25+$0x8280];
	s26 =	sadd.s32 $0x80, s26;
	(erf) = vpow2.f32 v3;
	v3 =	vmul.f32 v10, v7;
	v35 =	vadd.f32 v13, v33;
	v7 =	vpop (erf)  }
0x63: {  	v12 =	vld [tilespmem:s25+$0x8200];
	s26 =	sor.u32 $0x380, s26;
	(erf) = vpow2.f32 v5;
	v36 =	vadd.f32 v7, v33;
	v7 =	vsub.f32 v20, v4  }
0x64: {  	v45 =	vld [tilespmem:s26+$0x1180];
	v40 =	vsub.f32 v17, v14;
	v0 =	vmul.f32 v0, v2;
	v2 =	vpop (erf);
	(erf) = vpow2.f32 v8  }
0x65: {  	v15 =	vmul.f32 $1.442695020e+00, v3;
	v37 =	vadd.f32 v2, v33;
	(erf) = vpow2.f32 v6  }
0x66: {  	v5 =	vld [tilespmem:s25+$0x8400];
	v2 =	vpop (erf);
	v6 =	vsub.f32 v24, v9;
	v13 =	vsub.f32 v22, v11;
	v4 =	vmul.f32 v7, v4  }
0x67: {  	v8 =	vld [tilespmem:s25+$0x8300];
	v7 =	vsub.f32 v25, v16;
	v38 =	vadd.f32 v2, v33;
	v0 =	vmul.f32 $1.442695020e+00, v0  }
0x68: {  	v10 =	vld [tilespmem:s25+$0x1380];
	(erf) = vpow2.f32 v1;
	v1 =	vsub.f32 v23, v12;
	v9 =	vmul.f32 v6, v9  }
0x69: {  	v39 =	vpop (erf);
	v63 =	vsub.f32 v21, v45;
	v13 =	vmul.f32 v13, v11;
	v4 =	vmul.f32 $1.442695020e+00, v4  }
0x6a: {  	v2 =	vld [tilespmem:s25+$0x1300];
	v11 =	vpop (erf);
	v42 =	vadd.f32 v39, v33;
	v7 =	vmul.f32 v7, v16;
	(erf) = vpow2.f32 v0  }
0x6b: {  	v3 =	vld [tilespmem:s25+$0x1180];
	v41 =	vsub.f32 v27, v5;
	v1 =	vmul.f32 v1, v12;
	v43 =	vadd.f32 v11, v33  }
0x6c: {  	v6 =	vld [tilespmem:s25+$0x8500];
	v46 =	vpop (erf);
	v11 =	vmul.f32 v40, v14;
	v12 =	vsub.f32 v26, v8;
	(erf) = vpow2.f32 v15  }
0x6d: {  	v15 =	vsub.f32 v19, v10;
	v0 =	vpop (erf);
	v47 =	vmul.f32 $1.442695020e+00, v1;
	v1 =	vmul.f32 $1.442695020e+00, v9  }
0x6e: {  	v46 =	vadd.f32 v46, v33;
	v5 =	vmul.f32 v41, v5;
	v49 =	vpop (erf);
	v12 =	vmul.f32 v12, v8  }
0x6f: {  	v50 =	vld [tilespmem:s25+$0x1400];
	v61 =	vsub.f32 v18, v2;
	v10 =	vmul.f32 v15, v10;
	v15 =	vmul.f32 v63, v45;
	v48 =	vpop (erf)  }
0x70: {  	v8 =	vsub.f32 v29, v3;
	(erf) = vpow2.f32 v1;
	v1 =	vmul.f32 $1.442695020e+00, v13;
	v62 =	vpop (erf)  }
0x71: {  	v9 =	vsub.f32 v31, v6;
	v2 =	vmul.f32 v61, v2;
	v12 =	vmul.f32 $1.442695020e+00, v12;
	v14 =	vpop (erf)  }
0x72: {  	v10 =	vmul.f32 $1.442695020e+00, v10;
	v40 =	vadd.f32 v48, v33;
	v48 =	vimm.f32 $0.0e+00;
	v13 =	vpop (erf)  }
0x73: {  	v41 =	vadd.f32 v62, v33;
	(erf) = vpow2.f32 v12;
	v44 =	vadd.f32 v13, v33  }
0x74: {  	v13 =	vmul.f32 $1.442695020e+00, v2;
	v2 =	vsub.f32 v28, v50;
	(erf) = vpow2.f32 v47  }
0x75: {  	v45 =	vadd.f32 v14, v33;
	v47 =	vimm.f32 $0.0e+00;
	v12 =	vpop (erf);
	(erf) = vpow2.f32 v10  }
0x76: {  	s30 =	simm.s32 $0x20;
	s28 =	simm.s32 $0x2;
	s26 =	simm.s32 $0x100;
	v14 =	vmul.f32 v2, v50;
	v39 =	vadd.f32 v12, v33;
	v12 =	vmul.f32 $1.442695020e+00, v15;
	v2 =	vld [tilespmem:s25+$0x1200];
	v10 =	vpop (erf)  }
.LBB2_2:
0x77: {  	s29 =	sand.u32 $0x7, s28  }
0x78: {  	s31 =	sand.u32 $0x70, s30;
	s0 =	sand.u32 $0x7C00, s26;
	v11 =	vmul.f32 $1.442695020e+00, v11;
	(erf) = vpow2.f32 v13;
	v33 =	vadd.f32 v10, v33;
	s2 =	smov.u32 s30  }
0x79: {  	v3 =	vmul.f32 v8, v3;
	v8 =	vmul.f32 $1.442695020e+00, v14;
	v47 =	vadd.f32 v0, v47;
	s2 =	sshll.u32 s29, $0x4;
	s29 =	sadd.s32 $0x10, s30;
	v10 =	vld [tilespmem:s25+$0x8380];
	s25 =	sor.u32 s31, s0;
	v13 =	vpop (erf)  }
0x7a: {  	p2 =	sne.s32 s30, $0xDF0;
	v6 =	vmul.f32 v9, v6;
	v48 =	vadd.f32 v49, v48;
	s0 =	sadd.s32 s2, s26;
	v0 =	vld [tilespmem:s25+$0x8200];
	(erf) = vpow2.f32 v11  }
0x7b: {  	v3 =	vmul.f32 $1.442695020e+00, v3;
	v34 =	vadd.f32 v13, v34;
	s0 =	sor.u32 $0x380, s0;
	v9 =	vld [tilespmem:s25+$0x8180];
	(erf) = vpow2.f32 v8  }
0x7c: {  	v6 =	vmul.f32 $1.442695020e+00, v6;
	v8 =	vld [tilespmem:s25+$0x1480];
	(erf) = vpow2.f32 v12  }
0x7d: {  	v7 =	vmul.f32 $1.442695020e+00, v7;
	v12 =	vsub.f32 v30, v2;
	v11 =	vld [tilespmem:s25+$0x8480];
	(erf) = vpow2.f32 v3  }
0x7e: {  	v5 =	vmul.f32 $1.442695020e+00, v5;
	v13 =	vld [tilespmem:s25+$0x1380];
	v3 =	vsub.f32 v32, v10;
	(erf) = vpow2.f32 v4;
	v4 =	vpop (erf)  }
0x7f: {  	v12 =	vmul.f32 v12, v2;
	v14 =	vld [tilespmem:s25+$0x1280];
	v35 =	vadd.f32 v4, v35;
	v2 =	vpop (erf);
	(erf) = vpow2.f32 v6  }
0x80: {  	v15 =	vld [tilespmem:s25+$0x8400];
	v36 =	vadd.f32 v2, v36;
	v3 =	vmul.f32 v3, v10;
	v2 =	vpop (erf);
	(erf) = vpow2.f32 v7  }
0x81: {  	v4 =	vsub.f32 v20, v8;
	v7 =	vld [tilespmem:s25+$0x8300];
	v37 =	vadd.f32 v2, v37;
	v6 =	vpop (erf);
	(erf) = vpow2.f32 v5  }
0x82: {  	v2 =	vld [tilespmem:s25+$0x1200];
	v5 =	vsub.f32 v24, v11;
	v38 =	vadd.f32 v6, v38;
	v3 =	vmul.f32 $1.442695020e+00, v3  }
0x83: {  	v12 =	vmul.f32 $1.442695020e+00, v12;
	v6 =	vsub.f32 v22, v9;
	v10 =	vld [tilespmem:s25+$0x1300];
	v16 =	vpop (erf);
	(erf) = vpow2.f32 v1  }
0x84: {  	v1 =	vsub.f32 v23, v0;
	v50 =	vld [tilespmem:s25+$0x8280];
	v5 =	vmul.f32 v5, v11;
	v11 =	vpop (erf);
	(erf) = vpow2.f32 v3  }
0x85: {  	v51 =	vsub.f32 v17, v14;
	v9 =	vmul.f32 v6, v9;
	v3 =	vld [tilespmem:s25+$0x1180];
	v52 =	vsub.f32 v27, v15;
	v53 =	vpop (erf)  }
0x86: {  	v1 =	vmul.f32 v1, v0;
	v54 =	vld [tilespmem:s0+$0x1180];
	v55 =	vsub.f32 v26, v7;
	v0 =	vpop (erf);
	(erf) = vpow2.f32 v12  }
0x87: {  	v4 =	vmul.f32 v4, v8;
	v42 =	vadd.f32 v16, v42;
	v12 =	vsub.f32 v19, v13;
	v6 =	vld [tilespmem:s25+$0x8500];
	v49 =	vpop (erf)  }
0x88: {  	v57 =	vmul.f32 $1.442695020e+00, v5;
	v56 =	vmul.f32 $1.442695020e+00, v1;
	v16 =	vsub.f32 v18, v10;
	v58 =	vpop (erf)  }
0x89: {  	v43 =	vadd.f32 v11, v43;
	v55 =	vmul.f32 v55, v7;
	v59 =	vsub.f32 v25, v50;
	v60 =	vpop (erf)  }
0x8a: {  	v4 =	vmul.f32 $1.442695020e+00, v4;
	v5 =	vmul.f32 v52, v15;
	v8 =	vsub.f32 v29, v3;
	v61 =	vld [tilespmem:s25+$0x1400];
	v15 =	vpop (erf)  }
0x8b: {  	v1 =	vmul.f32 $1.442695020e+00, v9;
	v52 =	vsub.f32 v21, v54;
	(erf) = vpow2.f32 v57  }
0x8c: {  	v11 =	vmul.f32 v51, v14;
	v7 =	vmul.f32 v59, v50;
	v9 =	vsub.f32 v31, v6;
	v14 =	vpop (erf)  }
0x8d: {  	v57 =	vmul.f32 v16, v10;
	v16 =	vmul.f32 $1.442695020e+00, v55;
	v44 =	vadd.f32 v14, v44;
	v50 =	vpop (erf)  }
.Ltmp0:
0x8e: {  	v12 =	vmul.f32 v12, v13;
	v45 =	vadd.f32 v15, v45;
	v51 =	vmul.f32 v52, v54;
	(pc) =	sbr.rel @p2 .LBB2_2-.Ltmp0, $4  }
0x8f: {  	v46 =	vadd.f32 v53, v46;
	v13 =	vmul.f32 $1.442695020e+00, v57;
	v14 =	vsub.f32 v28, v61;
	v10 =	vpop (erf)  }
0x90: {  	v40 =	vadd.f32 v58, v40;
	v15 =	vmul.f32 $1.442695020e+00, v12;
	(erf) = vpow2.f32 v16  }
0x91: {  	v39 =	vadd.f32 v50, v39;
	v14 =	vmul.f32 v14, v61;
	(erf) = vpow2.f32 v56  }
0x92: {  	s28 =	sadd.s32 $0x1, s28;
	s26 =	sadd.s32 $0x80, s26;
	s30 =	smov.u32 s29;
	v41 =	vadd.f32 v60, v41;
	v12 =	vmul.f32 $1.442695020e+00, v51;
	(erf) = vpow2.f32 v15  }
0x93: {  	v11 =	vmul.f32 $1.442695020e+00, v11;
	(erf) = vpow2.f32 v13;
	v13 =	vld [tilespmem:s25+$0x8380]  }
0x94: {  	v3 =	vmul.f32 v8, v3;
	v8 =	vmul.f32 $1.442695020e+00, v14  }
0x95: {  	v6 =	vmul.f32 v9, v6;
	(erf) = vpow2.f32 v11  }
0x96: {  	v3 =	vmul.f32 $1.442695020e+00, v3;
	(erf) = vpow2.f32 v8  }
0x97: {  	(erf) = vpow2.f32 v12  }
0x98: {  	v6 =	vmul.f32 $1.442695020e+00, v6;
	(erf) = vpow2.f32 v3;
	v3 =	vsub.f32 v32, v13  }
0x99: {  	v7 =	vmul.f32 $1.442695020e+00, v7;
	v9 =	vsub.f32 v30, v2;
	v5 =	vmul.f32 $1.442695020e+00, v5  }
0x9a: {  	v8 =	vpop (erf);
	(erf) = vpow2.f32 v4;
	v3 =	vmul.f32 v3, v13  }
0x9b: {  	v2 =	vmul.f32 v9, v2;
	v4 =	vpop (erf);
	(erf) = vpow2.f32 v6  }
0x9c: {  	v6 =	vpop (erf);
	(erf) = vpow2.f32 v7;
	v3 =	vmul.f32 $1.442695020e+00, v3  }
0x9d: {  	v2 =	vmul.f32 $1.442695020e+00, v2;
	v7 =	vpop (erf);
	(erf) = vpow2.f32 v5  }
0x9e: {  	v5 =	vpop (erf);
	(erf) = vpow2.f32 v1  }
0x9f: {  	v1 =	vpop (erf);
	(erf) = vpow2.f32 v3  }
0xa0: {  	v3 =	vpop (erf);
	(erf) = vpow2.f32 v2  }
0xa1: {  	v2 =	vpop (erf)  }
0xa2: {  	v9 =	vpop (erf)  }
0xa3: {  	v11 =	vpop (erf)  }
0xa4: {  	v12 =	vpop (erf)  }
0xa5: {  	v13 =	vpop (erf)  }
0xa6: {  	v14 =	vpop (erf)  }
0xa7: {  	v15 =	vpop (erf)  }
0xa8: {  	v16 =	vpop (erf)  }
0xa9: {  	v50 =	vpop (erf)  }
0xaa: {  	s0 =	simm.s32 $0x0;
	_ =	swait.ge [sflag:s22], $0xE000  }
0xab: {  	s2 =	sand.u32 $0x70, s0;
	s31 =	sand.u32 $0x7C00, s0;
	[sflag:s22] =	ssyncset.done $0x0  }
0xac: {  	s25 =	sor.u32 s2, s31;
	[sflag:s22] =	ssyncadd.s32 $0xFFFF2000  }
0xad: {  	[tilespmem:s20], [sflag:$0x1] =	stream.strided.gather [hbm4b:s8+s19], $0xE000, s16, s19, $0x38;
	[tilespmem:$0x1D980] =	vst v63  }
0xae: {  	v61 =	vld [tilespmem:s25+$0x16200]  }
0xaf: {  	v10 =	vadd.f32 v10, v33;
	v0 =	vadd.f32 v0, v47;
	v62 =	vld [tilespmem:s25+$0x16180]  }
0xb0: {  	v47 =	vadd.f32 v49, v48;
	v49 =	vadd.f32 v8, v34;
	v8 =	vld [tilespmem:s25+$0x16480]  }
0xb1: {  	v51 =	vadd.f32 v4, v35;
	v6 =	vadd.f32 v6, v36;
	v63 =	vld [tilespmem:s25+$0xF480]  }
0xb2: {  	v7 =	vadd.f32 v7, v37;
	v52 =	vadd.f32 v5, v38;
	v35 =	vld [tilespmem:s25+$0xF280]  }
0xb3: {  	v5 =	vadd.f32 v1, v42;
	v4 =	vadd.f32 v15, v44;
	v15 =	vld [tilespmem:s25+$0x16300]  }
0xb4: {  	v1 =	vadd.f32 v3, v43;
	v3 =	vadd.f32 v14, v45;
	v14 =	vld [tilespmem:s25+$0x16400]  }
0xb5: {  	v42 =	vadd.f32 v12, v40;
	v37 =	vld [tilespmem:s25+$0xF300];
	v56 =	vsub.f32 v24, v8  }
0xb6: {  	v44 =	vld [tilespmem:s25+$0x16280];
	v57 =	vsub.f32 v23, v61;
	v59 =	vsub.f32 v22, v62  }
0xb7: {  	s0 =	sand.u32 $0x7, s0;
	v45 =	vld [tilespmem:s25+$0xF380];
	v58 =	vsub.f32 v20, v63;
	v36 =	vsub.f32 v17, v35;
	v8 =	vmul.f32 v56, v8  }
0xb8: {  	s0 =	sshll.u32 s0, $0x4;
	v33 =	vmul.f32 v57, v61;
	v60 =	vmul.f32 v59, v62;
	v61 =	vsub.f32 v26, v15  }
0xb9: {  	s0 =	sadd.s32 $0x0, s0;
	v34 =	vmul.f32 v58, v63;
	v62 =	vsub.f32 v27, v14;
	v35 =	vmul.f32 v36, v35  }
0xba: {  	s0 =	sor.u32 $0x380, s0;
	v12 =	vld [tilespmem:s25+$0x16500];
	v63 =	vsub.f32 v18, v37;
	v33 =	vmul.f32 $1.442695020e+00, v33;
	v8 =	vmul.f32 $1.442695020e+00, v8  }
0xbb: {  	v43 =	vld [tilespmem:s0+$0xF180];
	v58 =	vsub.f32 v25, v44;
	v15 =	vmul.f32 v61, v15;
	v53 =	vmul.f32 $1.442695020e+00, v34  }
0xbc: {  	v57 =	vld [tilespmem:s25+$0xF400];
	v59 =	vsub.f32 v19, v45;
	v14 =	vmul.f32 v62, v14;
	v54 =	vmul.f32 $1.442695020e+00, v60  }
0xbd: {  	v44 =	vmul.f32 v58, v44;
	v61 =	vmul.f32 v63, v37  }
0xbe: {  	v2 =	vadd.f32 v2, v46;
	v60 =	vld [tilespmem:s25+$0xF180];
	v62 =	vmul.f32 v59, v45;
	v35 =	vmul.f32 $1.442695020e+00, v35  }
0xbf: {  	v48 =	vsub.f32 v31, v12;
	(erf) = vpow2.f32 v8;
	v15 =	vmul.f32 $1.442695020e+00, v15  }
0xc0: {  	v8 =	vsub.f32 v21, v43;
	v34 =	vmul.f32 $1.442695020e+00, v61;
	v37 =	vmul.f32 $1.442695020e+00, v62  }
0xc1: {  	v55 =	vmul.f32 $1.442695020e+00, v44;
	v45 =	vsub.f32 v28, v57;
	(erf) = vpow2.f32 v15  }
0xc2: {  	v63 =	vmul.f32 v8, v43;
	v8 =	vadd.f32 v13, v41;
	(erf) = vpow2.f32 v33  }
0xc3: {  	s26 =	simm.s32 $0x10;
	s29 =	simm.s32 $0x80;
	v46 =	vld [tilespmem:s25+$0xF200];
	v13 =	vmul.f32 v45, v57;
	v15 =	vsub.f32 v29, v60;
	(erf) = vpow2.f32 v37  }
0xc4: {  	s2 =	sand.u32 $0x7C00, s29;
	s0 =	sand.u32 $0x70, s26;
	v33 =	vadd.f32 v50, v10;
	v38 =	vmul.f32 $1.442695020e+00, v63;
	(erf) = vpow2.f32 v34  }
0xc5: {  	v10 =	vmul.f32 v15, v60;
	v13 =	vmul.f32 $1.442695020e+00, v13;
	v15 =	vld [tilespmem:s25+$0x16380];
	v34 =	vadd.f32 v9, v0;
	s25 =	sor.u32 s0, s2  }
0xc6: {  	v0 =	vmul.f32 v48, v12;
	(erf) = vpow2.f32 v35;
	v35 =	vadd.f32 v11, v47;
	v11 =	vld [tilespmem:s25+$0x16200]  }
0xc7: {  	v41 =	vld [tilespmem:s25+$0xF280];
	v10 =	vmul.f32 $1.442695020e+00, v10;
	(erf) = vpow2.f32 v13  }
0xc8: {  	v14 =	vmul.f32 $1.442695020e+00, v14;
	v13 =	vsub.f32 v30, v46;
	(erf) = vpow2.f32 v38  }
0xc9: {  	v16 =	vadd.f32 v16, v39;
	v45 =	vld [tilespmem:s25+$0x16300];
	v0 =	vmul.f32 $1.442695020e+00, v0;
	v9 =	vpop (erf);
	(erf) = vpow2.f32 v10  }
0xca: {  	v12 =	vld [tilespmem:s25+$0x16480];
	v13 =	vmul.f32 v13, v46;
	v36 =	vadd.f32 v9, v49;
	(erf) = vpow2.f32 v53  }
0xcb: {  	v9 =	vld [tilespmem:s25+$0xF480];
	v56 =	vsub.f32 v32, v15;
	v57 =	vpop (erf);
	(erf) = vpow2.f32 v0;
	v61 =	vsub.f32 v23, v11  }
0xcc: {  	v10 =	vld [tilespmem:s25+$0x16180];
	v13 =	vmul.f32 $1.442695020e+00, v13;
	v63 =	vsub.f32 v17, v41;
	v37 =	vadd.f32 v57, v51;
	v58 =	vpop (erf)  }
0xcd: {  	s31 =	simm.s32 $0x1;
	v50 =	vld [tilespmem:s25+$0xF180];
	v0 =	vmul.f32 v56, v15;
	(erf) = vpow2.f32 v55;
	v38 =	vadd.f32 v58, v6  }
0xce: {  	s0 =	sand.u32 $0x7, s31;
	v43 =	vld [tilespmem:s25+$0x16400];
	v6 =	vpop (erf);
	(erf) = vpow2.f32 v14;
	v11 =	vmul.f32 v61, v11;
	v61 =	vsub.f32 v26, v45  }
0xcf: {  	s0 =	sshll.u32 s0, $0x4;
	v46 =	vld [tilespmem:s25+$0xF300];
	v39 =	vadd.f32 v6, v7;
	v6 =	vpop (erf);
	v7 =	vsub.f32 v24, v12;
	v0 =	vmul.f32 $1.442695020e+00, v0  }
0xd0: {  	v48 =	vld [tilespmem:s25+$0x16280];
	s0 =	sadd.s32 $0x80, s0;
	(erf) = vpow2.f32 v54;
	v15 =	vsub.f32 v20, v9;
	v40 =	vadd.f32 v6, v52  }
0xd1: {  	s0 =	sor.u32 $0x380, s0;
	v6 =	vsub.f32 v22, v10;
	v59 =	vpop (erf);
	v55 =	vmul.f32 $1.442695020e+00, v11;
	v47 =	vmul.f32 v61, v45  }
0xd2: {  	v60 =	vld [tilespmem:s0+$0xF180];
	v51 =	vsub.f32 v29, v50;
	v12 =	vmul.f32 v7, v12;
	(erf) = vpow2.f32 v0;
	v62 =	vpop (erf)  }
0xd3: {  	v14 =	vld [tilespmem:s25+$0xF380];
	v44 =	vadd.f32 v59, v5;
	v10 =	vmul.f32 v6, v10;
	v53 =	vpop (erf);
	v9 =	vmul.f32 v15, v9  }
0xd4: {  	v6 =	vsub.f32 v27, v43;
	(erf) = vpow2.f32 v13;
	v15 =	vsub.f32 v18, v46;
	v0 =	vpop (erf)  }
0xd5: {  	v58 =	vld [tilespmem:s25+$0xF400];
	v11 =	vmul.f32 $1.442695020e+00, v12;
	v12 =	vsub.f32 v25, v48;
	v49 =	vpop (erf);
	v5 =	vmul.f32 $1.442695020e+00, v9  }
0xd6: {  	v7 =	vld [tilespmem:s25+$0x16500];
	v45 =	vadd.f32 v62, v1;
	v6 =	vmul.f32 v6, v43;
	v1 =	vmul.f32 $1.442695020e+00, v10;
	v56 =	vpop (erf)  }
0xd7: {  	v59 =	vsub.f32 v21, v60;
	v15 =	vmul.f32 v15, v46;
	(erf) = vpow2.f32 v11;
	v57 =	vpop (erf)  }
0xd8: {  	v13 =	vsub.f32 v19, v14;
	v11 =	vmul.f32 v63, v41;
	v9 =	vmul.f32 v12, v48;
	v62 =	vpop (erf)  }
0xd9: {  	v63 =	vmul.f32 $1.442695020e+00, v47;
	v48 =	vadd.f32 v53, v2;
	v12 =	vpop (erf);
	v47 =	vadd.f32 v62, v3  }
0xda: {  	v3 =	vsub.f32 v28, v58;
	v46 =	vadd.f32 v12, v4;
	v4 =	vmul.f32 v13, v14  }
0xdb: {  	v10 =	vsub.f32 v31, v7;
	(erf) = vpow2.f32 v63;
	v14 =	vmul.f32 v59, v60  }
0xdc: {  	v42 =	vadd.f32 v56, v42;
	v12 =	vmul.f32 $1.442695020e+00, v15;
	v15 =	vmul.f32 $1.442695020e+00, v4  }
0xdd: {  	v43 =	vadd.f32 v57, v8;
	(erf) = vpow2.f32 v55;
	v2 =	vpop (erf);
	v13 =	vmul.f32 v3, v58  }
0xde: {  	s30 =	simm.s32 $0x20;
	s28 =	simm.s32 $0x2;
	s26 =	simm.s32 $0x100;
	v41 =	vadd.f32 v2, v16;
	v2 =	vld [tilespmem:s25+$0xF200];
	v4 =	vmul.f32 $1.442695020e+00, v14;
	v3 =	vpop (erf);
	(erf) = vpow2.f32 v15  }
.LBB2_4:
0xdf: {  	s0 =	sand.u32 $0x7, s28  }
0xe0: {  	s2 =	sand.u32 $0x70, s30;
	s31 =	sand.u32 $0x7C00, s26;
	v8 =	vmul.f32 $1.442695020e+00, v11;
	(erf) = vpow2.f32 v12;
	v33 =	vadd.f32 v3, v33;
	s29 =	smov.u32 s30  }
0xe1: {  	v3 =	vmul.f32 v51, v50;
	v11 =	vmul.f32 $1.442695020e+00, v13;
	v34 =	vadd.f32 v0, v34;
	s0 =	sshll.u32 s0, $0x4;
	s29 =	sadd.s32 $0x10, s30;
	v12 =	vld [tilespmem:s25+$0x16380];
	s25 =	sor.u32 s2, s31;
	v13 =	vpop (erf)  }
0xe2: {  	p2 =	sne.s32 s30, $0xDF0;
	v7 =	vmul.f32 v10, v7;
	v35 =	vadd.f32 v49, v35;
	s0 =	sadd.s32 s0, s26;
	v0 =	vld [tilespmem:s25+$0x16200];
	(erf) = vpow2.f32 v8  }
0xe3: {  	v3 =	vmul.f32 $1.442695020e+00, v3;
	v36 =	vadd.f32 v13, v36;
	s0 =	sor.u32 $0x380, s0;
	v8 =	vld [tilespmem:s25+$0x16180];
	(erf) = vpow2.f32 v11  }
0xe4: {  	v7 =	vmul.f32 $1.442695020e+00, v7;
	v10 =	vld [tilespmem:s25+$0xF480];
	(erf) = vpow2.f32 v4  }
0xe5: {  	v9 =	vmul.f32 $1.442695020e+00, v9;
	v11 =	vsub.f32 v30, v2;
	v4 =	vld [tilespmem:s25+$0x16480];
	(erf) = vpow2.f32 v3  }
0xe6: {  	v6 =	vmul.f32 $1.442695020e+00, v6;
	v3 =	vld [tilespmem:s25+$0xF380];
	v13 =	vsub.f32 v32, v12;
	(erf) = vpow2.f32 v5;
	v5 =	vpop (erf)  }
0xe7: {  	v11 =	vmul.f32 v11, v2;
	v14 =	vld [tilespmem:s25+$0xF280];
	v37 =	vadd.f32 v5, v37;
	v2 =	vpop (erf);
	(erf) = vpow2.f32 v7  }
0xe8: {  	v15 =	vld [tilespmem:s25+$0x16400];
	v38 =	vadd.f32 v2, v38;
	v5 =	vmul.f32 v13, v12;
	v2 =	vpop (erf);
	(erf) = vpow2.f32 v9  }
0xe9: {  	v7 =	vsub.f32 v20, v10;
	v9 =	vld [tilespmem:s25+$0x16300];
	v39 =	vadd.f32 v2, v39;
	v12 =	vpop (erf);
	(erf) = vpow2.f32 v6  }
0xea: {  	v2 =	vld [tilespmem:s25+$0xF200];
	v49 =	vsub.f32 v24, v4;
	v40 =	vadd.f32 v12, v40;
	v5 =	vmul.f32 $1.442695020e+00, v5  }
0xeb: {  	v11 =	vmul.f32 $1.442695020e+00, v11;
	v13 =	vsub.f32 v22, v8;
	v12 =	vld [tilespmem:s25+$0xF300];
	v16 =	vpop (erf);
	(erf) = vpow2.f32 v1  }
0xec: {  	v1 =	vsub.f32 v23, v0;
	v52 =	vld [tilespmem:s25+$0x16280];
	v4 =	vmul.f32 v49, v4;
	v6 =	vpop (erf);
	(erf) = vpow2.f32 v5  }
0xed: {  	v8 =	vmul.f32 v13, v8;
	v53 =	vsub.f32 v17, v14;
	v50 =	vld [tilespmem:s25+$0xF180];
	v13 =	vsub.f32 v27, v15;
	v54 =	vpop (erf)  }
0xee: {  	v1 =	vmul.f32 v1, v0;
	v55 =	vld [tilespmem:s0+$0xF180];
	v5 =	vsub.f32 v26, v9;
	v0 =	vpop (erf);
	(erf) = vpow2.f32 v11  }
0xef: {  	v56 =	vsub.f32 v19, v3;
	v10 =	vmul.f32 v7, v10;
	v44 =	vadd.f32 v16, v44;
	v7 =	vld [tilespmem:s25+$0x16500];
	v49 =	vpop (erf)  }
0xf0: {  	v4 =	vmul.f32 $1.442695020e+00, v4;
	v57 =	vmul.f32 $1.442695020e+00, v1;
	v16 =	vsub.f32 v18, v12;
	v58 =	vpop (erf)  }
0xf1: {  	v45 =	vadd.f32 v6, v45;
	v60 =	vmul.f32 v5, v9;
	v59 =	vsub.f32 v25, v52;
	v61 =	vpop (erf)  }
0xf2: {  	v6 =	vmul.f32 v13, v15;
	v5 =	vmul.f32 $1.442695020e+00, v10;
	v51 =	vsub.f32 v29, v50;
	v62 =	vld [tilespmem:s25+$0xF400];
	v13 =	vpop (erf)  }
0xf3: {  	v1 =	vmul.f32 $1.442695020e+00, v8;
	v15 =	vsub.f32 v21, v55;
	(erf) = vpow2.f32 v4  }
0xf4: {  	v11 =	vmul.f32 v53, v14;
	v9 =	vmul.f32 v59, v52;
	v10 =	vsub.f32 v31, v7;
	v4 =	vpop (erf)  }
0xf5: {  	v8 =	vmul.f32 v16, v12;
	v14 =	vmul.f32 $1.442695020e+00, v60;
	v46 =	vadd.f32 v4, v46;
	v4 =	vpop (erf)  }
.Ltmp1:
0xf6: {  	v16 =	vmul.f32 v56, v3;
	v47 =	vadd.f32 v13, v47;
	v15 =	vmul.f32 v15, v55;
	(pc) =	sbr.rel @p2 .LBB2_4-.Ltmp1, $4  }
0xf7: {  	v48 =	vadd.f32 v54, v48;
	v12 =	vmul.f32 $1.442695020e+00, v8;
	v8 =	vsub.f32 v28, v62;
	v3 =	vpop (erf)  }
0xf8: {  	v42 =	vadd.f32 v58, v42;
	v16 =	vmul.f32 $1.442695020e+00, v16;
	(erf) = vpow2.f32 v14  }
0xf9: {  	v41 =	vadd.f32 v4, v41;
	v13 =	vmul.f32 v8, v62;
	(erf) = vpow2.f32 v57  }
0xfa: {  	s28 =	sadd.s32 $0x1, s28;
	s26 =	sadd.s32 $0x80, s26;
	s30 =	smov.u32 s29;
	v43 =	vadd.f32 v61, v43;
	v4 =	vmul.f32 $1.442695020e+00, v15;
	(erf) = vpow2.f32 v16  }
0xfb: {  	v8 =	vmul.f32 $1.442695020e+00, v11;
	(erf) = vpow2.f32 v12;
	v11 =	vld [tilespmem:s25+$0x16380]  }
0xfc: {  	v12 =	vmul.f32 v51, v50;
	v13 =	vmul.f32 $1.442695020e+00, v13  }
0xfd: {  	(erf) = vpow2.f32 v8  }
0xfe: {  	v8 =	vmul.f32 $1.442695020e+00, v12;
	(erf) = vpow2.f32 v13  }
0xff: {  	v7 =	vmul.f32 v10, v7;
	(erf) = vpow2.f32 v4  }
0x100: {  	(erf) = vpow2.f32 v8;
	v8 =	vsub.f32 v32, v11  }
0x101: {  	v7 =	vmul.f32 $1.442695020e+00, v7;
	v4 =	vmul.f32 $1.442695020e+00, v9  }
0x102: {  	v10 =	vsub.f32 v30, v2;
	v6 =	vmul.f32 $1.442695020e+00, v6;
	v9 =	vpop (erf);
	(erf) = vpow2.f32 v5  }
0x103: {  	v5 =	vpop (erf);
	(erf) = vpow2.f32 v7;
	v7 =	vmul.f32 v8, v11  }
0x104: {  	v2 =	vmul.f32 v10, v2;
	v8 =	vpop (erf);
	(erf) = vpow2.f32 v4  }
0x105: {  	v4 =	vpop (erf);
	(erf) = vpow2.f32 v6;
	v6 =	vmul.f32 $1.442695020e+00, v7  }
0x106: {  	v2 =	vmul.f32 $1.442695020e+00, v2  }
0x107: {  	v7 =	vpop (erf);
	(erf) = vpow2.f32 v1  }
0x108: {  	v1 =	vpop (erf);
	(erf) = vpow2.f32 v6  }
0x109: {  	v6 =	vpop (erf);
	(erf) = vpow2.f32 v2  }
0x10a: {  	v2 =	vpop (erf)  }
0x10b: {  	v10 =	vpop (erf)  }
0x10c: {  	v11 =	vpop (erf)  }
0x10d: {  	v12 =	vpop (erf)  }
0x10e: {  	v13 =	vpop (erf)  }
0x10f: {  	v14 =	vpop (erf)  }
0x110: {  	v15 =	vpop (erf)  }
0x111: {  	v16 =	vpop (erf)  }
0x112: {  	v50 =	vpop (erf)  }
0x113: {  	s0 =	simm.s32 $0x0;
	_ =	swait.ge [sflag:s14], $0xE000  }
0x114: {  	s2 =	sand.u32 $0x70, s0;
	s31 =	sand.u32 $0x7C00, s0;
	[sflag:s14] =	ssyncset.done $0x0  }
0x115: {  	s25 =	sor.u32 s2, s31;
	[sflag:s14] =	ssyncadd.s32 $0xFFFF2000  }
0x116: {  	[tilespmem:s21], [sflag:$0x2] =	stream.strided.gather [hbm4b:s9+s19], $0xE000, s16, s19, $0x38;
	[tilespmem:$0x1D980] =	vst v63  }
0x117: {  	v60 =	vld [tilespmem:s25+$0x8200]  }
0x118: {  	v33 =	vadd.f32 v3, v33;
	v61 =	vld [tilespmem:s25+$0x8180]  }
0x119: {  	v0 =	vadd.f32 v0, v34;
	v35 =	vadd.f32 v49, v35;
	v62 =	vld [tilespmem:s25+$0x8480]  }
0x11a: {  	v37 =	vadd.f32 v5, v37;
	v38 =	vadd.f32 v8, v38;
	v8 =	vld [tilespmem:s25+$0x1480]  }
0x11b: {  	v5 =	vadd.f32 v1, v44;
	v1 =	vadd.f32 v6, v45;
	v6 =	vld [tilespmem:s25+$0x8300]  }
0x11c: {  	v39 =	vadd.f32 v4, v39;
	v3 =	vadd.f32 v14, v47;
	v14 =	vld [tilespmem:s25+$0x8400]  }
0x11d: {  	v7 =	vadd.f32 v7, v40;
	v2 =	vadd.f32 v2, v48  }
0x11e: {  	v4 =	vadd.f32 v15, v46;
	v63 =	vld [tilespmem:s25+$0x1280];
	v15 =	vsub.f32 v24, v62  }
0x11f: {  	s0 =	sand.u32 $0x7, s0;
	v49 =	vld [tilespmem:s25+$0x1380];
	v53 =	vsub.f32 v23, v60;
	v55 =	vsub.f32 v22, v61  }
0x120: {  	s0 =	sshll.u32 s0, $0x4;
	v44 =	vld [tilespmem:s25+$0x1300];
	v54 =	vsub.f32 v20, v8;
	v58 =	vsub.f32 v26, v6;
	v15 =	vmul.f32 v15, v62  }
0x121: {  	s0 =	sadd.s32 $0x0, s0;
	v48 =	vld [tilespmem:s25+$0x8280];
	v59 =	vsub.f32 v27, v14;
	v45 =	vmul.f32 v53, v60;
	v34 =	vmul.f32 v55, v61  }
0x122: {  	s0 =	sor.u32 $0x380, s0;
	v42 =	vadd.f32 v12, v42;
	v8 =	vmul.f32 v54, v8;
	v6 =	vmul.f32 v58, v6  }
0x123: {  	v57 =	vld [tilespmem:s0+$0x1180];
	v56 =	vsub.f32 v17, v63;
	v14 =	vmul.f32 v59, v14;
	v45 =	vmul.f32 $1.442695020e+00, v45  }
0x124: {  	v12 =	vld [tilespmem:s25+$0x8500];
	v61 =	vsub.f32 v19, v49;
	v15 =	vmul.f32 $1.442695020e+00, v15;
	v53 =	vmul.f32 $1.442695020e+00, v8  }
0x125: {  	v52 =	vsub.f32 v18, v44;
	v60 =	vld [tilespmem:s25+$0x1400];
	v46 =	vmul.f32 $1.442695020e+00, v34;
	v6 =	vmul.f32 $1.442695020e+00, v6  }
0x126: {  	v8 =	vsub.f32 v25, v48;
	v34 =	vmul.f32 v61, v49;
	v14 =	vmul.f32 $1.442695020e+00, v14  }
0x127: {  	v35 =	vadd.f32 v11, v35;
	v62 =	vld [tilespmem:s25+$0x1180];
	(erf) = vpow2.f32 v15;
	v15 =	vmul.f32 v56, v63  }
0x128: {  	v63 =	vsub.f32 v21, v57;
	v48 =	vmul.f32 v8, v48;
	v8 =	vmul.f32 v52, v44  }
0x129: {  	s26 =	simm.s32 $0x10;
	s29 =	simm.s32 $0x80;
	v34 =	vmul.f32 $1.442695020e+00, v34;
	v56 =	vsub.f32 v31, v12;
	(erf) = vpow2.f32 v6  }
0x12a: {  	s2 =	sand.u32 $0x7C00, s29;
	s0 =	sand.u32 $0x70, s26;
	v55 =	vld [tilespmem:s25+$0x1200];
	v54 =	vsub.f32 v28, v60;
	v40 =	vmul.f32 v63, v57;
	v44 =	vmul.f32 $1.442695020e+00, v8  }
0x12b: {  	v8 =	vadd.f32 v13, v43;
	(erf) = vpow2.f32 v45;
	v15 =	vmul.f32 $1.442695020e+00, v15;
	v57 =	vld [tilespmem:s25+$0x8380];
	s25 =	sor.u32 s0, s2  }
0x12c: {  	v13 =	vsub.f32 v29, v62;
	v6 =	vmul.f32 v54, v60;
	(erf) = vpow2.f32 v34;
	v11 =	vld [tilespmem:s25+$0x8200]  }
0x12d: {  	v34 =	vadd.f32 v10, v0;
	v0 =	vmul.f32 v56, v12;
	v43 =	vld [tilespmem:s25+$0x1280];
	v40 =	vmul.f32 $1.442695020e+00, v40  }
0x12e: {  	v33 =	vadd.f32 v50, v33;
	v50 =	vld [tilespmem:s25+$0x1180];
	(erf) = vpow2.f32 v44;
	v13 =	vmul.f32 v13, v62  }
0x12f: {  	v6 =	vmul.f32 $1.442695020e+00, v6;
	(erf) = vpow2.f32 v15  }
0x130: {  	v16 =	vadd.f32 v16, v41;
	v41 =	vld [tilespmem:s25+$0x8400];
	v0 =	vmul.f32 $1.442695020e+00, v0;
	v12 =	vmul.f32 $1.442695020e+00, v13  }
0x131: {  	v9 =	vadd.f32 v9, v36;
	v13 =	vmul.f32 $1.442695020e+00, v48;
	(erf) = vpow2.f32 v6  }
0x132: {  	v6 =	vld [tilespmem:s25+$0x1480];
	v15 =	vsub.f32 v32, v57;
	(erf) = vpow2.f32 v40;
	v62 =	vsub.f32 v23, v11  }
0x133: {  	v52 =	vsub.f32 v17, v43;
	v51 =	vsub.f32 v29, v50;
	v10 =	vpop (erf);
	(erf) = vpow2.f32 v12  }
0x134: {  	s31 =	simm.s32 $0x1;
	v12 =	vld [tilespmem:s25+$0x8180];
	v36 =	vadd.f32 v10, v9;
	v10 =	vsub.f32 v30, v55;
	(erf) = vpow2.f32 v53  }
0x135: {  	s0 =	sand.u32 $0x7, s31;
	v9 =	vld [tilespmem:s25+$0x8480];
	v58 =	vpop (erf);
	v53 =	vsub.f32 v27, v41;
	v11 =	vmul.f32 v62, v11;
	(erf) = vpow2.f32 v0  }
0x136: {  	s0 =	sshll.u32 s0, $0x4;
	v37 =	vadd.f32 v58, v37;
	v59 =	vpop (erf);
	v0 =	vmul.f32 v15, v57;
	v10 =	vmul.f32 v10, v55  }
0x137: {  	v45 =	vld [tilespmem:s25+$0x8300];
	s0 =	sadd.s32 $0x80, s0;
	v15 =	vpop (erf);
	(erf) = vpow2.f32 v13;
	v13 =	vsub.f32 v20, v6;
	v57 =	vmul.f32 $1.442695020e+00, v11  }
0x138: {  	s0 =	sor.u32 $0x380, s0;
	v48 =	vld [tilespmem:s25+$0x8280];
	v11 =	vmul.f32 v52, v43;
	v39 =	vadd.f32 v15, v39;
	v15 =	vpop (erf);
	(erf) = vpow2.f32 v14  }
0x139: {  	v55 =	vld [tilespmem:s0+$0x1180];
	v0 =	vmul.f32 $1.442695020e+00, v0;
	v40 =	vadd.f32 v15, v7;
	(erf) = vpow2.f32 v46  }
0x13a: {  	v14 =	vld [tilespmem:s25+$0x1380];
	v7 =	vsub.f32 v22, v12;
	v10 =	vmul.f32 $1.442695020e+00, v10;
	v61 =	vpop (erf);
	v60 =	vsub.f32 v24, v9  }
0x13b: {  	v38 =	vadd.f32 v59, v38;
	v15 =	vld [tilespmem:s25+$0x1300];
	v6 =	vmul.f32 v13, v6;
	(erf) = vpow2.f32 v0;
	v63 =	vpop (erf)  }
0x13c: {  	v12 =	vmul.f32 v7, v12;
	v7 =	vld [tilespmem:s25+$0x8500];
	v9 =	vmul.f32 v60, v9;
	v54 =	vpop (erf);
	v60 =	vsub.f32 v26, v45  }
0x13d: {  	v44 =	vadd.f32 v61, v5;
	v5 =	vmul.f32 $1.442695020e+00, v6;
	v6 =	vmul.f32 v53, v41;
	v0 =	vpop (erf)  }
0x13e: {  	(erf) = vpow2.f32 v10;
	v10 =	vsub.f32 v25, v48;
	v49 =	vpop (erf);
	v46 =	vmul.f32 v60, v45;
	v60 =	vld [tilespmem:s25+$0x1400]  }
0x13f: {  	v62 =	vsub.f32 v21, v55;
	v56 =	vsub.f32 v19, v14;
	v9 =	vmul.f32 $1.442695020e+00, v9;
	v58 =	vpop (erf)  }
0x140: {  	v13 =	vsub.f32 v18, v15;
	v45 =	vadd.f32 v63, v1;
	v1 =	vmul.f32 $1.442695020e+00, v12;
	v59 =	vpop (erf)  }
0x141: {  	(erf) = vpow2.f32 v9;
	v9 =	vmul.f32 v10, v48;
	v10 =	vsub.f32 v31, v7;
	v61 =	vpop (erf)  }
0x142: {  	v13 =	vmul.f32 v13, v15;
	v15 =	vmul.f32 $1.442695020e+00, v46;
	v12 =	vpop (erf);
	v47 =	vadd.f32 v61, v3  }
0x143: {  	v46 =	vadd.f32 v12, v4;
	v4 =	vmul.f32 v56, v14;
	v3 =	vsub.f32 v28, v60  }
0x144: {  	v48 =	vadd.f32 v54, v2;
	(erf) = vpow2.f32 v15;
	v14 =	vmul.f32 v62, v55  }
0x145: {  	v42 =	vadd.f32 v58, v42;
	v12 =	vmul.f32 $1.442695020e+00, v13;
	v63 =	vmul.f32 $1.442695020e+00, v4  }
0x146: {  	v43 =	vadd.f32 v59, v8;
	v2 =	vpop (erf);
	(erf) = vpow2.f32 v57;
	v13 =	vmul.f32 v3, v60  }
0x147: {  	s30 =	simm.s32 $0x20;
	s28 =	simm.s32 $0x2;
	s26 =	simm.s32 $0x100;
	v41 =	vadd.f32 v2, v16;
	v2 =	vld [tilespmem:s25+$0x1200];
	v4 =	vmul.f32 $1.442695020e+00, v14;
	v3 =	vpop (erf);
	(erf) = vpow2.f32 v63  }
.LBB2_6:
0x148: {  	s0 =	sand.u32 $0x7, s28  }
0x149: {  	s2 =	sand.u32 $0x70, s30;
	s31 =	sand.u32 $0x7C00, s26;
	v8 =	vmul.f32 $1.442695020e+00, v11;
	(erf) = vpow2.f32 v12;
	v33 =	vadd.f32 v3, v33;
	s29 =	smov.u32 s30  }
0x14a: {  	v3 =	vmul.f32 v51, v50;
	v11 =	vmul.f32 $1.442695020e+00, v13;
	v34 =	vadd.f32 v0, v34;
	s0 =	sshll.u32 s0, $0x4;
	s29 =	sadd.s32 $0x10, s30;
	v12 =	vld [tilespmem:s25+$0x8380];
	s25 =	sor.u32 s2, s31;
	v13 =	vpop (erf)  }
0x14b: {  	p2 =	sne.s32 s30, $0xDF0;
	v7 =	vmul.f32 v10, v7;
	v35 =	vadd.f32 v49, v35;
	s0 =	sadd.s32 s0, s26;
	v0 =	vld [tilespmem:s25+$0x8200];
	(erf) = vpow2.f32 v8  }
0x14c: {  	v3 =	vmul.f32 $1.442695020e+00, v3;
	v36 =	vadd.f32 v13, v36;
	s0 =	sor.u32 $0x380, s0;
	v8 =	vld [tilespmem:s25+$0x8180];
	(erf) = vpow2.f32 v11  }
0x14d: {  	v7 =	vmul.f32 $1.442695020e+00, v7;
	v10 =	vld [tilespmem:s25+$0x1480];
	(erf) = vpow2.f32 v4  }
0x14e: {  	v9 =	vmul.f32 $1.442695020e+00, v9;
	v11 =	vsub.f32 v30, v2;
	v4 =	vld [tilespmem:s25+$0x8480];
	(erf) = vpow2.f32 v3  }
0x14f: {  	v6 =	vmul.f32 $1.442695020e+00, v6;
	v3 =	vld [tilespmem:s25+$0x1380];
	v13 =	vsub.f32 v32, v12;
	(erf) = vpow2.f32 v5;
	v5 =	vpop (erf)  }
0x150: {  	v11 =	vmul.f32 v11, v2;
	v14 =	vld [tilespmem:s25+$0x1280];
	v37 =	vadd.f32 v5, v37;
	v2 =	vpop (erf);
	(erf) = vpow2.f32 v7  }
0x151: {  	v15 =	vld [tilespmem:s25+$0x8400];
	v38 =	vadd.f32 v2, v38;
	v5 =	vmul.f32 v13, v12;
	v2 =	vpop (erf);
	(erf) = vpow2.f32 v9  }
0x152: {  	v7 =	vsub.f32 v20, v10;
	v9 =	vld [tilespmem:s25+$0x8300];
	v39 =	vadd.f32 v2, v39;
	v12 =	vpop (erf);
	(erf) = vpow2.f32 v6  }
0x153: {  	v2 =	vld [tilespmem:s25+$0x1200];
	v49 =	vsub.f32 v24, v4;
	v40 =	vadd.f32 v12, v40;
	v5 =	vmul.f32 $1.442695020e+00, v5  }
0x154: {  	v11 =	vmul.f32 $1.442695020e+00, v11;
	v13 =	vsub.f32 v22, v8;
	v12 =	vld [tilespmem:s25+$0x1300];
	v16 =	vpop (erf);
	(erf) = vpow2.f32 v1  }
0x155: {  	v1 =	vsub.f32 v23, v0;
	v52 =	vld [tilespmem:s25+$0x8280];
	v4 =	vmul.f32 v49, v4;
	v6 =	vpop (erf);
	(erf) = vpow2.f32 v5  }
0x156: {  	v8 =	vmul.f32 v13, v8;
	v53 =	vsub.f32 v17, v14;
	v50 =	vld [tilespmem:s25+$0x1180];
	v13 =	vsub.f32 v27, v15;
	v54 =	vpop (erf)  }
0x157: {  	v1 =	vmul.f32 v1, v0;
	v55 =	vld [tilespmem:s0+$0x1180];
	v5 =	vsub.f32 v26, v9;
	v0 =	vpop (erf);
	(erf) = vpow2.f32 v11  }
0x158: {  	v56 =	vsub.f32 v19, v3;
	v10 =	vmul.f32 v7, v10;
	v44 =	vadd.f32 v16, v44;
	v7 =	vld [tilespmem:s25+$0x8500];
	v49 =	vpop (erf)  }
0x159: {  	v4 =	vmul.f32 $1.442695020e+00, v4;
	v57 =	vmul.f32 $1.442695020e+00, v1;
	v16 =	vsub.f32 v18, v12;
	v58 =	vpop (erf)  }
0x15a: {  	v45 =	vadd.f32 v6, v45;
	v60 =	vmul.f32 v5, v9;
	v59 =	vsub.f32 v25, v52;
	v61 =	vpop (erf)  }
0x15b: {  	v6 =	vmul.f32 v13, v15;
	v5 =	vmul.f32 $1.442695020e+00, v10;
	v51 =	vsub.f32 v29, v50;
	v62 =	vld [tilespmem:s25+$0x1400];
	v13 =	vpop (erf)  }
0x15c: {  	v1 =	vmul.f32 $1.442695020e+00, v8;
	v15 =	vsub.f32 v21, v55;
	(erf) = vpow2.f32 v4  }
0x15d: {  	v11 =	vmul.f32 v53, v14;
	v9 =	vmul.f32 v59, v52;
	v10 =	vsub.f32 v31, v7;
	v4 =	vpop (erf)  }
0x15e: {  	v8 =	vmul.f32 v16, v12;
	v14 =	vmul.f32 $1.442695020e+00, v60;
	v46 =	vadd.f32 v4, v46;
	v4 =	vpop (erf)  }
.Ltmp2:
0x15f: {  	v16 =	vmul.f32 v56, v3;
	v47 =	vadd.f32 v13, v47;
	v15 =	vmul.f32 v15, v55;
	(pc) =	sbr.rel @p2 .LBB2_6-.Ltmp2, $4  }
0x160: {  	v48 =	vadd.f32 v54, v48;
	v12 =	vmul.f32 $1.442695020e+00, v8;
	v8 =	vsub.f32 v28, v62;
	v3 =	vpop (erf)  }
0x161: {  	v42 =	vadd.f32 v58, v42;
	v16 =	vmul.f32 $1.442695020e+00, v16;
	(erf) = vpow2.f32 v14  }
0x162: {  	v41 =	vadd.f32 v4, v41;
	v13 =	vmul.f32 v8, v62;
	(erf) = vpow2.f32 v57  }
0x163: {  	s28 =	sadd.s32 $0x1, s28;
	s26 =	sadd.s32 $0x80, s26;
	s30 =	smov.u32 s29;
	v43 =	vadd.f32 v61, v43;
	v4 =	vmul.f32 $1.442695020e+00, v15;
	(erf) = vpow2.f32 v16  }
0x164: {  	v8 =	vmul.f32 $1.442695020e+00, v11;
	(erf) = vpow2.f32 v12;
	v11 =	vld [tilespmem:s25+$0x8380]  }
0x165: {  	v12 =	vmul.f32 v51, v50;
	v13 =	vmul.f32 $1.442695020e+00, v13  }
0x166: {  	(erf) = vpow2.f32 v8  }
0x167: {  	v8 =	vmul.f32 $1.442695020e+00, v12;
	(erf) = vpow2.f32 v13  }
0x168: {  	v7 =	vmul.f32 v10, v7;
	(erf) = vpow2.f32 v4  }
0x169: {  	(erf) = vpow2.f32 v8;
	v8 =	vsub.f32 v32, v11  }
0x16a: {  	v7 =	vmul.f32 $1.442695020e+00, v7;
	v4 =	vmul.f32 $1.442695020e+00, v9  }
0x16b: {  	v10 =	vsub.f32 v30, v2;
	v6 =	vmul.f32 $1.442695020e+00, v6;
	v9 =	vpop (erf);
	(erf) = vpow2.f32 v5  }
0x16c: {  	v5 =	vpop (erf);
	(erf) = vpow2.f32 v7;
	v7 =	vmul.f32 v8, v11  }
0x16d: {  	v2 =	vmul.f32 v10, v2;
	v8 =	vpop (erf);
	(erf) = vpow2.f32 v4  }
0x16e: {  	v4 =	vpop (erf);
	(erf) = vpow2.f32 v6;
	v6 =	vmul.f32 $1.442695020e+00, v7  }
0x16f: {  	v2 =	vmul.f32 $1.442695020e+00, v2  }
0x170: {  	v7 =	vpop (erf);
	(erf) = vpow2.f32 v1  }
0x171: {  	v1 =	vpop (erf);
	(erf) = vpow2.f32 v6  }
0x172: {  	v6 =	vpop (erf);
	(erf) = vpow2.f32 v2  }
0x173: {  	v2 =	vpop (erf)  }
0x174: {  	v10 =	vpop (erf)  }
0x175: {  	v11 =	vpop (erf)  }
0x176: {  	v12 =	vpop (erf)  }
0x177: {  	v13 =	vpop (erf)  }
0x178: {  	v14 =	vpop (erf)  }
0x179: {  	v15 =	vpop (erf)  }
0x17a: {  	v16 =	vpop (erf)  }
0x17b: {  	v50 =	vpop (erf)  }
0x17c: {  	s0 =	simm.s32 $0x0;
	_ =	swait.ge [sflag:s22], $0xE000  }
0x17d: {  	s2 =	sand.u32 $0x70, s0;
	s31 =	sand.u32 $0x7C00, s0;
	[sflag:s22] =	ssyncset.done $0x0  }
0x17e: {  	s25 =	sor.u32 s2, s31;
	[sflag:s22] =	ssyncadd.s32 $0xFFFF2000  }
0x17f: {  	[tilespmem:s20], [sflag:$0x1] =	stream.strided.gather [hbm4b:s10+s19], $0xE000, s16, s19, $0x38;
	[tilespmem:$0x1D980] =	vst v63  }
0x180: {  	v33 =	vadd.f32 v3, v33;
	v57 =	vld [tilespmem:s25+$0x16200]  }
0x181: {  	v0 =	vadd.f32 v0, v34;
	v35 =	vadd.f32 v49, v35;
	v58 =	vld [tilespmem:s25+$0x16180]  }
0x182: {  	v9 =	vadd.f32 v9, v36;
	v37 =	vadd.f32 v5, v37;
	v59 =	vld [tilespmem:s25+$0x16480]  }
0x183: {  	v38 =	vadd.f32 v8, v38;
	v39 =	vadd.f32 v4, v39;
	v8 =	vld [tilespmem:s25+$0xF480]  }
0x184: {  	v7 =	vadd.f32 v7, v40;
	v5 =	vadd.f32 v1, v44;
	v40 =	vld [tilespmem:s25+$0xF280]  }
0x185: {  	v1 =	vadd.f32 v6, v45;
	v2 =	vadd.f32 v2, v48;
	v6 =	vld [tilespmem:s25+$0x16300]  }
0x186: {  	v3 =	vadd.f32 v14, v47;
	v4 =	vadd.f32 v15, v46;
	v14 =	vld [tilespmem:s25+$0x16400]  }
0x187: {  	s0 =	sand.u32 $0x7, s0;
	v49 =	vld [tilespmem:s25+$0xF380];
	v15 =	vsub.f32 v24, v59;
	v60 =	vsub.f32 v23, v57  }
0x188: {  	s0 =	sshll.u32 s0, $0x4;
	v48 =	vld [tilespmem:s25+$0x16280];
	v61 =	vsub.f32 v20, v8;
	v62 =	vsub.f32 v22, v58  }
0x189: {  	s0 =	sadd.s32 $0x0, s0;
	v44 =	vld [tilespmem:s25+$0xF300];
	v63 =	vsub.f32 v17, v40;
	v15 =	vmul.f32 v15, v59;
	v45 =	vmul.f32 v60, v57  }
0x18a: {  	s0 =	sor.u32 $0x380, s0;
	v34 =	vmul.f32 v62, v58;
	v57 =	vsub.f32 v26, v6;
	v8 =	vmul.f32 v61, v8  }
0x18b: {  	v56 =	vld [tilespmem:s0+$0xF180];
	v58 =	vsub.f32 v27, v14;
	v52 =	vmul.f32 $1.442695020e+00, v45;
	v15 =	vmul.f32 $1.442695020e+00, v15  }
0x18c: {  	v61 =	vsub.f32 v19, v49;
	v6 =	vmul.f32 v57, v6;
	v53 =	vmul.f32 $1.442695020e+00, v8  }
0x18d: {  	v60 =	vld [tilespmem:s25+$0xF400];
	v8 =	vsub.f32 v25, v48;
	v14 =	vmul.f32 v58, v14;
	v46 =	vmul.f32 $1.442695020e+00, v34  }
0x18e: {  	v59 =	vsub.f32 v18, v44;
	v34 =	vmul.f32 v61, v49;
	(erf) = vpow2.f32 v15  }
0x18f: {  	v62 =	vld [tilespmem:s25+$0xF180];
	v45 =	vadd.f32 v12, v42;
	v15 =	vmul.f32 v63, v40;
	v48 =	vmul.f32 v8, v48  }
0x190: {  	s26 =	simm.s32 $0x10;
	s29 =	simm.s32 $0x80;
	v12 =	vld [tilespmem:s25+$0x16500];
	v63 =	vsub.f32 v21, v56;
	v8 =	vmul.f32 v59, v44;
	v6 =	vmul.f32 $1.442695020e+00, v6  }
0x191: {  	s2 =	sand.u32 $0x7C00, s29;
	v35 =	vadd.f32 v11, v35;
	v55 =	vld [tilespmem:s25+$0xF200];
	s0 =	sand.u32 $0x70, s26;
	v34 =	vmul.f32 $1.442695020e+00, v34;
	v14 =	vmul.f32 $1.442695020e+00, v14  }
0x192: {  	v57 =	vld [tilespmem:s25+$0x16380];
	s25 =	sor.u32 s0, s2;
	v54 =	vsub.f32 v28, v60;
	v40 =	vmul.f32 v63, v56;
	v49 =	vmul.f32 $1.442695020e+00, v8  }
0x193: {  	v11 =	vld [tilespmem:s25+$0x16200];
	(erf) = vpow2.f32 v6;
	v8 =	vadd.f32 v13, v43;
	v15 =	vmul.f32 $1.442695020e+00, v15  }
0x194: {  	v13 =	vsub.f32 v29, v62;
	v6 =	vmul.f32 v54, v60;
	(erf) = vpow2.f32 v52  }
0x195: {  	v44 =	vld [tilespmem:s25+$0xF180];
	v56 =	vsub.f32 v31, v12;
	v40 =	vmul.f32 $1.442695020e+00, v40;
	(erf) = vpow2.f32 v34  }
0x196: {  	v16 =	vadd.f32 v16, v41;
	v13 =	vmul.f32 v13, v62;
	(erf) = vpow2.f32 v49  }
0x197: {  	v34 =	vadd.f32 v10, v0;
	v6 =	vmul.f32 $1.442695020e+00, v6;
	v0 =	vmul.f32 v56, v12  }
0x198: {  	v41 =	vld [tilespmem:s25+$0x16400];
	v62 =	vsub.f32 v23, v11;
	(erf) = vpow2.f32 v15;
	v12 =	vmul.f32 $1.442695020e+00, v13  }
0x199: {  	v33 =	vadd.f32 v50, v33;
	v13 =	vmul.f32 $1.442695020e+00, v48;
	v48 =	vld [tilespmem:s25+$0xF280];
	(erf) = vpow2.f32 v6  }
0x19a: {  	v52 =	vsub.f32 v29, v44;
	v11 =	vmul.f32 v62, v11;
	(erf) = vpow2.f32 v40  }
0x19b: {  	v15 =	vsub.f32 v32, v57;
	v6 =	vld [tilespmem:s25+$0xF480];
	v0 =	vmul.f32 $1.442695020e+00, v0;
	v10 =	vpop (erf);
	(erf) = vpow2.f32 v12  }
0x19c: {  	s31 =	simm.s32 $0x1;
	v36 =	vadd.f32 v10, v9;
	v10 =	vsub.f32 v30, v55;
	(erf) = vpow2.f32 v53  }
0x19d: {  	s0 =	sand.u32 $0x7, s31;
	v9 =	vld [tilespmem:s25+$0x16480];
	v53 =	vsub.f32 v27, v41;
	v58 =	vpop (erf);
	(erf) = vpow2.f32 v0;
	v0 =	vmul.f32 v15, v57  }
0x19e: {  	s0 =	sshll.u32 s0, $0x4;
	v12 =	vld [tilespmem:s25+$0x16180];
	v51 =	vsub.f32 v17, v48;
	v57 =	vmul.f32 $1.442695020e+00, v11;
	v59 =	vpop (erf);
	(erf) = vpow2.f32 v13  }
0x19f: {  	v47 =	vld [tilespmem:s25+$0x16300];
	s0 =	sadd.s32 $0x80, s0;
	v10 =	vmul.f32 v10, v55;
	v37 =	vadd.f32 v58, v37;
	v15 =	vpop (erf);
	(erf) = vpow2.f32 v14  }
0x1a0: {  	s0 =	sor.u32 $0x380, s0;
	v49 =	vld [tilespmem:s25+$0x16280];
	v13 =	vsub.f32 v20, v6;
	v0 =	vmul.f32 $1.442695020e+00, v0;
	v11 =	vmul.f32 v51, v48  }
0x1a1: {  	v55 =	vld [tilespmem:s0+$0xF180];
	v39 =	vadd.f32 v15, v39;
	v15 =	vpop (erf);
	v10 =	vmul.f32 $1.442695020e+00, v10;
	(erf) = vpow2.f32 v46  }
0x1a2: {  	v14 =	vld [tilespmem:s25+$0xF380];
	v6 =	vmul.f32 v13, v6;
	v60 =	vsub.f32 v24, v9;
	v40 =	vadd.f32 v15, v7;
	v61 =	vpop (erf)  }
0x1a3: {  	v15 =	vld [tilespmem:s25+$0xF300];
	v7 =	vsub.f32 v22, v12;
	(erf) = vpow2.f32 v0;
	v63 =	vpop (erf);
	v43 =	vadd.f32 v61, v5  }
0x1a4: {  	v5 =	vmul.f32 $1.442695020e+00, v6;
	v9 =	vmul.f32 v60, v9;
	v54 =	vpop (erf);
	v60 =	vsub.f32 v26, v47  }
0x1a5: {  	v38 =	vadd.f32 v59, v38;
	v6 =	vmul.f32 v53, v41;
	v12 =	vmul.f32 v7, v12;
	v0 =	vpop (erf)  }
0x1a6: {  	(erf) = vpow2.f32 v10;
	v10 =	vsub.f32 v25, v49;
	v42 =	vpop (erf);
	v46 =	vmul.f32 v60, v47;
	v60 =	vld [tilespmem:s25+$0xF400]  }
0x1a7: {  	v62 =	vsub.f32 v21, v55;
	v56 =	vsub.f32 v19, v14;
	v9 =	vmul.f32 $1.442695020e+00, v9;
	v58 =	vpop (erf)  }
0x1a8: {  	v7 =	vld [tilespmem:s25+$0x16500];
	v47 =	vadd.f32 v63, v1;
	v1 =	vmul.f32 $1.442695020e+00, v12;
	v13 =	vsub.f32 v18, v15;
	v59 =	vpop (erf)  }
0x1a9: {  	v51 =	vadd.f32 v54, v2;
	(erf) = vpow2.f32 v9;
	v9 =	vmul.f32 v10, v49;
	v61 =	vpop (erf)  }
0x1aa: {  	v13 =	vmul.f32 v13, v15;
	v15 =	vmul.f32 $1.442695020e+00, v46;
	v12 =	vpop (erf);
	v50 =	vadd.f32 v61, v3  }
0x1ab: {  	v48 =	vadd.f32 v12, v4;
	v4 =	vmul.f32 v56, v14;
	v3 =	vsub.f32 v28, v60  }
0x1ac: {  	v49 =	vadd.f32 v58, v45;
	v14 =	vmul.f32 v62, v55;
	v12 =	vmul.f32 $1.442695020e+00, v13  }
0x1ad: {  	v10 =	vsub.f32 v31, v7;
	(erf) = vpow2.f32 v15;
	v63 =	vmul.f32 $1.442695020e+00, v4  }
0x1ae: {  	v46 =	vadd.f32 v59, v8;
	v2 =	vpop (erf);
	(erf) = vpow2.f32 v57;
	v13 =	vmul.f32 v3, v60  }
0x1af: {  	s30 =	simm.s32 $0x20;
	s28 =	simm.s32 $0x2;
	s26 =	simm.s32 $0x100;
	v41 =	vadd.f32 v2, v16;
	v2 =	vld [tilespmem:s25+$0xF200];
	v4 =	vmul.f32 $1.442695020e+00, v14;
	v3 =	vpop (erf);
	(erf) = vpow2.f32 v63  }
.LBB2_8:
0x1b0: {  	s0 =	sand.u32 $0x7, s28  }
0x1b1: {  	s2 =	sand.u32 $0x70, s30;
	s31 =	sand.u32 $0x7C00, s26;
	v8 =	vmul.f32 $1.442695020e+00, v11;
	(erf) = vpow2.f32 v12;
	v33 =	vadd.f32 v3, v33;
	s29 =	smov.u32 s30  }
0x1b2: {  	v3 =	vmul.f32 v52, v44;
	v11 =	vmul.f32 $1.442695020e+00, v13;
	v34 =	vadd.f32 v0, v34;
	s0 =	sshll.u32 s0, $0x4;
	s29 =	sadd.s32 $0x10, s30;
	v12 =	vld [tilespmem:s25+$0x16380];
	s25 =	sor.u32 s2, s31;
	v13 =	vpop (erf)  }
0x1b3: {  	p2 =	sne.s32 s30, $0xDF0;
	v7 =	vmul.f32 v10, v7;
	v35 =	vadd.f32 v42, v35;
	s0 =	sadd.s32 s0, s26;
	v0 =	vld [tilespmem:s25+$0x16200];
	(erf) = vpow2.f32 v8  }
0x1b4: {  	v3 =	vmul.f32 $1.442695020e+00, v3;
	v36 =	vadd.f32 v13, v36;
	s0 =	sor.u32 $0x380, s0;
	v8 =	vld [tilespmem:s25+$0x16180];
	(erf) = vpow2.f32 v11  }
0x1b5: {  	v7 =	vmul.f32 $1.442695020e+00, v7;
	v10 =	vld [tilespmem:s25+$0xF480];
	(erf) = vpow2.f32 v4  }
0x1b6: {  	v9 =	vmul.f32 $1.442695020e+00, v9;
	v11 =	vsub.f32 v30, v2;
	v4 =	vld [tilespmem:s25+$0x16480];
	(erf) = vpow2.f32 v3  }
0x1b7: {  	v6 =	vmul.f32 $1.442695020e+00, v6;
	v3 =	vld [tilespmem:s25+$0xF380];
	v13 =	vsub.f32 v32, v12;
	(erf) = vpow2.f32 v5;
	v5 =	vpop (erf)  }
0x1b8: {  	v11 =	vmul.f32 v11, v2;
	v14 =	vld [tilespmem:s25+$0xF280];
	v37 =	vadd.f32 v5, v37;
	v2 =	vpop (erf);
	(erf) = vpow2.f32 v7  }
0x1b9: {  	v15 =	vld [tilespmem:s25+$0x16400];
	v38 =	vadd.f32 v2, v38;
	v5 =	vmul.f32 v13, v12;
	v2 =	vpop (erf);
	(erf) = vpow2.f32 v9  }
0x1ba: {  	v7 =	vsub.f32 v20, v10;
	v9 =	vld [tilespmem:s25+$0x16300];
	v39 =	vadd.f32 v2, v39;
	v12 =	vpop (erf);
	(erf) = vpow2.f32 v6  }
0x1bb: {  	v2 =	vld [tilespmem:s25+$0xF200];
	v42 =	vsub.f32 v24, v4;
	v40 =	vadd.f32 v12, v40;
	v5 =	vmul.f32 $1.442695020e+00, v5  }
0x1bc: {  	v11 =	vmul.f32 $1.442695020e+00, v11;
	v13 =	vsub.f32 v22, v8;
	v12 =	vld [tilespmem:s25+$0xF300];
	v16 =	vpop (erf);
	(erf) = vpow2.f32 v1  }
0x1bd: {  	v1 =	vsub.f32 v23, v0;
	v45 =	vld [tilespmem:s25+$0x16280];
	v4 =	vmul.f32 v42, v4;
	v6 =	vpop (erf);
	(erf) = vpow2.f32 v5  }
0x1be: {  	v8 =	vmul.f32 v13, v8;
	v53 =	vsub.f32 v17, v14;
	v44 =	vld [tilespmem:s25+$0xF180];
	v13 =	vsub.f32 v27, v15;
	v54 =	vpop (erf)  }
0x1bf: {  	v1 =	vmul.f32 v1, v0;
	v55 =	vld [tilespmem:s0+$0xF180];
	v5 =	vsub.f32 v26, v9;
	v0 =	vpop (erf);
	(erf) = vpow2.f32 v11  }
0x1c0: {  	v56 =	vsub.f32 v19, v3;
	v10 =	vmul.f32 v7, v10;
	v43 =	vadd.f32 v16, v43;
	v7 =	vld [tilespmem:s25+$0x16500];
	v42 =	vpop (erf)  }
0x1c1: {  	v4 =	vmul.f32 $1.442695020e+00, v4;
	v57 =	vmul.f32 $1.442695020e+00, v1;
	v16 =	vsub.f32 v18, v12;
	v58 =	vpop (erf)  }
0x1c2: {  	v47 =	vadd.f32 v6, v47;
	v60 =	vmul.f32 v5, v9;
	v59 =	vsub.f32 v25, v45;
	v61 =	vpop (erf)  }
0x1c3: {  	v6 =	vmul.f32 v13, v15;
	v5 =	vmul.f32 $1.442695020e+00, v10;
	v52 =	vsub.f32 v29, v44;
	v62 =	vld [tilespmem:s25+$0xF400];
	v13 =	vpop (erf)  }
0x1c4: {  	v1 =	vmul.f32 $1.442695020e+00, v8;
	v15 =	vsub.f32 v21, v55;
	(erf) = vpow2.f32 v4  }
0x1c5: {  	v11 =	vmul.f32 v53, v14;
	v9 =	vmul.f32 v59, v45;
	v10 =	vsub.f32 v31, v7;
	v4 =	vpop (erf)  }
0x1c6: {  	v8 =	vmul.f32 v16, v12;
	v14 =	vmul.f32 $1.442695020e+00, v60;
	v48 =	vadd.f32 v4, v48;
	v4 =	vpop (erf)  }
.Ltmp3:
0x1c7: {  	v16 =	vmul.f32 v56, v3;
	v50 =	vadd.f32 v13, v50;
	v15 =	vmul.f32 v15, v55;
	(pc) =	sbr.rel @p2 .LBB2_8-.Ltmp3, $4  }
0x1c8: {  	v51 =	vadd.f32 v54, v51;
	v12 =	vmul.f32 $1.442695020e+00, v8;
	v8 =	vsub.f32 v28, v62;
	v3 =	vpop (erf)  }
0x1c9: {  	v49 =	vadd.f32 v58, v49;
	v16 =	vmul.f32 $1.442695020e+00, v16;
	(erf) = vpow2.f32 v14  }
0x1ca: {  	v41 =	vadd.f32 v4, v41;
	v13 =	vmul.f32 v8, v62;
	(erf) = vpow2.f32 v57  }
0x1cb: {  	s28 =	sadd.s32 $0x1, s28;
	s26 =	sadd.s32 $0x80, s26;
	s30 =	smov.u32 s29;
	v46 =	vadd.f32 v61, v46;
	v4 =	vmul.f32 $1.442695020e+00, v15;
	(erf) = vpow2.f32 v16  }
0x1cc: {  	v8 =	vmul.f32 $1.442695020e+00, v11;
	(erf) = vpow2.f32 v12;
	v11 =	vld [tilespmem:s25+$0x16380]  }
0x1cd: {  	v12 =	vmul.f32 v52, v44;
	v13 =	vmul.f32 $1.442695020e+00, v13  }
0x1ce: {  	(erf) = vpow2.f32 v8  }
0x1cf: {  	v8 =	vmul.f32 $1.442695020e+00, v12;
	(erf) = vpow2.f32 v13  }
0x1d0: {  	v7 =	vmul.f32 v10, v7;
	(erf) = vpow2.f32 v4  }
0x1d1: {  	(erf) = vpow2.f32 v8;
	v8 =	vsub.f32 v32, v11  }
0x1d2: {  	v7 =	vmul.f32 $1.442695020e+00, v7;
	v4 =	vmul.f32 $1.442695020e+00, v9  }
0x1d3: {  	v10 =	vsub.f32 v30, v2;
	v6 =	vmul.f32 $1.442695020e+00, v6;
	v9 =	vpop (erf);
	(erf) = vpow2.f32 v5  }
0x1d4: {  	v5 =	vpop (erf);
	(erf) = vpow2.f32 v7;
	v7 =	vmul.f32 v8, v11  }
0x1d5: {  	v2 =	vmul.f32 v10, v2;
	v8 =	vpop (erf);
	(erf) = vpow2.f32 v4  }
0x1d6: {  	v4 =	vpop (erf);
	(erf) = vpow2.f32 v6;
	v6 =	vmul.f32 $1.442695020e+00, v7  }
0x1d7: {  	v2 =	vmul.f32 $1.442695020e+00, v2  }
0x1d8: {  	v7 =	vpop (erf);
	(erf) = vpow2.f32 v1  }
0x1d9: {  	v1 =	vpop (erf);
	(erf) = vpow2.f32 v6  }
0x1da: {  	v6 =	vpop (erf);
	(erf) = vpow2.f32 v2  }
0x1db: {  	v2 =	vpop (erf)  }
0x1dc: {  	v10 =	vpop (erf)  }
0x1dd: {  	v11 =	vpop (erf)  }
0x1de: {  	v12 =	vpop (erf)  }
0x1df: {  	v13 =	vpop (erf)  }
0x1e0: {  	v14 =	vpop (erf)  }
0x1e1: {  	v15 =	vpop (erf)  }
0x1e2: {  	v16 =	vpop (erf)  }
0x1e3: {  	v62 =	vpop (erf)  }
0x1e4: {  	s0 =	simm.s32 $0x0;
	_ =	swait.ge [sflag:s14], $0xE000  }
0x1e5: {  	s2 =	sand.u32 $0x70, s0;
	s31 =	sand.u32 $0x7C00, s0;
	v9 =	vadd.f32 v9, v36;
	[sflag:s14] =	ssyncset.done $0x0  }
0x1e6: {  	s25 =	sor.u32 s2, s31;
	v5 =	vadd.f32 v5, v37;
	[sflag:s14] =	ssyncadd.s32 $0xFFFF2000  }
0x1e7: {  	v6 =	vadd.f32 v6, v47;
	[tilespmem:$0x1FE10] =	vst v9;
	v53 =	vld [tilespmem:s25+$0x8200]  }
0x1e8: {  	v4 =	vadd.f32 v4, v39;
	[tilespmem:$0x1FE20] =	vst v5;
	v55 =	vld [tilespmem:s25+$0x8180]  }
0x1e9: {  	[tilespmem:$0x1FE70] =	vst v6;
	v6 =	vadd.f32 v15, v48;
	v5 =	vld [tilespmem:s25+$0x8480]  }
0x1ea: {  	v3 =	vadd.f32 v3, v33;
	v2 =	vadd.f32 v2, v51;
	[tilespmem:$0x1FE40] =	vst v4;
	v4 =	vld [tilespmem:s25+$0x1480]  }
0x1eb: {  	v0 =	vadd.f32 v0, v34;
	v8 =	vadd.f32 v8, v38;
	[tilespmem:$0x1FE80] =	vst v6;
	v6 =	vld [tilespmem:s25+$0x8300]  }
0x1ec: {  	v54 =	vadd.f32 v42, v35;
	v7 =	vadd.f32 v7, v40;
	[tilespmem:$0x1FEA0] =	vst v2;
	v2 =	vld [tilespmem:s25+$0x8400]  }
0x1ed: {  	s0 =	sand.u32 $0x7, s0;
	v1 =	vadd.f32 v1, v43;
	v12 =	vadd.f32 v12, v49;
	[tilespmem:$0x1FE30] =	vst v8;
	v63 =	vld [tilespmem:s25+$0x1300]  }
0x1ee: {  	s0 =	sshll.u32 s0, $0x4;
	v13 =	vadd.f32 v13, v46;
	[tilespmem:$0x1FE50] =	vst v7;
	v7 =	vadd.f32 v14, v50  }
0x1ef: {  	s0 =	sadd.s32 $0x0, s0;
	[tilespmem:$0x1FE60] =	vst v1;
	v14 =	vld [tilespmem:s25+$0x8280];
	v8 =	vsub.f32 v24, v5;
	v9 =	vsub.f32 v23, v53  }
0x1f0: {  	s0 =	sor.u32 $0x380, s0;
	[tilespmem:$0x1FEB0] =	vst v12;
	v1 =	vld [tilespmem:s25+$0x1280];
	v12 =	vsub.f32 v22, v55;
	v15 =	vsub.f32 v20, v4  }
0x1f1: {  	v33 =	vld [tilespmem:s0+$0x1180];
	v34 =	vsub.f32 v26, v6;
	v35 =	vsub.f32 v27, v2;
	v5 =	vmul.f32 v8, v5  }
0x1f2: {  	[tilespmem:$0x1FE90] =	vst v7;
	v7 =	vld [tilespmem:s25+$0x1380];
	v38 =	vsub.f32 v18, v63;
	v8 =	vmul.f32 v9, v53;
	v12 =	vmul.f32 v12, v55  }
0x1f3: {  	v4 =	vmul.f32 v15, v4;
	v6 =	vmul.f32 v34, v6  }
0x1f4: {  	[tilespmem:$0x1FED0] =	vst v13;
	v36 =	vsub.f32 v25, v14;
	v2 =	vmul.f32 v35, v2;
	v13 =	vmul.f32 v38, v63  }
0x1f5: {  	v9 =	vsub.f32 v17, v1;
	v8 =	vmul.f32 $1.442695020e+00, v8;
	v5 =	vmul.f32 $1.442695020e+00, v5  }
0x1f6: {  	v37 =	vld [tilespmem:s25+$0x1400];
	v39 =	vsub.f32 v21, v33;
	v4 =	vmul.f32 $1.442695020e+00, v4;
	v12 =	vmul.f32 $1.442695020e+00, v12  }
0x1f7: {  	v15 =	vsub.f32 v19, v7;
	v1 =	vmul.f32 v9, v1;
	(erf) = vpow2.f32 v5;
	v5 =	vld [tilespmem:s25+$0x1180]  }
0x1f8: {  	v9 =	vmul.f32 v36, v14;
	v14 =	vadd.f32 v16, v41;
	v6 =	vmul.f32 $1.442695020e+00, v6  }
0x1f9: {  	v7 =	vmul.f32 v15, v7;
	v15 =	vmul.f32 v39, v33  }
0x1fa: {  	v47 =	vadd.f32 v62, v3;
	v3 =	vmul.f32 $1.442695020e+00, v13;
	v2 =	vmul.f32 $1.442695020e+00, v2;
	[tilespmem:$0x1FEC0] =	vst v14;
	v14 =	vld [tilespmem:s25+$0x8500]  }
0x1fb: {  	v16 =	vsub.f32 v28, v37;
	v7 =	vmul.f32 $1.442695020e+00, v7;
	(erf) = vpow2.f32 v6  }
0x1fc: {  	v15 =	vmul.f32 $1.442695020e+00, v15;
	(erf) = vpow2.f32 v8;
	v6 =	vsub.f32 v29, v5  }
0x1fd: {  	s26 =	simm.s32 $0x10;
	s29 =	simm.s32 $0x80;
	v48 =	vadd.f32 v10, v0;
	v8 =	vmul.f32 v16, v37;
	(erf) = vpow2.f32 v7;
	v7 =	vld [tilespmem:s25+$0x1200]  }
0x1fe: {  	s2 =	sand.u32 $0x7C00, s29;
	s0 =	sand.u32 $0x70, s26;
	v0 =	vmul.f32 $1.442695020e+00, v1;
	v1 =	vmul.f32 v6, v5;
	v5 =	vadd.f32 v11, v54  }
0x1ff: {  	v9 =	vmul.f32 $1.442695020e+00, v9;
	(erf) = vpow2.f32 v3;
	v3 =	vld [tilespmem:s25+$0x8380];
	s25 =	sor.u32 s0, s2;
	v13 =	vsub.f32 v31, v14  }
0x200: {  	(erf) = vpow2.f32 v0;
	v16 =	vld [tilespmem:s25+$0x8280];
	[tilespmem:$0x1FEE0] =	vst v5;
	v5 =	vmul.f32 $1.442695020e+00, v8  }
0x201: {  	v50 =	vimm.f32 $0.0e+00;
	v6 =	vmul.f32 v13, v14;
	v8 =	vpop (erf);
	v0 =	vmul.f32 $1.442695020e+00, v1  }
0x202: {  	v14 =	vld [tilespmem:s25+$0x1380];
	v49 =	vadd.f32 v8, v50;
	v8 =	vsub.f32 v30, v7;
	(erf) = vpow2.f32 v5  }
0x203: {  	v5 =	vmul.f32 $1.442695020e+00, v6;
	v6 =	vld [tilespmem:s25+$0x8480];
	(erf) = vpow2.f32 v15  }
0x204: {  	v10 =	vld [tilespmem:s25+$0x8200];
	v7 =	vmul.f32 v8, v7;
	(erf) = vpow2.f32 v0  }
0x205: {  	v11 =	vld [tilespmem:s25+$0x8180];
	v13 =	vpop (erf);
	v42 =	vsub.f32 v25, v16;
	v0 =	vsub.f32 v32, v3;
	(erf) = vpow2.f32 v4  }
0x206: {  	v1 =	vld [tilespmem:s25+$0x1480];
	v51 =	vadd.f32 v13, v50;
	v8 =	vpop (erf);
	v7 =	vmul.f32 $1.442695020e+00, v7;
	(erf) = vpow2.f32 v5  }
0x207: {  	v13 =	vld [tilespmem:s25+$0x8400];
	v60 =	vsub.f32 v19, v14;
	v0 =	vmul.f32 v0, v3;
	v3 =	vpop (erf);
	(erf) = vpow2.f32 v9  }
0x208: {  	s31 =	simm.s32 $0x1;
	v15 =	vld [tilespmem:s25+$0x1300];
	v54 =	vadd.f32 v3, v50;
	v3 =	vpop (erf);
	(erf) = vpow2.f32 v2;
	v2 =	vsub.f32 v24, v6  }
0x209: {  	s0 =	sand.u32 $0x7, s31;
	v4 =	vld [tilespmem:s25+$0x1280];
	v14 =	vmul.f32 v60, v14;
	v52 =	vadd.f32 v8, v50;
	v55 =	vadd.f32 v3, v50  }
0x20a: {  	s0 =	sshll.u32 s0, $0x4;
	v9 =	vld [tilespmem:s25+$0x8300];
	v3 =	vsub.f32 v22, v11;
	(erf) = vpow2.f32 v12;
	v12 =	vsub.f32 v23, v10  }
0x20b: {  	s0 =	sadd.s32 $0x80, s0;
	v8 =	vsub.f32 v20, v1;
	v0 =	vmul.f32 $1.442695020e+00, v0;
	v6 =	vmul.f32 v2, v6  }
0x20c: {  	s0 =	sor.u32 $0x380, s0;
	v5 =	vld [tilespmem:s25+$0x1180];
	v41 =	vsub.f32 v27, v13;
	v3 =	vmul.f32 v3, v11;
	v10 =	vmul.f32 v12, v10;
	v2 =	vpop (erf)  }
0x20d: {  	v59 =	vld [tilespmem:s0+$0x1180];
	v61 =	vsub.f32 v18, v15;
	(erf) = vpow2.f32 v0;
	v62 =	vmul.f32 $1.442695020e+00, v6;
	v11 =	vpop (erf)  }
0x20e: {  	v0 =	vsub.f32 v17, v4;
	v6 =	vmul.f32 v41, v13;
	v3 =	vmul.f32 $1.442695020e+00, v3;
	v56 =	vpop (erf)  }
0x20f: {  	v12 =	vsub.f32 v26, v9;
	(erf) = vpow2.f32 v7;
	v7 =	vmul.f32 v8, v1;
	v8 =	vld [tilespmem:s25+$0x8500];
	v1 =	vpop (erf)  }
0x210: {  	v13 =	vmul.f32 v61, v15;
	v57 =	vadd.f32 v2, v50;
	v63 =	vmul.f32 $1.442695020e+00, v10;
	v2 =	vpop (erf)  }
0x211: {  	v45 =	vld [tilespmem:s25+$0x1400];
	v10 =	vsub.f32 v29, v5;
	v43 =	vmul.f32 v12, v9;
	v58 =	vadd.f32 v11, v50;
	v44 =	vpop (erf)  }
0x212: {  	v12 =	vmul.f32 v0, v4;
	v4 =	vsub.f32 v21, v59;
	v9 =	vmul.f32 v42, v16;
	v46 =	vpop (erf)  }
0x213: {  	v7 =	vmul.f32 $1.442695020e+00, v7;
	v60 =	vadd.f32 v56, v50;
	(erf) = vpow2.f32 v62;
	v0 =	vpop (erf)  }
0x214: {  	v16 =	vmul.f32 $1.442695020e+00, v43;
	v4 =	vmul.f32 v4, v59;
	v11 =	vsub.f32 v31, v8;
	v15 =	vpop (erf)  }
0x215: {  	v61 =	vadd.f32 v15, v50;
	v15 =	vmul.f32 $1.442695020e+00, v13;
	v13 =	vmul.f32 $1.442695020e+00, v14  }
0x216: {  	(erf) = vpow2.f32 v16;
	v59 =	vadd.f32 v0, v50;
	v0 =	vsub.f32 v28, v45  }
0x217: {  	v62 =	vadd.f32 v44, v50;
	(erf) = vpow2.f32 v63;
	v53 =	vadd.f32 v46, v50;
	v14 =	vpop (erf)  }
0x218: {  	v63 =	vimm.f32 $0.0e+00;
	v16 =	vmul.f32 v0, v45;
	v56 =	vadd.f32 v14, v50  }
0x219: {  	s30 =	simm.s32 $0x20;
	s28 =	simm.s32 $0x2;
	s26 =	simm.s32 $0x100;
	v14 =	vmul.f32 $1.442695020e+00, v4;
	v4 =	vld [tilespmem:s25+$0x1200];
	v0 =	vimm.f32 $0.0e+00;
	(erf) = vpow2.f32 v13;
	v13 =	vpop (erf)  }
.LBB2_10:
0x21a: {  	s0 =	sand.u32 $0x7, s28  }
0x21b: {  	s2 =	sand.u32 $0x70, s30;
	s31 =	sand.u32 $0x7C00, s26;
	v12 =	vmul.f32 $1.442695020e+00, v12;
	(erf) = vpow2.f32 v15;
	v50 =	vadd.f32 v13, v50;
	s29 =	smov.u32 s30  }
0x21c: {  	v5 =	vmul.f32 v10, v5;
	v10 =	vmul.f32 $1.442695020e+00, v16;
	v0 =	vadd.f32 v1, v0;
	s0 =	sshll.u32 s0, $0x4;
	s29 =	sadd.s32 $0x10, s30;
	v13 =	vld [tilespmem:s25+$0x8380];
	s25 =	sor.u32 s2, s31;
	v15 =	vpop (erf)  }
0x21d: {  	p2 =	sne.s32 s30, $0xDF0;
	v8 =	vmul.f32 v11, v8;
	v63 =	vadd.f32 v2, v63;
	s0 =	sadd.s32 s0, s26;
	v1 =	vld [tilespmem:s25+$0x8200];
	(erf) = vpow2.f32 v12  }
0x21e: {  	v5 =	vmul.f32 $1.442695020e+00, v5;
	v49 =	vadd.f32 v15, v49;
	s0 =	sor.u32 $0x380, s0;
	v2 =	vld [tilespmem:s25+$0x8180];
	(erf) = vpow2.f32 v10  }
0x21f: {  	v8 =	vmul.f32 $1.442695020e+00, v8;
	v10 =	vld [tilespmem:s25+$0x1480];
	(erf) = vpow2.f32 v14  }
0x220: {  	v9 =	vmul.f32 $1.442695020e+00, v9;
	v12 =	vsub.f32 v30, v4;
	v11 =	vld [tilespmem:s25+$0x8480];
	(erf) = vpow2.f32 v5  }
0x221: {  	v6 =	vmul.f32 $1.442695020e+00, v6;
	v14 =	vld [tilespmem:s25+$0x1380];
	v5 =	vsub.f32 v32, v13;
	(erf) = vpow2.f32 v7;
	v7 =	vpop (erf)  }
0x222: {  	v12 =	vmul.f32 v12, v4;
	v15 =	vld [tilespmem:s25+$0x1280];
	v51 =	vadd.f32 v7, v51;
	v4 =	vpop (erf);
	(erf) = vpow2.f32 v8  }
0x223: {  	v16 =	vld [tilespmem:s25+$0x8400];
	v52 =	vadd.f32 v4, v52;
	v5 =	vmul.f32 v5, v13;
	v4 =	vpop (erf);
	(erf) = vpow2.f32 v9  }
0x224: {  	v7 =	vsub.f32 v20, v10;
	v9 =	vld [tilespmem:s25+$0x8300];
	v54 =	vadd.f32 v4, v54;
	v8 =	vpop (erf);
	(erf) = vpow2.f32 v6  }
0x225: {  	v4 =	vld [tilespmem:s25+$0x1200];
	v6 =	vsub.f32 v24, v11;
	v55 =	vadd.f32 v8, v55;
	v5 =	vmul.f32 $1.442695020e+00, v5  }
0x226: {  	v12 =	vmul.f32 $1.442695020e+00, v12;
	v8 =	vsub.f32 v22, v2;
	v13 =	vld [tilespmem:s25+$0x1300];
	v33 =	vpop (erf);
	(erf) = vpow2.f32 v3  }
0x227: {  	v3 =	vsub.f32 v23, v1;
	v34 =	vld [tilespmem:s25+$0x8280];
	v6 =	vmul.f32 v6, v11;
	v11 =	vpop (erf);
	(erf) = vpow2.f32 v5  }
0x228: {  	v35 =	vsub.f32 v17, v15;
	v36 =	vmul.f32 v8, v2;
	v5 =	vld [tilespmem:s25+$0x1180];
	v37 =	vsub.f32 v27, v16;
	v38 =	vpop (erf)  }
0x229: {  	v3 =	vmul.f32 v3, v1;
	v39 =	vld [tilespmem:s0+$0x1180];
	v40 =	vsub.f32 v26, v9;
	v1 =	vpop (erf);
	(erf) = vpow2.f32 v12  }
0x22a: {  	v41 =	vsub.f32 v19, v14;
	v7 =	vmul.f32 v7, v10;
	v57 =	vadd.f32 v33, v57;
	v8 =	vld [tilespmem:s25+$0x8500];
	v2 =	vpop (erf)  }
0x22b: {  	v12 =	vmul.f32 $1.442695020e+00, v6;
	v42 =	vmul.f32 $1.442695020e+00, v3;
	v33 =	vsub.f32 v18, v13;
	v43 =	vpop (erf)  }
0x22c: {  	v58 =	vadd.f32 v11, v58;
	v40 =	vmul.f32 v40, v9;
	v44 =	vsub.f32 v25, v34;
	v45 =	vpop (erf)  }
0x22d: {  	v7 =	vmul.f32 $1.442695020e+00, v7;
	v6 =	vmul.f32 v37, v16;
	v10 =	vsub.f32 v29, v5;
	v46 =	vld [tilespmem:s25+$0x1400];
	v16 =	vpop (erf)  }
0x22e: {  	v3 =	vmul.f32 $1.442695020e+00, v36;
	v37 =	vsub.f32 v21, v39;
	(erf) = vpow2.f32 v12  }
0x22f: {  	v12 =	vmul.f32 v35, v15;
	v9 =	vmul.f32 v44, v34;
	v11 =	vsub.f32 v31, v8;
	v15 =	vpop (erf)  }
0x230: {  	v36 =	vmul.f32 v33, v13;
	v33 =	vmul.f32 $1.442695020e+00, v40;
	v61 =	vadd.f32 v15, v61;
	v34 =	vpop (erf)  }
.Ltmp4:
0x231: {  	v14 =	vmul.f32 v41, v14;
	v59 =	vadd.f32 v16, v59;
	v35 =	vmul.f32 v37, v39;
	(pc) =	sbr.rel @p2 .LBB2_10-.Ltmp4, $4  }
0x232: {  	v60 =	vadd.f32 v38, v60;
	v15 =	vmul.f32 $1.442695020e+00, v36;
	v16 =	vsub.f32 v28, v46;
	v13 =	vpop (erf)  }
0x233: {  	v62 =	vadd.f32 v43, v62;
	v36 =	vmul.f32 $1.442695020e+00, v14;
	(erf) = vpow2.f32 v33  }
0x234: {  	v56 =	vadd.f32 v34, v56;
	v16 =	vmul.f32 v16, v46;
	(erf) = vpow2.f32 v42  }
0x235: {  	s28 =	sadd.s32 $0x1, s28;
	s26 =	sadd.s32 $0x80, s26;
	s30 =	smov.u32 s29;
	v53 =	vadd.f32 v45, v53;
	v14 =	vmul.f32 $1.442695020e+00, v35;
	(erf) = vpow2.f32 v36  }
0x236: {  	(erf) = vpow2.f32 v15  }
0x237: {  	v12 =	vmul.f32 $1.442695020e+00, v12;
	v5 =	vmul.f32 v10, v5;
	v41 =	vld [tilespmem:s25+$0x8380]  }
0x238: {  	v40 =	vmul.f32 $1.442695020e+00, v16;
	v8 =	vmul.f32 v11, v8;
	v23 =	vld [tilespmem:$0x1FFD0]  }
0x239: {  	v44 =	vsub.f32 v30, v4;
	v45 =	vmul.f32 $1.442695020e+00, v9;
	v6 =	vmul.f32 $1.442695020e+00, v6;
	v28 =	vld [tilespmem:$0x1FEF0]  }
0x23a: {  	v29 =	vld [tilespmem:$0x1FF00];
	(erf) = vpow2.f32 v12;
	v5 =	vmul.f32 $1.442695020e+00, v5  }
0x23b: {  	v35 =	vld [tilespmem:$0x1FF10];
	v4 =	vmul.f32 v44, v4;
	(erf) = vpow2.f32 v40  }
0x23c: {  	v26 =	vadd.f32 v13, v50;
	v42 =	vmul.f32 $1.442695020e+00, v8;
	(erf) = vpow2.f32 v14  }
0x23d: {  	v1 =	vadd.f32 v1, v0;
	v4 =	vmul.f32 $1.442695020e+00, v4;
	(erf) = vpow2.f32 v5  }
0x23e: {  	v2 =	vadd.f32 v2, v63;
	v10 =	vmul.f32 v23, v23;
	v13 =	vmul.f32 v28, v28  }
0x23f: {  	v46 =	vpop (erf);
	v43 =	vsub.f32 v32, v41;
	v30 =	vmul.f32 v29, v29;
	(erf) = vpow2.f32 v7  }
0x240: {  	v21 =	vld [tilespmem:$0x1FFB0];
	v0 =	vadd.f32 v46, v49;
	v16 =	vmul.f32 v35, v35;
	(erf) = vpow2.f32 v42  }
0x241: {  	v18 =	vpop (erf);
	v7 =	vmul.f32 v43, v41;
	v10 =	vsub.f32 $0.0e+00, v10;
	v13 =	vsub.f32 $0.0e+00, v13  }
0x242: {  	v33 =	vsub.f32 $0.0e+00, v30;
	v8 =	vadd.f32 v18, v51;
	(erf) = vpow2.f32 v45  }
0x243: {  	v20 =	vpop (erf);
	v18 =	vld [tilespmem:$0x1FFA0];
	v16 =	vsub.f32 $0.0e+00, v16;
	(erf) = vpow2.f32 v6;
	v19 =	vmul.f32 $1.442695020e+00, v7  }
0x244: {  	v43 =	vld [tilespmem:$0x1FE50];
	v22 =	vpop (erf);
	v10 =	vmul.f32 $1.442695020e+00, v10;
	v13 =	vmul.f32 $1.442695020e+00, v13;
	v7 =	vadd.f32 v20, v52  }
0x245: {  	v40 =	vld [tilespmem:$0x1FE60];
	v24 =	vpop (erf);
	v9 =	vadd.f32 v22, v54;
	(erf) = vpow2.f32 v3;
	v3 =	vmul.f32 v21, v21  }
0x246: {  	v16 =	vmul.f32 $1.442695020e+00, v16;
	v6 =	vadd.f32 v24, v55;
	v21 =	vld [tilespmem:$0x1FF50];
	(erf) = vpow2.f32 v19  }
0x247: {  	v25 =	vpop (erf);
	v9 =	vpsel p0, $0x0, v9;
	v3 =	vsub.f32 $0.0e+00, v3;
	(erf) = vpow2.f32 v4  }
0x248: {  	v20 =	vld [tilespmem:$0x1FE70];
	v27 =	vpop (erf);
	v18 =	vmul.f32 v18, v18;
	v4 =	vadd.f32 v25, v57;
	v6 =	vpsel p0, $0x0, v6  }
0x249: {  	v14 =	vpop (erf);
	v12 =	vadd.f32 v27, v58;
	v6 =	vadd.f32 v6, v43;
	v3 =	vmul.f32 $1.442695020e+00, v3  }
0x24a: {  	v31 =	vpop (erf);
	v18 =	vsub.f32 $0.0e+00, v18;
	v14 =	vadd.f32 v14, v60;
	v4 =	vpsel p0, $0x0, v4  }
0x24b: {  	v63 =	vld [tilespmem:$0x1FFC0];
	v32 =	vpop (erf);
	v1 =	vadd.f32 v31, v1;
	v4 =	vadd.f32 v4, v40;
	v21 =	vmul.f32 v21, v21  }
0x24c: {  	v42 =	vld [tilespmem:$0x1FF20];
	v12 =	vpsel p0, $0x0, v12;
	(erf) = vpow2.f32 v3;
	v34 =	vpop (erf);
	v18 =	vmul.f32 $1.442695020e+00, v18  }
0x24d: {  	v45 =	vld [tilespmem:$0x1FF30];
	v12 =	vadd.f32 v12, v20;
	(erf) = vpow2.f32 v10;
	v17 =	vpop (erf);
	v10 =	vmul.f32 $1.442695020e+00, v33  }
0x24e: {  	v2 =	vadd.f32 v32, v2;
	v1 =	vpsel p0, $0x0, v1;
	(erf) = vpow2.f32 v13;
	v36 =	vpop (erf)  }
0x24f: {  	v49 =	vld [tilespmem:$0x1FF40];
	v15 =	vadd.f32 v34, v62;
	v52 =	vsub.f32 $0.0e+00, v21;
	(erf) = vpow2.f32 v10;
	v37 =	vpop (erf)  }
0x250: {  	v21 =	vmul.f32 v63, v63;
	v1 =	vadd.f32 v1, v48;
	v38 =	vpop (erf);
	(erf) = vpow2.f32 v16  }
0x251: {  	v62 =	vld [tilespmem:$0x1FF60];
	v13 =	vadd.f32 v36, v59;
	v19 =	vpop (erf);
	(erf) = vpow2.f32 v18;
	v18 =	vmul.f32 v42, v42  }
0x252: {  	v27 =	vsub.f32 $0.0e+00, v21;
	v11 =	vadd.f32 v19, v26;
	v19 =	vmul.f32 v45, v45  }
0x253: {  	v55 =	vld [tilespmem:$0x1FF70];
	v31 =	vpsel p0, $0x0, v14;
	v3 =	vadd.f32 v38, v56;
	v18 =	vsub.f32 $0.0e+00, v18  }
0x254: {  	v57 =	vld [tilespmem:$0x1FF80];
	v56 =	vmul.f32 $1.442695020e+00, v52;
	v48 =	vsub.f32 $0.0e+00, v19;
	v19 =	vmul.f32 v49, v49  }
0x255: {  	v59 =	vld [tilespmem:$0x1FFE0];
	v10 =	vadd.f32 v37, v61;
	v29 =	vmul.f32 $1.442695020e+00, v27;
	v39 =	vpop (erf);
	v18 =	vmul.f32 $1.442695020e+00, v18  }
0x256: {  	v61 =	vld [tilespmem:$0x1FF90];
	v20 =	vmul.f32 v62, v62;
	v1 =	vmul.f32 v1, v39;
	v41 =	vpop (erf);
	v19 =	vsub.f32 $0.0e+00, v19  }
0x257: {  	v11 =	vpsel p0, $0x0, v11;
	v16 =	vmul.f32 $1.442695020e+00, v48;
	v44 =	vpop (erf);
	(erf) = vpow2.f32 v18  }
0x258: {  	v25 =	vsub.f32 $0.0e+00, v20;
	v54 =	vmul.f32 $1.442695020e+00, v19;
	v19 =	vmul.f32 v55, v55  }
0x259: {  	v11 =	vadd.f32 v11, v47;
	(erf) = vpow2.f32 v16;
	v16 =	vmul.f32 v57, v57  }
0x25a: {  	v28 =	vmul.f32 $1.442695020e+00, v25;
	v58 =	vsub.f32 $0.0e+00, v19;
	v19 =	vmul.f32 v59, v59  }
0x25b: {  	v30 =	vld [tilespmem:$0x1FEE0];
	v11 =	vmul.f32 v11, v41;
	v60 =	vsub.f32 $0.0e+00, v16;
	v16 =	vmul.f32 v61, v61  }
0x25c: {  	v47 =	vld [tilespmem:$0x1FE40];
	(erf) = vpow2.f32 v54;
	v18 =	vmul.f32 $1.442695020e+00, v58;
	v19 =	vsub.f32 $0.0e+00, v19  }
0x25d: {  	(erf) = vpow2.f32 v56;
	v5 =	vmul.f32 $1.442695020e+00, v60;
	v16 =	vsub.f32 $0.0e+00, v16  }
0x25e: {  	v32 =	vld [tilespmem:$0x1FEA0];
	v17 =	vadd.f32 v17, v53;
	(erf) = vpow2.f32 v18;
	v24 =	vmul.f32 $1.442695020e+00, v19  }
0x25f: {  	v35 =	vld [tilespmem:$0x1FE80];
	v2 =	vpsel p0, $0x0, v2;
	v46 =	vpop (erf);
	v26 =	vmul.f32 $1.442695020e+00, v16;
	(erf) = vpow2.f32 v5  }
0x260: {  	v2 =	vadd.f32 v2, v30;
	v38 =	vld [tilespmem:$0x1FE30];
	v4 =	vmul.f32 v4, v44;
	[tilespmem:$0x1D180] =	vst v1;
	v50 =	vpop (erf);
	(erf) = vpow2.f32 v24  }
0x261: {  	v42 =	vld [tilespmem:$0x1FED0];
	v6 =	vmul.f32 v6, v46;
	[tilespmem:$0x1D200] =	vst v11;
	v9 =	vadd.f32 v9, v47;
	v51 =	vpop (erf);
	(erf) = vpow2.f32 v26  }
0x262: {  	v34 =	vpsel p0, $0x0, v10;
	v46 =	vld [tilespmem:$0x1FE20];
	[tilespmem:$0x1D280] =	vst v4;
	v12 =	vmul.f32 v12, v51;
	(erf) = vpow2.f32 v28  }
0x263: {  	v49 =	vld [tilespmem:$0x1FEC0];
	v1 =	vadd.f32 v31, v32;
	[tilespmem:$0x1D300] =	vst v6;
	v9 =	vmul.f32 v9, v50;
	v33 =	vpop (erf);
	(erf) = vpow2.f32 v29  }
0x264: {  	v53 =	vld [tilespmem:$0x1FE90];
	v37 =	vpsel p0, $0x0, v7;
	v4 =	vadd.f32 v34, v35;
	[tilespmem:$0x1D400] =	vst v12;
	v2 =	vmul.f32 v2, v33;
	v36 =	vpop (erf)  }
0x265: {  	v40 =	vpsel p0, $0x0, v17;
	v56 =	vld [tilespmem:$0x1FE10];
	[tilespmem:$0x1D380] =	vst v9;
	v5 =	vadd.f32 v37, v38;
	v1 =	vmul.f32 v1, v36;
	v39 =	vpop (erf)  }
0x266: {  	v44 =	vpsel p0, $0x0, v8;
	v60 =	vld [tilespmem:$0x1FEB0];
	[tilespmem:$0x1D480] =	vst v2;
	v41 =	vmul.f32 v4, v39;
	v4 =	vadd.f32 v40, v42;
	v43 =	vpop (erf)  }
0x267: {  	v3 =	vpsel p0, $0x0, v3;
	[tilespmem:$0x1D500] =	vst v1;
	v45 =	vmul.f32 v5, v43;
	v5 =	vadd.f32 v44, v46;
	v47 =	vpop (erf)  }
0x268: {  	v3 =	vadd.f32 v3, v49;
	v51 =	vpsel p0, $0x0, v13;
	[tilespmem:$0x1D580] =	vst v41;
	v48 =	vmul.f32 v4, v47;
	v50 =	vpop (erf)  }
0x269: {  	v0 =	vpsel p0, $0x0, v0;
	[tilespmem:$0x1D600] =	vst v45;
	v4 =	vadd.f32 v51, v53;
	v52 =	vmul.f32 v5, v50;
	v54 =	vpop (erf)  }
0x26a: {  	v58 =	vpsel p0, $0x0, v15;
	v0 =	vadd.f32 v0, v56;
	[tilespmem:$0x1D680] =	vst v48;
	v55 =	vmul.f32 v3, v54;
	v57 =	vpop (erf)  }
0x26b: {  	v3 =	vadd.f32 v58, v60;
	[tilespmem:$0x1D700] =	vst v52;
	v59 =	vmul.f32 v4, v57;
	v61 =	vpop (erf)  }
0x26c: {  	[tilespmem:$0x1D780] =	vst v55;
	v0 =	vmul.f32 v0, v61;
	v62 =	vpop (erf)  }
0x26d: {  	[tilespmem:$0x1D800] =	vst v59;
	v63 =	vmul.f32 v3, v62  }
0x26e: {  	[tilespmem:$0x1D880] =	vst v0  }
0x26f: {  	[tilespmem:$0x1D900] =	vst v63  }
0x270: {  	[hbm4b:s11+s4] =	stream.linear.scatter [tilespmem:s23], [sflag:$0x3], $0x800, $0x38;
	[tilespmem:$0x1D980] =	vst v63  }
0x271: {  	_ =	swait.ge [sflag:s13], $0x800  }
0x272: {  	s0 =	simm.s32 @!p1 $0x0;
	s24 =	sadd.s32 $0x1, s24;
	[sflag:s13] =	ssyncset.done $0x0  }
0x273: {  	s2 =	simm.s32 @!p1 $0x1080;
	p2 =	sne.s32 s24, s12;
	[sflag:s13] =	ssyncadd.s32 $0xFFFFF800  }
0x274: {  	[hbm4b:s5+s0] =	stream.linear.scatter @!p1 [tilespmem:s2], [sflag:$0x3], $0x100, $0x38;
	[tilespmem:$0x1D980] =	vst v63  }
.Ltmp5:
0x275: {  	_ = 	snop;
	(pc) =	sbr.rel @p2 .LBB2_1-.Ltmp5, $4  }
0x276: {  	s0 =	simm.s32 @!p1 $0x3  }
0x277: {  	_ =	swait.ge @!p1 [sflag:s0], $0x100  }
0x278: {  	[sflag:s0] =	ssyncset.done @!p1 $0x0  }
0x279: {  	[sflag:s0] =	ssyncadd.s32 @!p1 $0xFFFFFF00  }
0x27a: {  	_ =	sfence.sel $0x180000  }
0x27b: {  	[bflag:$0x0] =	sbarrier.arrive $0xFFFF  }
0x27c: {  	_ =	strace $0x90000047  }
0x27d: {  	s0 =	stileid.u32;
	[bflag:$0x2] =	sbarrier.arrive $0xFFFF  }
0x27e: {  	p0 =	sne.s32 s0, $0x0;
	s0 =	rddreg [dreg:$0x3]  }
0x27f: {  	s0 =	sadd.s32 @!p0 $0x100000, s0  }
0x280: {  	[sflag:s0] =	ssyncadd.tile.s32 @!p0 $0x1;
	_ =	shalt  }
.Lfunc_end2:
_tile_overlayer_lowered:
.L_overlay_start_2:
0x281: {  	(tag) =	ssettag $0x2  }
0x282: {  	s0 =	rddreg [dreg:$0x0];
	s2 =	stileid.u32  }
0x283: {  	s1 =	rddreg [dreg:$0x1];
	p0 =	sne.s32 s2, $0x0  }
0x284: {  	s3 =	rddreg [dreg:$0x2];
	[bflag:$0x3] =	sbarrier.arrive $0xFFFF;
	s2 =	simm.s32 @!p0 $0x1C03  }
0x285: {  	[timem:s3], [sflag:s2] =	dma.local @!p0 [hbm:s0], s1  }
0x286: {  	s0 =	simm.s32 @!p0 $0x3  }
0x287: {  	_ =	swait.ge @!p0 [sflag:s0], s1  }
0x288: {  	s1 =	ssub.s32 @!p0 $0x0, s1;
	[sflag:s0] =	ssyncset.done @!p0 $0x0  }
0x289: {  	[sflag:s0] =	ssyncadd.s32 @!p0 s1  }
0x28a: {  	[bflag:$0x3] =	sbarrier.arrive $0xFFFF  }
0x28b: {  	_ =	shalt  }

</sc_bundles>
